<compile_context>
chip_gen: v7x
topology: tpu7x:2x2x1
jax: 0.10.2.dev20260603
libtpu: 0.0.44.dev20260713+nightly
codegen_flags: <defaults>
</compile_context>

<pallas_src>
import jax
import jax.numpy as jnp
from jax import lax
from jax.experimental import pallas as pl
from jax.experimental.pallas import tpu as pltpu
from jax.experimental.pallas import tpu_sc as plsc

N = 10000
E = 320000
F = 128

NC = 2
NS = 16
FH = F // NC
E_PER = E // NS
CH = 80
NCH = E_PER // CH
NBUF = 5
ROWS_PER_TILE = N // NS


def _tc_pre_body(x_ref, w_ref, a12_ref, hb_ref, f12_ref):
    h = jnp.dot(x_ref[...], w_ref[...], preferred_element_type=jnp.float32)
    hb_ref[...] = h.astype(jnp.bfloat16)
    f12_ref[...] = lax.dot_general(
        a12_ref[...], h, (((1,), (1,)), ((), ())),
        preferred_element_type=jnp.float32)


_tc_pre = pl.pallas_call(
    _tc_pre_body,
    out_shape=[
        jax.ShapeDtypeStruct((N, F), jnp.bfloat16),
        jax.ShapeDtypeStruct((NC, N), jnp.float32),
    ],
)


def _sc_body(nz4_hbm, f12_hbm, hflat_hbm, zeros_hbm,
             ee_hbm, hp_hbm,
             src2_v, dst2_v, w2_v, shared,
             gsem_0, gsem_1, gsem_2, gsem_3, gsem_4,
             ssem_0, ssem_1, ssem_2):
    c = lax.axis_index("c")
    s = lax.axis_index("s")

    pltpu.sync_copy(nz4_hbm.at[0, s], src2_v)
    pltpu.sync_copy(nz4_hbm.at[1, s], dst2_v)

    pltpu.sync_copy(zeros_hbm.at[s],
                    shared.at[pl.ds(s * ROWS_PER_TILE, ROWS_PER_TILE)])

    def wphase(f1_v, f2_v):
        pltpu.sync_copy(f12_hbm.at[0], f1_v)
        pltpu.sync_copy(f12_hbm.at[1], f2_v)

        @plsc.parallel_loop(0, NCH, unroll=2)
        def wbody(ci):
            for k in range(CH // 16):
                si = src2_v[ci, pl.ds(k * 16, 16)]
                di = dst2_v[ci, pl.ds(k * 16, 16)]
                sc = (plsc.load_gather(f1_v, [si])
                      + plsc.load_gather(f2_v, [di]))
                lr = jnp.where(sc >= 0.0, sc, sc * 0.2)
                w2_v[ci, pl.ds(k * 16, 16)] = jnp.exp(-lr)
                dst2_v[ci, pl.ds(k * 16, 16)] = di * 2 + c

    pl.run_scoped(wphase, pltpu.VMEM((N,), jnp.float32),
                  pltpu.VMEM((N,), jnp.float32))

    @pl.when(c == 0)
    def _():
        pltpu.sync_copy(w2_v, ee_hbm.at[s])

    plsc.subcore_barrier()

    def scale(rbf, rf, ci):
        civ = jnp.full((16,), ci, jnp.int32)

        @plsc.parallel_loop(0, CH, unroll=8)
        def ebody(k):
            wv = plsc.load_gather(
                w2_v, [civ, jnp.full((16,), k, jnp.int32)])
            for j in range(FH // 32):
                raw = rbf[k, pl.ds(j * 32, 32)]
                u0, u1 = plsc.unpack(raw, format=plsc.PackFormat.INTERLEAVED)
                rf[k, pl.ds(j * 32, 16)] = u0 * wv
                rf[k, pl.ds(j * 32 + 16, 16)] = u1 * wv

    def mphase(bf_0, bf_1, bf_2, bf_3, bf_4, rf_0, rf_1, rf_2):
        rbfs = [bf_0, bf_1, bf_2, bf_3, bf_4]
        rfs = [rf_0, rf_1, rf_2]
        gsems = [gsem_0, gsem_1, gsem_2, gsem_3, gsem_4]
        ssems = [ssem_0, ssem_1, ssem_2]
        prev_dist = [2, 2, 5, 3, 3]

        for b in range(NBUF):
            pltpu.async_copy(hflat_hbm.at[dst2_v.at[b]], rbfs[b], gsems[b])

        def mbody(cio, _):
            ci0 = cio * NBUF
            for b in range(NBUF):
                ci = ci0 + b
                rf = rfs[b % 3]
                ssem = ssems[b % 3]
                pltpu.make_async_copy(hflat_hbm.at[dst2_v.at[ci]], rbfs[b],
                                      gsems[b]).wait()

                def _drain():
                    pltpu.make_async_copy(
                        rf, shared.at[src2_v.at[ci - prev_dist[b]]],
                        ssem).wait()

                if b < 3:
                    pl.when(cio > 0)(_drain)
                else:
                    _drain()

                scale(rbfs[b], rf, ci)
                pltpu.async_copy(rf, shared.at[src2_v.at[ci]], ssem,
                                 add=True)

                @pl.when(ci + NBUF < NCH)
                def _():
                    pltpu.async_copy(hflat_hbm.at[dst2_v.at[ci + NBUF]],
                                     rbfs[b], gsems[b])

            return 0

        lax.fori_loop(0, NCH // NBUF, mbody, 0)
        for rf, ssem, ci in ((rf_0, ssem_0, NCH - 2), (rf_1, ssem_1, NCH - 1),
                             (rf_2, ssem_2, NCH - 3)):
            pltpu.make_async_copy(rf, shared.at[src2_v.at[ci]], ssem).wait()

    pl.run_scoped(
        mphase,
        *([pltpu.VMEM((CH, FH), jnp.bfloat16)] * NBUF
          + [pltpu.VMEM((CH, FH), jnp.float32)] * 3))
    plsc.subcore_barrier()

    pltpu.sync_copy(shared.at[pl.ds(s * ROWS_PER_TILE, ROWS_PER_TILE)],
                    hp_hbm.at[pl.ds(s * ROWS_PER_TILE, ROWS_PER_TILE),
                              pl.ds(c * FH, FH)])


_sc_edge = pl.kernel(
    _sc_body,
    out_type=[
        jax.ShapeDtypeStruct((NS, NCH, CH), jnp.float32),
        jax.ShapeDtypeStruct((N, F), jnp.float32),
    ],
    mesh=plsc.VectorSubcoreMesh(core_axis_name="c", subcore_axis_name="s"),
    compiler_params=pltpu.CompilerParams(
        needs_layout_passes=False, use_tc_tiling_on_sc=False),
    scratch_types=[
        pltpu.VMEM((NCH, CH), jnp.int32),
        pltpu.VMEM((NCH, CH), jnp.int32),
        pltpu.VMEM((NCH, CH), jnp.float32),
    ]
    + [pltpu.VMEM_SHARED((N, FH), jnp.float32)]
    + [pltpu.SemaphoreType.DMA] * 8,
)


_PERM = [0] * F
for _c in range(NC):
    for _j in range(FH // 32):
        for _i in range(16):
            _PERM[_c * FH + 32 * _j + _i] = _c * FH + 32 * _j + 2 * _i
            _PERM[_c * FH + 32 * _j + 16 + _i] = _c * FH + 32 * _j + 2 * _i + 1


def _tc_post_body(p_ref, perm_ref, o_ref):
    x = jnp.dot(p_ref[...], perm_ref[...], preferred_element_type=jnp.float32)
    o_ref[...] = jnp.where(x > 0.0, x, jnp.exp(x) - 1.0)


_tc_post = pl.pallas_call(
    _tc_post_body,
    out_shape=jax.ShapeDtypeStruct((N, F), jnp.float32),
)


def kernel(non_zero, input, W, a):
    a12 = a.reshape(NC, F)
    hb, f12 = _tc_pre(input, W, a12)
    hflat = hb.reshape(NC * N, FH)
    nz4 = non_zero.reshape(NC, NS, NCH, CH)
    zeros = jnp.zeros((NS, ROWS_PER_TILE, FH), jnp.float32)
    ee, hp = _sc_edge(nz4, f12, hflat, zeros)
    perm_m = jax.nn.one_hot(jnp.array(_PERM, jnp.int32), F, dtype=jnp.float32)
    out = _tc_post(hp, perm_m)
    return out, ee.reshape(E)

# --- scband reference (transcript-rebuilt; emitter-appended) ---
"""Pipeline reference for scband-sp-graph-attention-layer-42434276884994 (READ-ONLY COPY).

The authoritative reference and input builder live on the scoring server;
editing this copy changes nothing except your own understanding.
"""

import jax, jax.numpy as jnp
import numpy as np

N = 10000
E = 320000
F_IN = 128
F_OUT = 128


def setup_inputs(seed: int = 0) -> dict:
    key = jax.random.key(seed)
    k1, k2, k3, k4 = jax.random.split(key, 4)
    non_zero = jax.random.randint(k1, (2, E), 0, N, dtype=jnp.int32)
    inp = jax.random.normal(k2, (N, F_IN), dtype=jnp.float32)
    # xavier_normal with gain=1.414
    W = jax.random.normal(k3, (F_IN, F_OUT), dtype=jnp.float32) * (1.414 * np.sqrt(2.0 / (F_IN + F_OUT)))
    a = jax.random.normal(k4, (1, 2 * F_OUT), dtype=jnp.float32) * (1.414 * np.sqrt(2.0 / (1 + 2 * F_OUT)))
    return {"non_zero": non_zero, "input": inp, "W": W, "a": a}


def _leaky_relu(x, slope=0.2):
    return jnp.where(x >= 0, x, slope * x)


def reference(non_zero, input, W, a):
    # forward of SpGraphAttentionLayer (eval mode: dropout = identity),
    # standard path (args.model != 'separate')
    Nn = input.shape[0]
    edge = non_zero
    h = input @ W  # (N, F_OUT)
    src = edge[0, :]
    dst = edge[1, :]
    # edge_h = cat(h[src], h[dst]) -> (E, 2F); scores = a @ edge_h^T squeezed
    edge_h = jnp.concatenate([h[src, :], h[dst, :]], axis=1)  # (E, 2F)
    scores = (edge_h @ a.T)[:, 0]  # (E,)
    edge_e = jnp.exp(-_leaky_relu(scores))
    # special_spmm: sparse_coo(edge, edge_e, [N,N]) @ h == segment_sum over src of edge_e * h[dst]
    contrib = edge_e[:, None] * h[dst, :]
    h_prime = jax.ops.segment_sum(contrib, src, num_segments=Nn)
    out = jax.nn.elu(h_prime)  # concat=True -> elu
    return (out, edge_e)

if __name__ == "__main__":
    import jax
    _d = setup_inputs()
    print(jax.jit(kernel)(*tuple(_d.values())))

</pallas_src>

<mosaic_0001>
#map = affine_map<(d0, d1) -> (0, 0, 0, 0)>
#map1 = affine_map<(d0, d1) -> (0, 0)>
#map2 = affine_map<(d0, d1) -> (0, 0, 0)>
module attributes {stable_mosaic.version = 14 : i64} {
  func.func @_sc_body(%arg0: i32, %arg1: i32, %arg2: memref<2x16x250x80xi32, #tpu.memory_space<hbm>>, %arg3: memref<2x10000xf32, #tpu.memory_space<hbm>>, %arg4: memref<20000x64xbf16, #tpu.memory_space<hbm>>, %arg5: memref<16x625x64xf32, #tpu.memory_space<hbm>>, %arg6: memref<16x250x80xf32, #tpu.memory_space<hbm>>, %arg7: memref<10000x128xf32, #tpu.memory_space<hbm>>, %arg8: memref<250x80xi32, #tpu.memory_space<vmem>>, %arg9: memref<250x80xi32, #tpu.memory_space<vmem>>, %arg10: memref<250x80xf32, #tpu.memory_space<vmem>>, %arg11: memref<10000x64xf32, #tpu.memory_space<vmem_shared>>, %arg12: memref<!tpu.dma_semaphore, #tpu.memory_space<semaphore_mem>>, %arg13: memref<!tpu.dma_semaphore, #tpu.memory_space<semaphore_mem>>, %arg14: memref<!tpu.dma_semaphore, #tpu.memory_space<semaphore_mem>>, %arg15: memref<!tpu.dma_semaphore, #tpu.memory_space<semaphore_mem>>, %arg16: memref<!tpu.dma_semaphore, #tpu.memory_space<semaphore_mem>>, %arg17: memref<!tpu.dma_semaphore, #tpu.memory_space<semaphore_mem>>, %arg18: memref<!tpu.dma_semaphore, #tpu.memory_space<semaphore_mem>>, %arg19: memref<!tpu.dma_semaphore, #tpu.memory_space<semaphore_mem>>) attributes {dimension_semantics = [#tpu.dimension_semantics<core_parallel>, #tpu.dimension_semantics<subcore_parallel>], iteration_bounds = array<i64: 2, 16>, scalar_prefetch = 0 : i64, scratch_operands = 12 : i64, tpu.core_type = #tpu.core_type<sc_vector_subcore>, window_params = [{transform_indices = #map}, {transform_indices = #map1}, {transform_indices = #map1}, {transform_indices = #map2}, {transform_indices = #map2}, {transform_indices = #map1}]} {
    %run_scoped3A = arith.constant 0 : i32
    "tpu.region"() ({
      %run_scoped3A_11 = tpu.sem_alloc : memref<!tpu.dma_semaphore, #tpu.memory_space<semaphore_mem>>
      %dma_start3A = arith.constant 0 : i32
      %dma_start3A_12 = arith.constant 0 : i32
      %dma_start3A_13 = tpu.memref_slice %arg2[%run_scoped3A, %arg1, %dma_start3A, %dma_start3A_12] : memref<2x16x250x80xi32, #tpu.memory_space<hbm>> -> memref<1x1x250x80xi32, #tpu.memory_space<hbm>>
      %dma_start3A_14 = tpu.memref_squeeze %dma_start3A_13 : memref<1x1x250x80xi32, #tpu.memory_space<hbm>> -> memref<250x80xi32, #tpu.memory_space<hbm>>
      %dma_start3A_15 = arith.constant 0 : i32
      %dma_start3A_16 = arith.constant 0 : i32
      %dma_start3A_17 = tpu.memref_slice %arg2[%run_scoped3A, %arg1, %dma_start3A_15, %dma_start3A_16] : memref<2x16x250x80xi32, #tpu.memory_space<hbm>> -> memref<1x1x250x80xi32, #tpu.memory_space<hbm>>
      %dma_start3A_18 = tpu.memref_squeeze %dma_start3A_17 : memref<1x1x250x80xi32, #tpu.memory_space<hbm>> -> memref<250x80xi32, #tpu.memory_space<hbm>>
      tpu.enqueue_dma source(%dma_start3A_18 : memref<250x80xi32, #tpu.memory_space<hbm>>) target(%arg8 : memref<250x80xi32, #tpu.memory_space<vmem>>) target_semaphore(%run_scoped3A_11 : memref<!tpu.dma_semaphore, #tpu.memory_space<semaphore_mem>>)
      %dma_wait3A = arith.constant 0 : i32
      %dma_wait3A_19 = arith.constant 0 : i32
      %dma_wait3A_20 = tpu.memref_slice %arg2[%run_scoped3A, %arg1, %dma_wait3A, %dma_wait3A_19] : memref<2x16x250x80xi32, #tpu.memory_space<hbm>> -> memref<1x1x250x80xi32, #tpu.memory_space<hbm>>
      %dma_wait3A_21 = tpu.memref_squeeze %dma_wait3A_20 : memref<1x1x250x80xi32, #tpu.memory_space<hbm>> -> memref<250x80xi32, #tpu.memory_space<hbm>>
      %dma_wait3A_22 = arith.constant 0 : i32
      %dma_wait3A_23 = arith.constant 0 : i32
      %dma_wait3A_24 = tpu.memref_slice %arg2[%run_scoped3A, %arg1, %dma_wait3A_22, %dma_wait3A_23] : memref<2x16x250x80xi32, #tpu.memory_space<hbm>> -> memref<1x1x250x80xi32, #tpu.memory_space<hbm>>
      %dma_wait3A_25 = tpu.memref_squeeze %dma_wait3A_24 : memref<1x1x250x80xi32, #tpu.memory_space<hbm>> -> memref<250x80xi32, #tpu.memory_space<hbm>>
      tpu.wait_dma2 semaphore(%run_scoped3A_11 : memref<!tpu.dma_semaphore, #tpu.memory_space<semaphore_mem>>) src(%dma_wait3A_25 : memref<250x80xi32, #tpu.memory_space<hbm>>) dst(%arg8 : memref<250x80xi32, #tpu.memory_space<vmem>>)
      tpu.yield
    }) : () -> ()
    %run_scoped3A_0 = arith.constant 1 : i32
    "tpu.region"() ({
      %run_scoped3A_11 = tpu.sem_alloc : memref<!tpu.dma_semaphore, #tpu.memory_space<semaphore_mem>>
      %dma_start3A = arith.constant 0 : i32
      %dma_start3A_12 = arith.constant 0 : i32
      %dma_start3A_13 = tpu.memref_slice %arg2[%run_scoped3A_0, %arg1, %dma_start3A, %dma_start3A_12] : memref<2x16x250x80xi32, #tpu.memory_space<hbm>> -> memref<1x1x250x80xi32, #tpu.memory_space<hbm>>
      %dma_start3A_14 = tpu.memref_squeeze %dma_start3A_13 : memref<1x1x250x80xi32, #tpu.memory_space<hbm>> -> memref<250x80xi32, #tpu.memory_space<hbm>>
      %dma_start3A_15 = arith.constant 0 : i32
      %dma_start3A_16 = arith.constant 0 : i32
      %dma_start3A_17 = tpu.memref_slice %arg2[%run_scoped3A_0, %arg1, %dma_start3A_15, %dma_start3A_16] : memref<2x16x250x80xi32, #tpu.memory_space<hbm>> -> memref<1x1x250x80xi32, #tpu.memory_space<hbm>>
      %dma_start3A_18 = tpu.memref_squeeze %dma_start3A_17 : memref<1x1x250x80xi32, #tpu.memory_space<hbm>> -> memref<250x80xi32, #tpu.memory_space<hbm>>
      tpu.enqueue_dma source(%dma_start3A_18 : memref<250x80xi32, #tpu.memory_space<hbm>>) target(%arg9 : memref<250x80xi32, #tpu.memory_space<vmem>>) target_semaphore(%run_scoped3A_11 : memref<!tpu.dma_semaphore, #tpu.memory_space<semaphore_mem>>)
      %dma_wait3A = arith.constant 0 : i32
      %dma_wait3A_19 = arith.constant 0 : i32
      %dma_wait3A_20 = tpu.memref_slice %arg2[%run_scoped3A_0, %arg1, %dma_wait3A, %dma_wait3A_19] : memref<2x16x250x80xi32, #tpu.memory_space<hbm>> -> memref<1x1x250x80xi32, #tpu.memory_space<hbm>>
      %dma_wait3A_21 = tpu.memref_squeeze %dma_wait3A_20 : memref<1x1x250x80xi32, #tpu.memory_space<hbm>> -> memref<250x80xi32, #tpu.memory_space<hbm>>
      %dma_wait3A_22 = arith.constant 0 : i32
      %dma_wait3A_23 = arith.constant 0 : i32
      %dma_wait3A_24 = tpu.memref_slice %arg2[%run_scoped3A_0, %arg1, %dma_wait3A_22, %dma_wait3A_23] : memref<2x16x250x80xi32, #tpu.memory_space<hbm>> -> memref<1x1x250x80xi32, #tpu.memory_space<hbm>>
      %dma_wait3A_25 = tpu.memref_squeeze %dma_wait3A_24 : memref<1x1x250x80xi32, #tpu.memory_space<hbm>> -> memref<250x80xi32, #tpu.memory_space<hbm>>
      tpu.wait_dma2 semaphore(%run_scoped3A_11 : memref<!tpu.dma_semaphore, #tpu.memory_space<semaphore_mem>>) src(%dma_wait3A_25 : memref<250x80xi32, #tpu.memory_space<hbm>>) dst(%arg9 : memref<250x80xi32, #tpu.memory_space<vmem>>)
      tpu.yield
    }) : () -> ()
    %mul3A = arith.constant 625 : i32
    %mul3A_1 = arith.muli %arg1, %mul3A : i32
    "tpu.region"() ({
      %run_scoped3A_11 = tpu.sem_alloc : memref<!tpu.dma_semaphore, #tpu.memory_space<semaphore_mem>>
      %dma_start3A = arith.constant 0 : i32
      %dma_start3A_12 = tpu.memref_slice %arg11[%mul3A_1, %dma_start3A] : memref<10000x64xf32, #tpu.memory_space<vmem_shared>> -> memref<625x64xf32, #tpu.memory_space<vmem_shared>>
      %dma_start3A_13 = arith.constant 0 : i32
      %dma_start3A_14 = arith.constant 0 : i32
      %dma_start3A_15 = tpu.memref_slice %arg5[%arg1, %dma_start3A_13, %dma_start3A_14] : memref<16x625x64xf32, #tpu.memory_space<hbm>> -> memref<1x625x64xf32, #tpu.memory_space<hbm>>
      %dma_start3A_16 = tpu.memref_squeeze %dma_start3A_15 : memref<1x625x64xf32, #tpu.memory_space<hbm>> -> memref<625x64xf32, #tpu.memory_space<hbm>>
      tpu.enqueue_dma source(%dma_start3A_16 : memref<625x64xf32, #tpu.memory_space<hbm>>) target(%dma_start3A_12 : memref<625x64xf32, #tpu.memory_space<vmem_shared>>) target_semaphore(%run_scoped3A_11 : memref<!tpu.dma_semaphore, #tpu.memory_space<semaphore_mem>>)
      %dma_wait3A = arith.constant 0 : i32
      %dma_wait3A_17 = tpu.memref_slice %arg11[%mul3A_1, %dma_wait3A] : memref<10000x64xf32, #tpu.memory_space<vmem_shared>> -> memref<625x64xf32, #tpu.memory_space<vmem_shared>>
      %dma_wait3A_18 = arith.constant 0 : i32
      %dma_wait3A_19 = arith.constant 0 : i32
      %dma_wait3A_20 = tpu.memref_slice %arg5[%arg1, %dma_wait3A_18, %dma_wait3A_19] : memref<16x625x64xf32, #tpu.memory_space<hbm>> -> memref<1x625x64xf32, #tpu.memory_space<hbm>>
      %dma_wait3A_21 = tpu.memref_squeeze %dma_wait3A_20 : memref<1x625x64xf32, #tpu.memory_space<hbm>> -> memref<625x64xf32, #tpu.memory_space<hbm>>
      tpu.wait_dma2 semaphore(%run_scoped3A_11 : memref<!tpu.dma_semaphore, #tpu.memory_space<semaphore_mem>>) src(%dma_wait3A_21 : memref<625x64xf32, #tpu.memory_space<hbm>>) dst(%dma_wait3A_17 : memref<625x64xf32, #tpu.memory_space<vmem_shared>>)
      tpu.yield
    }) : () -> ()
    "tpu.region"() ({
      %run_scoped3A_11 = memref.alloca() : memref<10000xf32, #tpu.memory_space<vmem>>
      %run_scoped3A_12 = memref.alloca() : memref<10000xf32, #tpu.memory_space<vmem>>
      %run_scoped3A_13 = arith.constant 0 : i32
      "tpu.region"() ({
        %run_scoped3A_17 = tpu.sem_alloc : memref<!tpu.dma_semaphore, #tpu.memory_space<semaphore_mem>>
        %dma_start3A = arith.constant 0 : i32
        %dma_start3A_18 = tpu.memref_slice %arg3[%run_scoped3A_13, %dma_start3A] : memref<2x10000xf32, #tpu.memory_space<hbm>> -> memref<1x10000xf32, #tpu.memory_space<hbm>>
        %dma_start3A_19 = tpu.memref_squeeze %dma_start3A_18 : memref<1x10000xf32, #tpu.memory_space<hbm>> -> memref<10000xf32, #tpu.memory_space<hbm>>
        %dma_start3A_20 = arith.constant 0 : i32
        %dma_start3A_21 = tpu.memref_slice %arg3[%run_scoped3A_13, %dma_start3A_20] : memref<2x10000xf32, #tpu.memory_space<hbm>> -> memref<1x10000xf32, #tpu.memory_space<hbm>>
        %dma_start3A_22 = tpu.memref_squeeze %dma_start3A_21 : memref<1x10000xf32, #tpu.memory_space<hbm>> -> memref<10000xf32, #tpu.memory_space<hbm>>
        tpu.enqueue_dma source(%dma_start3A_22 : memref<10000xf32, #tpu.memory_space<hbm>>) target(%run_scoped3A_11 : memref<10000xf32, #tpu.memory_space<vmem>>) target_semaphore(%run_scoped3A_17 : memref<!tpu.dma_semaphore, #tpu.memory_space<semaphore_mem>>)
        %dma_wait3A = arith.constant 0 : i32
        %dma_wait3A_23 = tpu.memref_slice %arg3[%run_scoped3A_13, %dma_wait3A] : memref<2x10000xf32, #tpu.memory_space<hbm>> -> memref<1x10000xf32, #tpu.memory_space<hbm>>
        %dma_wait3A_24 = tpu.memref_squeeze %dma_wait3A_23 : memref<1x10000xf32, #tpu.memory_space<hbm>> -> memref<10000xf32, #tpu.memory_space<hbm>>
        %dma_wait3A_25 = arith.constant 0 : i32
        %dma_wait3A_26 = tpu.memref_slice %arg3[%run_scoped3A_13, %dma_wait3A_25] : memref<2x10000xf32, #tpu.memory_space<hbm>> -> memref<1x10000xf32, #tpu.memory_space<hbm>>
        %dma_wait3A_27 = tpu.memref_squeeze %dma_wait3A_26 : memref<1x10000xf32, #tpu.memory_space<hbm>> -> memref<10000xf32, #tpu.memory_space<hbm>>
        tpu.wait_dma2 semaphore(%run_scoped3A_17 : memref<!tpu.dma_semaphore, #tpu.memory_space<semaphore_mem>>) src(%dma_wait3A_27 : memref<10000xf32, #tpu.memory_space<hbm>>) dst(%run_scoped3A_11 : memref<10000xf32, #tpu.memory_space<vmem>>)
        tpu.yield
      }) : () -> ()
      %run_scoped3A_14 = arith.constant 1 : i32
      "tpu.region"() ({
        %run_scoped3A_17 = tpu.sem_alloc : memref<!tpu.dma_semaphore, #tpu.memory_space<semaphore_mem>>
        %dma_start3A = arith.constant 0 : i32
        %dma_start3A_18 = tpu.memref_slice %arg3[%run_scoped3A_14, %dma_start3A] : memref<2x10000xf32, #tpu.memory_space<hbm>> -> memref<1x10000xf32, #tpu.memory_space<hbm>>
        %dma_start3A_19 = tpu.memref_squeeze %dma_start3A_18 : memref<1x10000xf32, #tpu.memory_space<hbm>> -> memref<10000xf32, #tpu.memory_space<hbm>>
        %dma_start3A_20 = arith.constant 0 : i32
        %dma_start3A_21 = tpu.memref_slice %arg3[%run_scoped3A_14, %dma_start3A_20] : memref<2x10000xf32, #tpu.memory_space<hbm>> -> memref<1x10000xf32, #tpu.memory_space<hbm>>
        %dma_start3A_22 = tpu.memref_squeeze %dma_start3A_21 : memref<1x10000xf32, #tpu.memory_space<hbm>> -> memref<10000xf32, #tpu.memory_space<hbm>>
        tpu.enqueue_dma source(%dma_start3A_22 : memref<10000xf32, #tpu.memory_space<hbm>>) target(%run_scoped3A_12 : memref<10000xf32, #tpu.memory_space<vmem>>) target_semaphore(%run_scoped3A_17 : memref<!tpu.dma_semaphore, #tpu.memory_space<semaphore_mem>>)
        %dma_wait3A = arith.constant 0 : i32
        %dma_wait3A_23 = tpu.memref_slice %arg3[%run_scoped3A_14, %dma_wait3A] : memref<2x10000xf32, #tpu.memory_space<hbm>> -> memref<1x10000xf32, #tpu.memory_space<hbm>>
        %dma_wait3A_24 = tpu.memref_squeeze %dma_wait3A_23 : memref<1x10000xf32, #tpu.memory_space<hbm>> -> memref<10000xf32, #tpu.memory_space<hbm>>
        %dma_wait3A_25 = arith.constant 0 : i32
        %dma_wait3A_26 = tpu.memref_slice %arg3[%run_scoped3A_14, %dma_wait3A_25] : memref<2x10000xf32, #tpu.memory_space<hbm>> -> memref<1x10000xf32, #tpu.memory_space<hbm>>
        %dma_wait3A_27 = tpu.memref_squeeze %dma_wait3A_26 : memref<1x10000xf32, #tpu.memory_space<hbm>> -> memref<10000xf32, #tpu.memory_space<hbm>>
        tpu.wait_dma2 semaphore(%run_scoped3A_17 : memref<!tpu.dma_semaphore, #tpu.memory_space<semaphore_mem>>) src(%dma_wait3A_27 : memref<10000xf32, #tpu.memory_space<hbm>>) dst(%run_scoped3A_12 : memref<10000xf32, #tpu.memory_space<vmem>>)
        tpu.yield
      }) : () -> ()
      %parallel_loop3A = arith.constant 0 : i32
      %parallel_loop3A_15 = arith.constant 250 : i32
      %parallel_loop3A_16 = arith.constant 1 : i32
      scf.for %parallel_loop3A_17 = %parallel_loop3A to %parallel_loop3A_15 step %parallel_loop3A_16  : i32 {
        %parallel_loop3A_18 = arith.index_cast %parallel_loop3A_17 : i32 to index
        %parallel_loop3A_19 = arith.constant 0 : index
        %parallel_loop3A_20 = tpu.vector_load %arg8[%parallel_loop3A_18, %parallel_loop3A_19] {strides = array<i32>} : memref<250x80xi32, #tpu.memory_space<vmem>>, vector<16xi32>,
        %parallel_loop3A_21 = arith.index_cast %parallel_loop3A_17 : i32 to index
        %parallel_loop3A_22 = arith.constant 0 : index
        %parallel_loop3A_23 = tpu.vector_load %arg9[%parallel_loop3A_21, %parallel_loop3A_22] {strides = array<i32>} : memref<250x80xi32, #tpu.memory_space<vmem>>, vector<16xi32>,
        %parallel_loop3A_24 = tpu.vector_load_idx %run_scoped3A_11[%parallel_loop3A_20] : memref<10000xf32, #tpu.memory_space<vmem>>[vector<16xi32>], vector<16xf32>,
        %parallel_loop3A_25 = tpu.vector_load_idx %run_scoped3A_12[%parallel_loop3A_23] : memref<10000xf32, #tpu.memory_space<vmem>>[vector<16xi32>], vector<16xf32>,
        %parallel_loop3A_26 = arith.addf %parallel_loop3A_24, %parallel_loop3A_25 : vector<16xf32>
        %parallel_loop3A_27 = arith.constant 0.000000e+00 : f32
        %parallel_loop3A_28 = vector.broadcast %parallel_loop3A_27 : f32 to vector<16xf32>
        %parallel_loop3A_29 = arith.cmpf oge, %parallel_loop3A_26, %parallel_loop3A_28 : vector<16xf32>
        %parallel_loop3A_30 = arith.constant 2.000000e-01 : f32
        %parallel_loop3A_31 = vector.broadcast %parallel_loop3A_30 : f32 to vector<16xf32>
        %parallel_loop3A_32 = arith.mulf %parallel_loop3A_26, %parallel_loop3A_31 : vector<16xf32>
        %parallel_loop3A_33 = arith.select %parallel_loop3A_29, %parallel_loop3A_26, %parallel_loop3A_32 : vector<16xi1>, vector<16xf32>
        %parallel_loop3A_34 = arith.constant 0.000000e+00 : f32
        %parallel_loop3A_35 = vector.broadcast %parallel_loop3A_34 : f32 to vector<16xf32>
        %parallel_loop3A_36 = arith.subf %parallel_loop3A_35, %parallel_loop3A_33 : vector<16xf32>
        %parallel_loop3A_37 = math.exp %parallel_loop3A_36 : vector<16xf32>
        %parallel_loop3A_38 = arith.index_cast %parallel_loop3A_17 : i32 to index
        %parallel_loop3A_39 = arith.constant 0 : index
        %parallel_loop3A_40 = tpu.vector_load %arg10[%parallel_loop3A_38, %parallel_loop3A_39] {strides = array<i32>} : memref<250x80xf32, #tpu.memory_space<vmem>>, vector<16xf32>,
        tpu.vector_store %arg10[%parallel_loop3A_38, %parallel_loop3A_39], %parallel_loop3A_37 {strides = array<i32>} : memref<250x80xf32, #tpu.memory_space<vmem>>, vector<16xf32>,
        %parallel_loop3A_41 = arith.constant 2 : i32
        %parallel_loop3A_42 = vector.broadcast %parallel_loop3A_41 : i32 to vector<16xi32>
        %parallel_loop3A_43 = arith.muli %parallel_loop3A_23, %parallel_loop3A_42 : vector<16xi32>
        %parallel_loop3A_44 = vector.broadcast %arg0 : i32 to vector<16xi32>
        %parallel_loop3A_45 = arith.addi %parallel_loop3A_43, %parallel_loop3A_44 : vector<16xi32>
        %parallel_loop3A_46 = arith.index_cast %parallel_loop3A_17 : i32 to index
        %parallel_loop3A_47 = arith.constant 0 : index
        %parallel_loop3A_48 = tpu.vector_load %arg9[%parallel_loop3A_46, %parallel_loop3A_47] {strides = array<i32>} : memref<250x80xi32, #tpu.memory_space<vmem>>, vector<16xi32>,
        tpu.vector_store %arg9[%parallel_loop3A_46, %parallel_loop3A_47], %parallel_loop3A_45 {strides = array<i32>} : memref<250x80xi32, #tpu.memory_space<vmem>>, vector<16xi32>,
        %parallel_loop3A_49 = arith.index_cast %parallel_loop3A_17 : i32 to index
        %parallel_loop3A_50 = arith.constant 16 : index
        %parallel_loop3A_51 = tpu.vector_load %arg8[%parallel_loop3A_49, %parallel_loop3A_50] {strides = array<i32>} : memref<250x80xi32, #tpu.memory_space<vmem>>, vector<16xi32>,
        %parallel_loop3A_52 = arith.index_cast %parallel_loop3A_17 : i32 to index
        %parallel_loop3A_53 = arith.constant 16 : index
        %parallel_loop3A_54 = tpu.vector_load %arg9[%parallel_loop3A_52, %parallel_loop3A_53] {strides = array<i32>} : memref<250x80xi32, #tpu.memory_space<vmem>>, vector<16xi32>,
        %parallel_loop3A_55 = tpu.vector_load_idx %run_scoped3A_11[%parallel_loop3A_51] : memref<10000xf32, #tpu.memory_space<vmem>>[vector<16xi32>], vector<16xf32>,
        %parallel_loop3A_56 = tpu.vector_load_idx %run_scoped3A_12[%parallel_loop3A_54] : memref<10000xf32, #tpu.memory_space<vmem>>[vector<16xi32>], vector<16xf32>,
        %parallel_loop3A_57 = arith.addf %parallel_loop3A_55, %parallel_loop3A_56 : vector<16xf32>
        %parallel_loop3A_58 = arith.constant 0.000000e+00 : f32
        %parallel_loop3A_59 = vector.broadcast %parallel_loop3A_58 : f32 to vector<16xf32>
        %parallel_loop3A_60 = arith.cmpf oge, %parallel_loop3A_57, %parallel_loop3A_59 : vector<16xf32>
        %parallel_loop3A_61 = arith.constant 2.000000e-01 : f32
        %parallel_loop3A_62 = vector.broadcast %parallel_loop3A_61 : f32 to vector<16xf32>
        %parallel_loop3A_63 = arith.mulf %parallel_loop3A_57, %parallel_loop3A_62 : vector<16xf32>
        %parallel_loop3A_64 = arith.select %parallel_loop3A_60, %parallel_loop3A_57, %parallel_loop3A_63 : vector<16xi1>, vector<16xf32>
        %parallel_loop3A_65 = arith.constant 0.000000e+00 : f32
        %parallel_loop3A_66 = vector.broadcast %parallel_loop3A_65 : f32 to vector<16xf32>
        %parallel_loop3A_67 = arith.subf %parallel_loop3A_66, %parallel_loop3A_64 : vector<16xf32>
        %parallel_loop3A_68 = math.exp %parallel_loop3A_67 : vector<16xf32>
        %parallel_loop3A_69 = arith.index_cast %parallel_loop3A_17 : i32 to index
        %parallel_loop3A_70 = arith.constant 16 : index
        %parallel_loop3A_71 = tpu.vector_load %arg10[%parallel_loop3A_69, %parallel_loop3A_70] {strides = array<i32>} : memref<250x80xf32, #tpu.memory_space<vmem>>, vector<16xf32>,
        tpu.vector_store %arg10[%parallel_loop3A_69, %parallel_loop3A_70], %parallel_loop3A_68 {strides = array<i32>} : memref<250x80xf32, #tpu.memory_space<vmem>>, vector<16xf32>,
        %parallel_loop3A_72 = arith.constant 2 : i32
        %parallel_loop3A_73 = vector.broadcast %parallel_loop3A_72 : i32 to vector<16xi32>
        %parallel_loop3A_74 = arith.muli %parallel_loop3A_54, %parallel_loop3A_73 : vector<16xi32>
        %parallel_loop3A_75 = vector.broadcast %arg0 : i32 to vector<16xi32>
        %parallel_loop3A_76 = arith.addi %parallel_loop3A_74, %parallel_loop3A_75 : vector<16xi32>
        %parallel_loop3A_77 = arith.index_cast %parallel_loop3A_17 : i32 to index
        %parallel_loop3A_78 = arith.constant 16 : index
        %parallel_loop3A_79 = tpu.vector_load %arg9[%parallel_loop3A_77, %parallel_loop3A_78] {strides = array<i32>} : memref<250x80xi32, #tpu.memory_space<vmem>>, vector<16xi32>,
        tpu.vector_store %arg9[%parallel_loop3A_77, %parallel_loop3A_78], %parallel_loop3A_76 {strides = array<i32>} : memref<250x80xi32, #tpu.memory_space<vmem>>, vector<16xi32>,
        %parallel_loop3A_80 = arith.index_cast %parallel_loop3A_17 : i32 to index
        %parallel_loop3A_81 = arith.constant 32 : index
        %parallel_loop3A_82 = tpu.vector_load %arg8[%parallel_loop3A_80, %parallel_loop3A_81] {strides = array<i32>} : memref<250x80xi32, #tpu.memory_space<vmem>>, vector<16xi32>,
        %parallel_loop3A_83 = arith.index_cast %parallel_loop3A_17 : i32 to index
        %parallel_loop3A_84 = arith.constant 32 : index
        %parallel_loop3A_85 = tpu.vector_load %arg9[%parallel_loop3A_83, %parallel_loop3A_84] {strides = array<i32>} : memref<250x80xi32, #tpu.memory_space<vmem>>, vector<16xi32>,
        %parallel_loop3A_86 = tpu.vector_load_idx %run_scoped3A_11[%parallel_loop3A_82] : memref<10000xf32, #tpu.memory_space<vmem>>[vector<16xi32>], vector<16xf32>,
        %parallel_loop3A_87 = tpu.vector_load_idx %run_scoped3A_12[%parallel_loop3A_85] : memref<10000xf32, #tpu.memory_space<vmem>>[vector<16xi32>], vector<16xf32>,
        %parallel_loop3A_88 = arith.addf %parallel_loop3A_86, %parallel_loop3A_87 : vector<16xf32>
        %parallel_loop3A_89 = arith.constant 0.000000e+00 : f32
        %parallel_loop3A_90 = vector.broadcast %parallel_loop3A_89 : f32 to vector<16xf32>
        %parallel_loop3A_91 = arith.cmpf oge, %parallel_loop3A_88, %parallel_loop3A_90 : vector<16xf32>
        %parallel_loop3A_92 = arith.constant 2.000000e-01 : f32
        %parallel_loop3A_93 = vector.broadcast %parallel_loop3A_92 : f32 to vector<16xf32>
        %parallel_loop3A_94 = arith.mulf %parallel_loop3A_88, %parallel_loop3A_93 : vector<16xf32>
        %parallel_loop3A_95 = arith.select %parallel_loop3A_91, %parallel_loop3A_88, %parallel_loop3A_94 : vector<16xi1>, vector<16xf32>
        %parallel_loop3A_96 = arith.constant 0.000000e+00 : f32
        %parallel_loop3A_97 = vector.broadcast %parallel_loop3A_96 : f32 to vector<16xf32>
        %parallel_loop3A_98 = arith.subf %parallel_loop3A_97, %parallel_loop3A_95 : vector<16xf32>
        %parallel_loop3A_99 = math.exp %parallel_loop3A_98 : vector<16xf32>
        %parallel_loop3A_100 = arith.index_cast %parallel_loop3A_17 : i32 to index
        %parallel_loop3A_101 = arith.constant 32 : index
        %parallel_loop3A_102 = tpu.vector_load %arg10[%parallel_loop3A_100, %parallel_loop3A_101] {strides = array<i32>} : memref<250x80xf32, #tpu.memory_space<vmem>>, vector<16xf32>,
        tpu.vector_store %arg10[%parallel_loop3A_100, %parallel_loop3A_101], %parallel_loop3A_99 {strides = array<i32>} : memref<250x80xf32, #tpu.memory_space<vmem>>, vector<16xf32>,
        %parallel_loop3A_103 = arith.constant 2 : i32
        %parallel_loop3A_104 = vector.broadcast %parallel_loop3A_103 : i32 to vector<16xi32>
        %parallel_loop3A_105 = arith.muli %parallel_loop3A_85, %parallel_loop3A_104 : vector<16xi32>
        %parallel_loop3A_106 = vector.broadcast %arg0 : i32 to vector<16xi32>
        %parallel_loop3A_107 = arith.addi %parallel_loop3A_105, %parallel_loop3A_106 : vector<16xi32>
        %parallel_loop3A_108 = arith.index_cast %parallel_loop3A_17 : i32 to index
        %parallel_loop3A_109 = arith.constant 32 : index
        %parallel_loop3A_110 = tpu.vector_load %arg9[%parallel_loop3A_108, %parallel_loop3A_109] {strides = array<i32>} : memref<250x80xi32, #tpu.memory_space<vmem>>, vector<16xi32>,
        tpu.vector_store %arg9[%parallel_loop3A_108, %parallel_loop3A_109], %parallel_loop3A_107 {strides = array<i32>} : memref<250x80xi32, #tpu.memory_space<vmem>>, vector<16xi32>,
        %parallel_loop3A_111 = arith.index_cast %parallel_loop3A_17 : i32 to index
        %parallel_loop3A_112 = arith.constant 48 : index
        %parallel_loop3A_113 = tpu.vector_load %arg8[%parallel_loop3A_111, %parallel_loop3A_112] {strides = array<i32>} : memref<250x80xi32, #tpu.memory_space<vmem>>, vector<16xi32>,
        %parallel_loop3A_114 = arith.index_cast %parallel_loop3A_17 : i32 to index
        %parallel_loop3A_115 = arith.constant 48 : index
        %parallel_loop3A_116 = tpu.vector_load %arg9[%parallel_loop3A_114, %parallel_loop3A_115] {strides = array<i32>} : memref<250x80xi32, #tpu.memory_space<vmem>>, vector<16xi32>,
        %parallel_loop3A_117 = tpu.vector_load_idx %run_scoped3A_11[%parallel_loop3A_113] : memref<10000xf32, #tpu.memory_space<vmem>>[vector<16xi32>], vector<16xf32>,
        %parallel_loop3A_118 = tpu.vector_load_idx %run_scoped3A_12[%parallel_loop3A_116] : memref<10000xf32, #tpu.memory_space<vmem>>[vector<16xi32>], vector<16xf32>,
        %parallel_loop3A_119 = arith.addf %parallel_loop3A_117, %parallel_loop3A_118 : vector<16xf32>
        %parallel_loop3A_120 = arith.constant 0.000000e+00 : f32
        %parallel_loop3A_121 = vector.broadcast %parallel_loop3A_120 : f32 to vector<16xf32>
        %parallel_loop3A_122 = arith.cmpf oge, %parallel_loop3A_119, %parallel_loop3A_121 : vector<16xf32>
        %parallel_loop3A_123 = arith.constant 2.000000e-01 : f32
        %parallel_loop3A_124 = vector.broadcast %parallel_loop3A_123 : f32 to vector<16xf32>
        %parallel_loop3A_125 = arith.mulf %parallel_loop3A_119, %parallel_loop3A_124 : vector<16xf32>
        %parallel_loop3A_126 = arith.select %parallel_loop3A_122, %parallel_loop3A_119, %parallel_loop3A_125 : vector<16xi1>, vector<16xf32>
        %parallel_loop3A_127 = arith.constant 0.000000e+00 : f32
        %parallel_loop3A_128 = vector.broadcast %parallel_loop3A_127 : f32 to vector<16xf32>
        %parallel_loop3A_129 = arith.subf %parallel_loop3A_128, %parallel_loop3A_126 : vector<16xf32>
        %parallel_loop3A_130 = math.exp %parallel_loop3A_129 : vector<16xf32>
        %parallel_loop3A_131 = arith.index_cast %parallel_loop3A_17 : i32 to index
        %parallel_loop3A_132 = arith.constant 48 : index
        %parallel_loop3A_133 = tpu.vector_load %arg10[%parallel_loop3A_131, %parallel_loop3A_132] {strides = array<i32>} : memref<250x80xf32, #tpu.memory_space<vmem>>, vector<16xf32>,
        tpu.vector_store %arg10[%parallel_loop3A_131, %parallel_loop3A_132], %parallel_loop3A_130 {strides = array<i32>} : memref<250x80xf32, #tpu.memory_space<vmem>>, vector<16xf32>,
        %parallel_loop3A_134 = arith.constant 2 : i32
        %parallel_loop3A_135 = vector.broadcast %parallel_loop3A_134 : i32 to vector<16xi32>
        %parallel_loop3A_136 = arith.muli %parallel_loop3A_116, %parallel_loop3A_135 : vector<16xi32>
        %parallel_loop3A_137 = vector.broadcast %arg0 : i32 to vector<16xi32>
        %parallel_loop3A_138 = arith.addi %parallel_loop3A_136, %parallel_loop3A_137 : vector<16xi32>
        %parallel_loop3A_139 = arith.index_cast %parallel_loop3A_17 : i32 to index
        %parallel_loop3A_140 = arith.constant 48 : index
        %parallel_loop3A_141 = tpu.vector_load %arg9[%parallel_loop3A_139, %parallel_loop3A_140] {strides = array<i32>} : memref<250x80xi32, #tpu.memory_space<vmem>>, vector<16xi32>,
        tpu.vector_store %arg9[%parallel_loop3A_139, %parallel_loop3A_140], %parallel_loop3A_138 {strides = array<i32>} : memref<250x80xi32, #tpu.memory_space<vmem>>, vector<16xi32>,
        %parallel_loop3A_142 = arith.index_cast %parallel_loop3A_17 : i32 to index
        %parallel_loop3A_143 = arith.constant 64 : index
        %parallel_loop3A_144 = tpu.vector_load %arg8[%parallel_loop3A_142, %parallel_loop3A_143] {strides = array<i32>} : memref<250x80xi32, #tpu.memory_space<vmem>>, vector<16xi32>,
        %parallel_loop3A_145 = arith.index_cast %parallel_loop3A_17 : i32 to index
        %parallel_loop3A_146 = arith.constant 64 : index
        %parallel_loop3A_147 = tpu.vector_load %arg9[%parallel_loop3A_145, %parallel_loop3A_146] {strides = array<i32>} : memref<250x80xi32, #tpu.memory_space<vmem>>, vector<16xi32>,
        %parallel_loop3A_148 = tpu.vector_load_idx %run_scoped3A_11[%parallel_loop3A_144] : memref<10000xf32, #tpu.memory_space<vmem>>[vector<16xi32>], vector<16xf32>,
        %parallel_loop3A_149 = tpu.vector_load_idx %run_scoped3A_12[%parallel_loop3A_147] : memref<10000xf32, #tpu.memory_space<vmem>>[vector<16xi32>], vector<16xf32>,
        %parallel_loop3A_150 = arith.addf %parallel_loop3A_148, %parallel_loop3A_149 : vector<16xf32>
        %parallel_loop3A_151 = arith.constant 0.000000e+00 : f32
        %parallel_loop3A_152 = vector.broadcast %parallel_loop3A_151 : f32 to vector<16xf32>
        %parallel_loop3A_153 = arith.cmpf oge, %parallel_loop3A_150, %parallel_loop3A_152 : vector<16xf32>
        %parallel_loop3A_154 = arith.constant 2.000000e-01 : f32
        %parallel_loop3A_155 = vector.broadcast %parallel_loop3A_154 : f32 to vector<16xf32>
        %parallel_loop3A_156 = arith.mulf %parallel_loop3A_150, %parallel_loop3A_155 : vector<16xf32>
        %parallel_loop3A_157 = arith.select %parallel_loop3A_153, %parallel_loop3A_150, %parallel_loop3A_156 : vector<16xi1>, vector<16xf32>
        %parallel_loop3A_158 = arith.constant 0.000000e+00 : f32
        %parallel_loop3A_159 = vector.broadcast %parallel_loop3A_158 : f32 to vector<16xf32>
        %parallel_loop3A_160 = arith.subf %parallel_loop3A_159, %parallel_loop3A_157 : vector<16xf32>
        %parallel_loop3A_161 = math.exp %parallel_loop3A_160 : vector<16xf32>
        %parallel_loop3A_162 = arith.index_cast %parallel_loop3A_17 : i32 to index
        %parallel_loop3A_163 = arith.constant 64 : index
        %parallel_loop3A_164 = tpu.vector_load %arg10[%parallel_loop3A_162, %parallel_loop3A_163] {strides = array<i32>} : memref<250x80xf32, #tpu.memory_space<vmem>>, vector<16xf32>,
        tpu.vector_store %arg10[%parallel_loop3A_162, %parallel_loop3A_163], %parallel_loop3A_161 {strides = array<i32>} : memref<250x80xf32, #tpu.memory_space<vmem>>, vector<16xf32>,
        %parallel_loop3A_165 = arith.constant 2 : i32
        %parallel_loop3A_166 = vector.broadcast %parallel_loop3A_165 : i32 to vector<16xi32>
        %parallel_loop3A_167 = arith.muli %parallel_loop3A_147, %parallel_loop3A_166 : vector<16xi32>
        %parallel_loop3A_168 = vector.broadcast %arg0 : i32 to vector<16xi32>
        %parallel_loop3A_169 = arith.addi %parallel_loop3A_167, %parallel_loop3A_168 : vector<16xi32>
        %parallel_loop3A_170 = arith.index_cast %parallel_loop3A_17 : i32 to index
        %parallel_loop3A_171 = arith.constant 64 : index
        %parallel_loop3A_172 = tpu.vector_load %arg9[%parallel_loop3A_170, %parallel_loop3A_171] {strides = array<i32>} : memref<250x80xi32, #tpu.memory_space<vmem>>, vector<16xi32>,
        tpu.vector_store %arg9[%parallel_loop3A_170, %parallel_loop3A_171], %parallel_loop3A_169 {strides = array<i32>} : memref<250x80xi32, #tpu.memory_space<vmem>>, vector<16xi32>,
      } {sc.loop_unroll_factor = 2 : i64, sc.parallel_access}
      tpu.yield
    }) : () -> ()
    %eq3A = arith.constant 0 : i32
    %eq3A_2 = arith.cmpi eq, %arg0, %eq3A : i32
    %convert_element_type3A = arith.extui %eq3A_2 : i1 to i32
    %cond3A = arith.constant 0 : i32
    %cond3A_3 = arith.cmpi ne, %convert_element_type3A, %cond3A : i32
    scf.if %cond3A_3 {
      "tpu.region"() ({
        %run_scoped3A_11 = tpu.sem_alloc : memref<!tpu.dma_semaphore, #tpu.memory_space<semaphore_mem>>
        %dma_start3A = arith.constant 0 : i32
        %dma_start3A_12 = arith.constant 0 : i32
        %dma_start3A_13 = tpu.memref_slice %arg6[%arg1, %dma_start3A, %dma_start3A_12] : memref<16x250x80xf32, #tpu.memory_space<hbm>> -> memref<1x250x80xf32, #tpu.memory_space<hbm>>
        %dma_start3A_14 = tpu.memref_squeeze %dma_start3A_13 : memref<1x250x80xf32, #tpu.memory_space<hbm>> -> memref<250x80xf32, #tpu.memory_space<hbm>>
        %dma_start3A_15 = arith.constant 0 : i32
        %dma_start3A_16 = arith.constant 0 : i32
        %dma_start3A_17 = tpu.memref_slice %arg6[%arg1, %dma_start3A_15, %dma_start3A_16] : memref<16x250x80xf32, #tpu.memory_space<hbm>> -> memref<1x250x80xf32, #tpu.memory_space<hbm>>
        %dma_start3A_18 = tpu.memref_squeeze %dma_start3A_17 : memref<1x250x80xf32, #tpu.memory_space<hbm>> -> memref<250x80xf32, #tpu.memory_space<hbm>>
        tpu.enqueue_dma source(%arg10 : memref<250x80xf32, #tpu.memory_space<vmem>>) target(%dma_start3A_18 : memref<250x80xf32, #tpu.memory_space<hbm>>) target_semaphore(%run_scoped3A_11 : memref<!tpu.dma_semaphore, #tpu.memory_space<semaphore_mem>>)
        %dma_wait3A = arith.constant 0 : i32
        %dma_wait3A_19 = arith.constant 0 : i32
        %dma_wait3A_20 = tpu.memref_slice %arg6[%arg1, %dma_wait3A, %dma_wait3A_19] : memref<16x250x80xf32, #tpu.memory_space<hbm>> -> memref<1x250x80xf32, #tpu.memory_space<hbm>>
        %dma_wait3A_21 = tpu.memref_squeeze %dma_wait3A_20 : memref<1x250x80xf32, #tpu.memory_space<hbm>> -> memref<250x80xf32, #tpu.memory_space<hbm>>
        %dma_wait3A_22 = arith.constant 0 : i32
        %dma_wait3A_23 = arith.constant 0 : i32
        %dma_wait3A_24 = tpu.memref_slice %arg6[%arg1, %dma_wait3A_22, %dma_wait3A_23] : memref<16x250x80xf32, #tpu.memory_space<hbm>> -> memref<1x250x80xf32, #tpu.memory_space<hbm>>
        %dma_wait3A_25 = tpu.memref_squeeze %dma_wait3A_24 : memref<1x250x80xf32, #tpu.memory_space<hbm>> -> memref<250x80xf32, #tpu.memory_space<hbm>>
        tpu.wait_dma2 semaphore(%run_scoped3A_11 : memref<!tpu.dma_semaphore, #tpu.memory_space<semaphore_mem>>) src(%arg10 : memref<250x80xf32, #tpu.memory_space<vmem>>) dst(%dma_wait3A_25 : memref<250x80xf32, #tpu.memory_space<hbm>>)
        tpu.yield
      }) : () -> ()
    } else {
    }
    %barrier3A = arith.constant 0 : index
    tpu.barrier barrier_id(%barrier3A)
    "tpu.region"() ({
      %run_scoped3A_11 = memref.alloca() : memref<80x64xbf16, #tpu.memory_space<vmem>>
      %run_scoped3A_12 = memref.alloca() : memref<80x64xbf16, #tpu.memory_space<vmem>>
      %run_scoped3A_13 = memref.alloca() : memref<80x64xbf16, #tpu.memory_space<vmem>>
      %run_scoped3A_14 = memref.alloca() : memref<80x64xbf16, #tpu.memory_space<vmem>>
      %run_scoped3A_15 = memref.alloca() : memref<80x64xbf16, #tpu.memory_space<vmem>>
      %run_scoped3A_16 = memref.alloca() : memref<80x64xf32, #tpu.memory_space<vmem>>
      %run_scoped3A_17 = memref.alloca() : memref<80x64xf32, #tpu.memory_space<vmem>>
      %run_scoped3A_18 = memref.alloca() : memref<80x64xf32, #tpu.memory_space<vmem>>
      %dma_start3A = arith.constant 0 : i32
      %dma_start3A_19 = arith.constant 0 : i32
      %dma_start3A_20 = tpu.memref_slice %arg9[%dma_start3A, %dma_start3A_19] : memref<250x80xi32, #tpu.memory_space<vmem>> -> memref<1x80xi32, #tpu.memory_space<vmem>>
      %dma_start3A_21 = tpu.memref_squeeze %dma_start3A_20 : memref<1x80xi32, #tpu.memory_space<vmem>> -> memref<80xi32, #tpu.memory_space<vmem>>
      %dma_start3A_22 = arith.constant 0 : i32
      %dma_start3A_23 = arith.constant 0 : i32
      %dma_start3A_24 = tpu.memref_slice %arg4[%dma_start3A_22, %dma_start3A_23] : memref<20000x64xbf16, #tpu.memory_space<hbm>> -> memref<20000x64xbf16, #tpu.memory_space<hbm>>
      tpu.enqueue_indirect_dma source(%dma_start3A_24 : memref<20000x64xbf16, #tpu.memory_space<hbm>>) target(%run_scoped3A_11 : memref<80x64xbf16, #tpu.memory_space<vmem>>) offsets(%dma_start3A_21 : memref<80xi32, #tpu.memory_space<vmem>>) semaphore(%arg12 : memref<!tpu.dma_semaphore, #tpu.memory_space<semaphore_mem>>)
      %dma_start3A_25 = arith.constant 1 : i32
      %dma_start3A_26 = arith.constant 0 : i32
      %dma_start3A_27 = tpu.memref_slice %arg9[%dma_start3A_25, %dma_start3A_26] : memref<250x80xi32, #tpu.memory_space<vmem>> -> memref<1x80xi32, #tpu.memory_space<vmem>>
      %dma_start3A_28 = tpu.memref_squeeze %dma_start3A_27 : memref<1x80xi32, #tpu.memory_space<vmem>> -> memref<80xi32, #tpu.memory_space<vmem>>
      %dma_start3A_29 = arith.constant 0 : i32
      %dma_start3A_30 = arith.constant 0 : i32
      %dma_start3A_31 = tpu.memref_slice %arg4[%dma_start3A_29, %dma_start3A_30] : memref<20000x64xbf16, #tpu.memory_space<hbm>> -> memref<20000x64xbf16, #tpu.memory_space<hbm>>
      tpu.enqueue_indirect_dma source(%dma_start3A_31 : memref<20000x64xbf16, #tpu.memory_space<hbm>>) target(%run_scoped3A_12 : memref<80x64xbf16, #tpu.memory_space<vmem>>) offsets(%dma_start3A_28 : memref<80xi32, #tpu.memory_space<vmem>>) semaphore(%arg13 : memref<!tpu.dma_semaphore, #tpu.memory_space<semaphore_mem>>)
      %dma_start3A_32 = arith.constant 2 : i32
      %dma_start3A_33 = arith.constant 0 : i32
      %dma_start3A_34 = tpu.memref_slice %arg9[%dma_start3A_32, %dma_start3A_33] : memref<250x80xi32, #tpu.memory_space<vmem>> -> memref<1x80xi32, #tpu.memory_space<vmem>>
      %dma_start3A_35 = tpu.memref_squeeze %dma_start3A_34 : memref<1x80xi32, #tpu.memory_space<vmem>> -> memref<80xi32, #tpu.memory_space<vmem>>
      %dma_start3A_36 = arith.constant 0 : i32
      %dma_start3A_37 = arith.constant 0 : i32
      %dma_start3A_38 = tpu.memref_slice %arg4[%dma_start3A_36, %dma_start3A_37] : memref<20000x64xbf16, #tpu.memory_space<hbm>> -> memref<20000x64xbf16, #tpu.memory_space<hbm>>
      tpu.enqueue_indirect_dma source(%dma_start3A_38 : memref<20000x64xbf16, #tpu.memory_space<hbm>>) target(%run_scoped3A_13 : memref<80x64xbf16, #tpu.memory_space<vmem>>) offsets(%dma_start3A_35 : memref<80xi32, #tpu.memory_space<vmem>>) semaphore(%arg14 : memref<!tpu.dma_semaphore, #tpu.memory_space<semaphore_mem>>)
      %dma_start3A_39 = arith.constant 3 : i32
      %dma_start3A_40 = arith.constant 0 : i32
      %dma_start3A_41 = tpu.memref_slice %arg9[%dma_start3A_39, %dma_start3A_40] : memref<250x80xi32, #tpu.memory_space<vmem>> -> memref<1x80xi32, #tpu.memory_space<vmem>>
      %dma_start3A_42 = tpu.memref_squeeze %dma_start3A_41 : memref<1x80xi32, #tpu.memory_space<vmem>> -> memref<80xi32, #tpu.memory_space<vmem>>
      %dma_start3A_43 = arith.constant 0 : i32
      %dma_start3A_44 = arith.constant 0 : i32
      %dma_start3A_45 = tpu.memref_slice %arg4[%dma_start3A_43, %dma_start3A_44] : memref<20000x64xbf16, #tpu.memory_space<hbm>> -> memref<20000x64xbf16, #tpu.memory_space<hbm>>
      tpu.enqueue_indirect_dma source(%dma_start3A_45 : memref<20000x64xbf16, #tpu.memory_space<hbm>>) target(%run_scoped3A_14 : memref<80x64xbf16, #tpu.memory_space<vmem>>) offsets(%dma_start3A_42 : memref<80xi32, #tpu.memory_space<vmem>>) semaphore(%arg15 : memref<!tpu.dma_semaphore, #tpu.memory_space<semaphore_mem>>)
      %dma_start3A_46 = arith.constant 4 : i32
      %dma_start3A_47 = arith.constant 0 : i32
      %dma_start3A_48 = tpu.memref_slice %arg9[%dma_start3A_46, %dma_start3A_47] : memref<250x80xi32, #tpu.memory_space<vmem>> -> memref<1x80xi32, #tpu.memory_space<vmem>>
      %dma_start3A_49 = tpu.memref_squeeze %dma_start3A_48 : memref<1x80xi32, #tpu.memory_space<vmem>> -> memref<80xi32, #tpu.memory_space<vmem>>
      %dma_start3A_50 = arith.constant 0 : i32
      %dma_start3A_51 = arith.constant 0 : i32
      %dma_start3A_52 = tpu.memref_slice %arg4[%dma_start3A_50, %dma_start3A_51] : memref<20000x64xbf16, #tpu.memory_space<hbm>> -> memref<20000x64xbf16, #tpu.memory_space<hbm>>
      tpu.enqueue_indirect_dma source(%dma_start3A_52 : memref<20000x64xbf16, #tpu.memory_space<hbm>>) target(%run_scoped3A_15 : memref<80x64xbf16, #tpu.memory_space<vmem>>) offsets(%dma_start3A_49 : memref<80xi32, #tpu.memory_space<vmem>>) semaphore(%arg16 : memref<!tpu.dma_semaphore, #tpu.memory_space<semaphore_mem>>)
      %scan3A = arith.constant 0 : i32
      %scan3A_53 = arith.constant 0 : i32
      %scan3A_54 = arith.constant 50 : i32
      %scan3A_55 = arith.addi %scan3A_53, %scan3A_54 : i32
      %scan3A_56 = arith.constant 1 : i32
      %scan3A_57 = scf.for %scan3A_79 = %scan3A_53 to %scan3A_55 step %scan3A_56 iter_args(%scan3A_80 = %scan3A) -> (i32)  : i32 {
        %mul3A_81 = arith.constant 5 : i32
        %mul3A_82 = arith.muli %scan3A_79, %mul3A_81 : i32
        %add3A = arith.constant 0 : i32
        %add3A_83 = arith.addi %mul3A_82, %add3A : i32
        %dma_wait3A_84 = arith.constant 0 : i32
        %dma_wait3A_85 = tpu.memref_slice %arg9[%add3A_83, %dma_wait3A_84] : memref<250x80xi32, #tpu.memory_space<vmem>> -> memref<1x80xi32, #tpu.memory_space<vmem>>
        %dma_wait3A_86 = tpu.memref_squeeze %dma_wait3A_85 : memref<1x80xi32, #tpu.memory_space<vmem>> -> memref<80xi32, #tpu.memory_space<vmem>>
        %dma_wait3A_87 = arith.constant 0 : i32
        %dma_wait3A_88 = arith.constant 0 : i32
        %dma_wait3A_89 = tpu.memref_slice %arg4[%dma_wait3A_87, %dma_wait3A_88] : memref<20000x64xbf16, #tpu.memory_space<hbm>> -> memref<20000x64xbf16, #tpu.memory_space<hbm>>
        tpu.wait_indirect_dma semaphore(%arg12 : memref<!tpu.dma_semaphore, #tpu.memory_space<semaphore_mem>>) src(%dma_wait3A_89 : memref<20000x64xbf16, #tpu.memory_space<hbm>>) dst(%run_scoped3A_11 : memref<80x64xbf16, #tpu.memory_space<vmem>>)
        %gt3A = arith.constant 0 : i32
        %gt3A_90 = arith.cmpi sgt, %scan3A_79, %gt3A : i32
        %convert_element_type3A_91 = arith.extui %gt3A_90 : i1 to i32
        %cond3A_92 = arith.constant 0 : i32
        %cond3A_93 = arith.cmpi ne, %convert_element_type3A_91, %cond3A_92 : i32
        scf.if %cond3A_93 {
          %sub3A_234 = arith.constant 2 : i32
          %sub3A_235 = arith.subi %add3A_83, %sub3A_234 : i32
          %dma_wait3A_236 = arith.constant 0 : i32
          %dma_wait3A_237 = tpu.memref_slice %arg8[%sub3A_235, %dma_wait3A_236] : memref<250x80xi32, #tpu.memory_space<vmem>> -> memref<1x80xi32, #tpu.memory_space<vmem>>
          %dma_wait3A_238 = tpu.memref_squeeze %dma_wait3A_237 : memref<1x80xi32, #tpu.memory_space<vmem>> -> memref<80xi32, #tpu.memory_space<vmem>>
          %dma_wait3A_239 = arith.constant 0 : i32
          %dma_wait3A_240 = arith.constant 0 : i32
          %dma_wait3A_241 = tpu.memref_slice %arg11[%dma_wait3A_239, %dma_wait3A_240] : memref<10000x64xf32, #tpu.memory_space<vmem_shared>> -> memref<10000x64xf32, #tpu.memory_space<vmem_shared>>
          tpu.wait_indirect_dma semaphore(%arg17 : memref<!tpu.dma_semaphore, #tpu.memory_space<semaphore_mem>>) src(%run_scoped3A_16 : memref<80x64xf32, #tpu.memory_space<vmem>>) dst(%dma_wait3A_241 : memref<10000x64xf32, #tpu.memory_space<vmem_shared>>)
        } else {
        }
        %broadcast_in_dim3A = vector.broadcast %add3A_83 : i32 to vector<16xi32>
        %parallel_loop3A = arith.constant 0 : i32
        %parallel_loop3A_94 = arith.constant 80 : i32
        %parallel_loop3A_95 = arith.constant 1 : i32
        scf.for %parallel_loop3A_234 = %parallel_loop3A to %parallel_loop3A_94 step %parallel_loop3A_95  : i32 {
          %parallel_loop3A_235 = vector.broadcast %parallel_loop3A_234 : i32 to vector<16xi32>
          %parallel_loop3A_236 = tpu.vector_load_idx %arg10[%broadcast_in_dim3A, %parallel_loop3A_235] : memref<250x80xf32, #tpu.memory_space<vmem>>[vector<16xi32>, vector<16xi32>], vector<16xf32>,
          %parallel_loop3A_237 = arith.index_cast %parallel_loop3A_234 : i32 to index
          %parallel_loop3A_238 = arith.constant 0 : index
          %parallel_loop3A_239 = tpu.vector_load %run_scoped3A_11[%parallel_loop3A_237, %parallel_loop3A_238] {strides = array<i32>} : memref<80x64xbf16, #tpu.memory_space<vmem>>, vector<32xbf16>,
          %parallel_loop3A_240 = tpu.unpack_subelements %parallel_loop3A_239, 0 {pack_format = #tpu.pack_format<interleaved>} : vector<32xbf16> -> vector<16xf32>
          %parallel_loop3A_241 = tpu.unpack_subelements %parallel_loop3A_239, 1 {pack_format = #tpu.pack_format<interleaved>} : vector<32xbf16> -> vector<16xf32>
          %parallel_loop3A_242 = arith.mulf %parallel_loop3A_240, %parallel_loop3A_236 : vector<16xf32>
          %parallel_loop3A_243 = arith.index_cast %parallel_loop3A_234 : i32 to index
          %parallel_loop3A_244 = arith.constant 0 : index
          %parallel_loop3A_245 = tpu.vector_load %run_scoped3A_16[%parallel_loop3A_243, %parallel_loop3A_244] {strides = array<i32>} : memref<80x64xf32, #tpu.memory_space<vmem>>, vector<16xf32>,
          tpu.vector_store %run_scoped3A_16[%parallel_loop3A_243, %parallel_loop3A_244], %parallel_loop3A_242 {strides = array<i32>} : memref<80x64xf32, #tpu.memory_space<vmem>>, vector<16xf32>,
          %parallel_loop3A_246 = arith.mulf %parallel_loop3A_241, %parallel_loop3A_236 : vector<16xf32>
          %parallel_loop3A_247 = arith.index_cast %parallel_loop3A_234 : i32 to index
          %parallel_loop3A_248 = arith.constant 16 : index
          %parallel_loop3A_249 = tpu.vector_load %run_scoped3A_16[%parallel_loop3A_247, %parallel_loop3A_248] {strides = array<i32>} : memref<80x64xf32, #tpu.memory_space<vmem>>, vector<16xf32>,
          tpu.vector_store %run_scoped3A_16[%parallel_loop3A_247, %parallel_loop3A_248], %parallel_loop3A_246 {strides = array<i32>} : memref<80x64xf32, #tpu.memory_space<vmem>>, vector<16xf32>,
          %parallel_loop3A_250 = arith.index_cast %parallel_loop3A_234 : i32 to index
          %parallel_loop3A_251 = arith.constant 32 : index
          %parallel_loop3A_252 = tpu.vector_load %run_scoped3A_11[%parallel_loop3A_250, %parallel_loop3A_251] {strides = array<i32>} : memref<80x64xbf16, #tpu.memory_space<vmem>>, vector<32xbf16>,
          %parallel_loop3A_253 = tpu.unpack_subelements %parallel_loop3A_252, 0 {pack_format = #tpu.pack_format<interleaved>} : vector<32xbf16> -> vector<16xf32>
          %parallel_loop3A_254 = tpu.unpack_subelements %parallel_loop3A_252, 1 {pack_format = #tpu.pack_format<interleaved>} : vector<32xbf16> -> vector<16xf32>
          %parallel_loop3A_255 = arith.mulf %parallel_loop3A_253, %parallel_loop3A_236 : vector<16xf32>
          %parallel_loop3A_256 = arith.index_cast %parallel_loop3A_234 : i32 to index
          %parallel_loop3A_257 = arith.constant 32 : index
          %parallel_loop3A_258 = tpu.vector_load %run_scoped3A_16[%parallel_loop3A_256, %parallel_loop3A_257] {strides = array<i32>} : memref<80x64xf32, #tpu.memory_space<vmem>>, vector<16xf32>,
          tpu.vector_store %run_scoped3A_16[%parallel_loop3A_256, %parallel_loop3A_257], %parallel_loop3A_255 {strides = array<i32>} : memref<80x64xf32, #tpu.memory_space<vmem>>, vector<16xf32>,
          %parallel_loop3A_259 = arith.mulf %parallel_loop3A_254, %parallel_loop3A_236 : vector<16xf32>
          %parallel_loop3A_260 = arith.index_cast %parallel_loop3A_234 : i32 to index
          %parallel_loop3A_261 = arith.constant 48 : index
          %parallel_loop3A_262 = tpu.vector_load %run_scoped3A_16[%parallel_loop3A_260, %parallel_loop3A_261] {strides = array<i32>} : memref<80x64xf32, #tpu.memory_space<vmem>>, vector<16xf32>,
          tpu.vector_store %run_scoped3A_16[%parallel_loop3A_260, %parallel_loop3A_261], %parallel_loop3A_259 {strides = array<i32>} : memref<80x64xf32, #tpu.memory_space<vmem>>, vector<16xf32>,
        } {sc.loop_unroll_factor = 8 : i64, sc.parallel_access}
        %dma_start3A_96 = arith.constant 0 : i32
        %dma_start3A_97 = tpu.memref_slice %arg8[%add3A_83, %dma_start3A_96] : memref<250x80xi32, #tpu.memory_space<vmem>> -> memref<1x80xi32, #tpu.memory_space<vmem>>
        %dma_start3A_98 = tpu.memref_squeeze %dma_start3A_97 : memref<1x80xi32, #tpu.memory_space<vmem>> -> memref<80xi32, #tpu.memory_space<vmem>>
        %dma_start3A_99 = arith.constant 0 : i32
        %dma_start3A_100 = arith.constant 0 : i32
        %dma_start3A_101 = tpu.memref_slice %arg11[%dma_start3A_99, %dma_start3A_100] : memref<10000x64xf32, #tpu.memory_space<vmem_shared>> -> memref<10000x64xf32, #tpu.memory_space<vmem_shared>>
        tpu.enqueue_indirect_dma source(%run_scoped3A_16 : memref<80x64xf32, #tpu.memory_space<vmem>>) target(%dma_start3A_101 : memref<10000x64xf32, #tpu.memory_space<vmem_shared>>) offsets(%dma_start3A_98 : memref<80xi32, #tpu.memory_space<vmem>>) semaphore(%arg17 : memref<!tpu.dma_semaphore, #tpu.memory_space<semaphore_mem>>) {add = true}
        %add3A_102 = arith.constant 5 : i32
        %add3A_103 = arith.addi %add3A_83, %add3A_102 : i32
        %lt3A = arith.constant 250 : i32
        %lt3A_104 = arith.cmpi slt, %add3A_103, %lt3A : i32
        %convert_element_type3A_105 = arith.extui %lt3A_104 : i1 to i32
        %cond3A_106 = arith.constant 0 : i32
        %cond3A_107 = arith.cmpi ne, %convert_element_type3A_105, %cond3A_106 : i32
        scf.if %cond3A_107 {
          %add3A_234 = arith.constant 5 : i32
          %add3A_235 = arith.addi %add3A_83, %add3A_234 : i32
          %dma_start3A_236 = arith.constant 0 : i32
          %dma_start3A_237 = tpu.memref_slice %arg9[%add3A_235, %dma_start3A_236] : memref<250x80xi32, #tpu.memory_space<vmem>> -> memref<1x80xi32, #tpu.memory_space<vmem>>
          %dma_start3A_238 = tpu.memref_squeeze %dma_start3A_237 : memref<1x80xi32, #tpu.memory_space<vmem>> -> memref<80xi32, #tpu.memory_space<vmem>>
          %dma_start3A_239 = arith.constant 0 : i32
          %dma_start3A_240 = arith.constant 0 : i32
          %dma_start3A_241 = tpu.memref_slice %arg4[%dma_start3A_239, %dma_start3A_240] : memref<20000x64xbf16, #tpu.memory_space<hbm>> -> memref<20000x64xbf16, #tpu.memory_space<hbm>>
          tpu.enqueue_indirect_dma source(%dma_start3A_241 : memref<20000x64xbf16, #tpu.memory_space<hbm>>) target(%run_scoped3A_11 : memref<80x64xbf16, #tpu.memory_space<vmem>>) offsets(%dma_start3A_238 : memref<80xi32, #tpu.memory_space<vmem>>) semaphore(%arg12 : memref<!tpu.dma_semaphore, #tpu.memory_space<semaphore_mem>>)
        } else {
        }
        %add3A_108 = arith.constant 1 : i32
        %add3A_109 = arith.addi %mul3A_82, %add3A_108 : i32
        %dma_wait3A_110 = arith.constant 0 : i32
        %dma_wait3A_111 = tpu.memref_slice %arg9[%add3A_109, %dma_wait3A_110] : memref<250x80xi32, #tpu.memory_space<vmem>> -> memref<1x80xi32, #tpu.memory_space<vmem>>
        %dma_wait3A_112 = tpu.memref_squeeze %dma_wait3A_111 : memref<1x80xi32, #tpu.memory_space<vmem>> -> memref<80xi32, #tpu.memory_space<vmem>>
        %dma_wait3A_113 = arith.constant 0 : i32
        %dma_wait3A_114 = arith.constant 0 : i32
        %dma_wait3A_115 = tpu.memref_slice %arg4[%dma_wait3A_113, %dma_wait3A_114] : memref<20000x64xbf16, #tpu.memory_space<hbm>> -> memref<20000x64xbf16, #tpu.memory_space<hbm>>
        tpu.wait_indirect_dma semaphore(%arg13 : memref<!tpu.dma_semaphore, #tpu.memory_space<semaphore_mem>>) src(%dma_wait3A_115 : memref<20000x64xbf16, #tpu.memory_space<hbm>>) dst(%run_scoped3A_12 : memref<80x64xbf16, #tpu.memory_space<vmem>>)
        %gt3A_116 = arith.constant 0 : i32
        %gt3A_117 = arith.cmpi sgt, %scan3A_79, %gt3A_116 : i32
        %convert_element_type3A_118 = arith.extui %gt3A_117 : i1 to i32
        %cond3A_119 = arith.constant 0 : i32
        %cond3A_120 = arith.cmpi ne, %convert_element_type3A_118, %cond3A_119 : i32
        scf.if %cond3A_120 {
          %sub3A_234 = arith.constant 2 : i32
          %sub3A_235 = arith.subi %add3A_109, %sub3A_234 : i32
          %dma_wait3A_236 = arith.constant 0 : i32
          %dma_wait3A_237 = tpu.memref_slice %arg8[%sub3A_235, %dma_wait3A_236] : memref<250x80xi32, #tpu.memory_space<vmem>> -> memref<1x80xi32, #tpu.memory_space<vmem>>
          %dma_wait3A_238 = tpu.memref_squeeze %dma_wait3A_237 : memref<1x80xi32, #tpu.memory_space<vmem>> -> memref<80xi32, #tpu.memory_space<vmem>>
          %dma_wait3A_239 = arith.constant 0 : i32
          %dma_wait3A_240 = arith.constant 0 : i32
          %dma_wait3A_241 = tpu.memref_slice %arg11[%dma_wait3A_239, %dma_wait3A_240] : memref<10000x64xf32, #tpu.memory_space<vmem_shared>> -> memref<10000x64xf32, #tpu.memory_space<vmem_shared>>
          tpu.wait_indirect_dma semaphore(%arg18 : memref<!tpu.dma_semaphore, #tpu.memory_space<semaphore_mem>>) src(%run_scoped3A_17 : memref<80x64xf32, #tpu.memory_space<vmem>>) dst(%dma_wait3A_241 : memref<10000x64xf32, #tpu.memory_space<vmem_shared>>)
        } else {
        }
        %broadcast_in_dim3A_121 = vector.broadcast %add3A_109 : i32 to vector<16xi32>
        %parallel_loop3A_122 = arith.constant 0 : i32
        %parallel_loop3A_123 = arith.constant 80 : i32
        %parallel_loop3A_124 = arith.constant 1 : i32
        scf.for %parallel_loop3A_234 = %parallel_loop3A_122 to %parallel_loop3A_123 step %parallel_loop3A_124  : i32 {
          %parallel_loop3A_235 = vector.broadcast %parallel_loop3A_234 : i32 to vector<16xi32>
          %parallel_loop3A_236 = tpu.vector_load_idx %arg10[%broadcast_in_dim3A_121, %parallel_loop3A_235] : memref<250x80xf32, #tpu.memory_space<vmem>>[vector<16xi32>, vector<16xi32>], vector<16xf32>,
          %parallel_loop3A_237 = arith.index_cast %parallel_loop3A_234 : i32 to index
          %parallel_loop3A_238 = arith.constant 0 : index
          %parallel_loop3A_239 = tpu.vector_load %run_scoped3A_12[%parallel_loop3A_237, %parallel_loop3A_238] {strides = array<i32>} : memref<80x64xbf16, #tpu.memory_space<vmem>>, vector<32xbf16>,
          %parallel_loop3A_240 = tpu.unpack_subelements %parallel_loop3A_239, 0 {pack_format = #tpu.pack_format<interleaved>} : vector<32xbf16> -> vector<16xf32>
          %parallel_loop3A_241 = tpu.unpack_subelements %parallel_loop3A_239, 1 {pack_format = #tpu.pack_format<interleaved>} : vector<32xbf16> -> vector<16xf32>
          %parallel_loop3A_242 = arith.mulf %parallel_loop3A_240, %parallel_loop3A_236 : vector<16xf32>
          %parallel_loop3A_243 = arith.index_cast %parallel_loop3A_234 : i32 to index
          %parallel_loop3A_244 = arith.constant 0 : index
          %parallel_loop3A_245 = tpu.vector_load %run_scoped3A_17[%parallel_loop3A_243, %parallel_loop3A_244] {strides = array<i32>} : memref<80x64xf32, #tpu.memory_space<vmem>>, vector<16xf32>,
          tpu.vector_store %run_scoped3A_17[%parallel_loop3A_243, %parallel_loop3A_244], %parallel_loop3A_242 {strides = array<i32>} : memref<80x64xf32, #tpu.memory_space<vmem>>, vector<16xf32>,
          %parallel_loop3A_246 = arith.mulf %parallel_loop3A_241, %parallel_loop3A_236 : vector<16xf32>
          %parallel_loop3A_247 = arith.index_cast %parallel_loop3A_234 : i32 to index
          %parallel_loop3A_248 = arith.constant 16 : index
          %parallel_loop3A_249 = tpu.vector_load %run_scoped3A_17[%parallel_loop3A_247, %parallel_loop3A_248] {strides = array<i32>} : memref<80x64xf32, #tpu.memory_space<vmem>>, vector<16xf32>,
          tpu.vector_store %run_scoped3A_17[%parallel_loop3A_247, %parallel_loop3A_248], %parallel_loop3A_246 {strides = array<i32>} : memref<80x64xf32, #tpu.memory_space<vmem>>, vector<16xf32>,
          %parallel_loop3A_250 = arith.index_cast %parallel_loop3A_234 : i32 to index
          %parallel_loop3A_251 = arith.constant 32 : index
          %parallel_loop3A_252 = tpu.vector_load %run_scoped3A_12[%parallel_loop3A_250, %parallel_loop3A_251] {strides = array<i32>} : memref<80x64xbf16, #tpu.memory_space<vmem>>, vector<32xbf16>,
          %parallel_loop3A_253 = tpu.unpack_subelements %parallel_loop3A_252, 0 {pack_format = #tpu.pack_format<interleaved>} : vector<32xbf16> -> vector<16xf32>
          %parallel_loop3A_254 = tpu.unpack_subelements %parallel_loop3A_252, 1 {pack_format = #tpu.pack_format<interleaved>} : vector<32xbf16> -> vector<16xf32>
          %parallel_loop3A_255 = arith.mulf %parallel_loop3A_253, %parallel_loop3A_236 : vector<16xf32>
          %parallel_loop3A_256 = arith.index_cast %parallel_loop3A_234 : i32 to index
          %parallel_loop3A_257 = arith.constant 32 : index
          %parallel_loop3A_258 = tpu.vector_load %run_scoped3A_17[%parallel_loop3A_256, %parallel_loop3A_257] {strides = array<i32>} : memref<80x64xf32, #tpu.memory_space<vmem>>, vector<16xf32>,
          tpu.vector_store %run_scoped3A_17[%parallel_loop3A_256, %parallel_loop3A_257], %parallel_loop3A_255 {strides = array<i32>} : memref<80x64xf32, #tpu.memory_space<vmem>>, vector<16xf32>,
          %parallel_loop3A_259 = arith.mulf %parallel_loop3A_254, %parallel_loop3A_236 : vector<16xf32>
          %parallel_loop3A_260 = arith.index_cast %parallel_loop3A_234 : i32 to index
          %parallel_loop3A_261 = arith.constant 48 : index
          %parallel_loop3A_262 = tpu.vector_load %run_scoped3A_17[%parallel_loop3A_260, %parallel_loop3A_261] {strides = array<i32>} : memref<80x64xf32, #tpu.memory_space<vmem>>, vector<16xf32>,
          tpu.vector_store %run_scoped3A_17[%parallel_loop3A_260, %parallel_loop3A_261], %parallel_loop3A_259 {strides = array<i32>} : memref<80x64xf32, #tpu.memory_space<vmem>>, vector<16xf32>,
        } {sc.loop_unroll_factor = 8 : i64, sc.parallel_access}
        %dma_start3A_125 = arith.constant 0 : i32
        %dma_start3A_126 = tpu.memref_slice %arg8[%add3A_109, %dma_start3A_125] : memref<250x80xi32, #tpu.memory_space<vmem>> -> memref<1x80xi32, #tpu.memory_space<vmem>>
        %dma_start3A_127 = tpu.memref_squeeze %dma_start3A_126 : memref<1x80xi32, #tpu.memory_space<vmem>> -> memref<80xi32, #tpu.memory_space<vmem>>
        %dma_start3A_128 = arith.constant 0 : i32
        %dma_start3A_129 = arith.constant 0 : i32
        %dma_start3A_130 = tpu.memref_slice %arg11[%dma_start3A_128, %dma_start3A_129] : memref<10000x64xf32, #tpu.memory_space<vmem_shared>> -> memref<10000x64xf32, #tpu.memory_space<vmem_shared>>
        tpu.enqueue_indirect_dma source(%run_scoped3A_17 : memref<80x64xf32, #tpu.memory_space<vmem>>) target(%dma_start3A_130 : memref<10000x64xf32, #tpu.memory_space<vmem_shared>>) offsets(%dma_start3A_127 : memref<80xi32, #tpu.memory_space<vmem>>) semaphore(%arg18 : memref<!tpu.dma_semaphore, #tpu.memory_space<semaphore_mem>>) {add = true}
        %add3A_131 = arith.constant 5 : i32
        %add3A_132 = arith.addi %add3A_109, %add3A_131 : i32
        %lt3A_133 = arith.constant 250 : i32
        %lt3A_134 = arith.cmpi slt, %add3A_132, %lt3A_133 : i32
        %convert_element_type3A_135 = arith.extui %lt3A_134 : i1 to i32
        %cond3A_136 = arith.constant 0 : i32
        %cond3A_137 = arith.cmpi ne, %convert_element_type3A_135, %cond3A_136 : i32
        scf.if %cond3A_137 {
          %add3A_234 = arith.constant 5 : i32
          %add3A_235 = arith.addi %add3A_109, %add3A_234 : i32
          %dma_start3A_236 = arith.constant 0 : i32
          %dma_start3A_237 = tpu.memref_slice %arg9[%add3A_235, %dma_start3A_236] : memref<250x80xi32, #tpu.memory_space<vmem>> -> memref<1x80xi32, #tpu.memory_space<vmem>>
          %dma_start3A_238 = tpu.memref_squeeze %dma_start3A_237 : memref<1x80xi32, #tpu.memory_space<vmem>> -> memref<80xi32, #tpu.memory_space<vmem>>
          %dma_start3A_239 = arith.constant 0 : i32
          %dma_start3A_240 = arith.constant 0 : i32
          %dma_start3A_241 = tpu.memref_slice %arg4[%dma_start3A_239, %dma_start3A_240] : memref<20000x64xbf16, #tpu.memory_space<hbm>> -> memref<20000x64xbf16, #tpu.memory_space<hbm>>
          tpu.enqueue_indirect_dma source(%dma_start3A_241 : memref<20000x64xbf16, #tpu.memory_space<hbm>>) target(%run_scoped3A_12 : memref<80x64xbf16, #tpu.memory_space<vmem>>) offsets(%dma_start3A_238 : memref<80xi32, #tpu.memory_space<vmem>>) semaphore(%arg13 : memref<!tpu.dma_semaphore, #tpu.memory_space<semaphore_mem>>)
        } else {
        }
        %add3A_138 = arith.constant 2 : i32
        %add3A_139 = arith.addi %mul3A_82, %add3A_138 : i32
        %dma_wait3A_140 = arith.constant 0 : i32
        %dma_wait3A_141 = tpu.memref_slice %arg9[%add3A_139, %dma_wait3A_140] : memref<250x80xi32, #tpu.memory_space<vmem>> -> memref<1x80xi32, #tpu.memory_space<vmem>>
        %dma_wait3A_142 = tpu.memref_squeeze %dma_wait3A_141 : memref<1x80xi32, #tpu.memory_space<vmem>> -> memref<80xi32, #tpu.memory_space<vmem>>
        %dma_wait3A_143 = arith.constant 0 : i32
        %dma_wait3A_144 = arith.constant 0 : i32
        %dma_wait3A_145 = tpu.memref_slice %arg4[%dma_wait3A_143, %dma_wait3A_144] : memref<20000x64xbf16, #tpu.memory_space<hbm>> -> memref<20000x64xbf16, #tpu.memory_space<hbm>>
        tpu.wait_indirect_dma semaphore(%arg14 : memref<!tpu.dma_semaphore, #tpu.memory_space<semaphore_mem>>) src(%dma_wait3A_145 : memref<20000x64xbf16, #tpu.memory_space<hbm>>) dst(%run_scoped3A_13 : memref<80x64xbf16, #tpu.memory_space<vmem>>)
        %gt3A_146 = arith.constant 0 : i32
        %gt3A_147 = arith.cmpi sgt, %scan3A_79, %gt3A_146 : i32
        %convert_element_type3A_148 = arith.extui %gt3A_147 : i1 to i32
        %cond3A_149 = arith.constant 0 : i32
        %cond3A_150 = arith.cmpi ne, %convert_element_type3A_148, %cond3A_149 : i32
        scf.if %cond3A_150 {
          %sub3A_234 = arith.constant 5 : i32
          %sub3A_235 = arith.subi %add3A_139, %sub3A_234 : i32
          %dma_wait3A_236 = arith.constant 0 : i32
          %dma_wait3A_237 = tpu.memref_slice %arg8[%sub3A_235, %dma_wait3A_236] : memref<250x80xi32, #tpu.memory_space<vmem>> -> memref<1x80xi32, #tpu.memory_space<vmem>>
          %dma_wait3A_238 = tpu.memref_squeeze %dma_wait3A_237 : memref<1x80xi32, #tpu.memory_space<vmem>> -> memref<80xi32, #tpu.memory_space<vmem>>
          %dma_wait3A_239 = arith.constant 0 : i32
          %dma_wait3A_240 = arith.constant 0 : i32
          %dma_wait3A_241 = tpu.memref_slice %arg11[%dma_wait3A_239, %dma_wait3A_240] : memref<10000x64xf32, #tpu.memory_space<vmem_shared>> -> memref<10000x64xf32, #tpu.memory_space<vmem_shared>>
          tpu.wait_indirect_dma semaphore(%arg19 : memref<!tpu.dma_semaphore, #tpu.memory_space<semaphore_mem>>) src(%run_scoped3A_18 : memref<80x64xf32, #tpu.memory_space<vmem>>) dst(%dma_wait3A_241 : memref<10000x64xf32, #tpu.memory_space<vmem_shared>>)
        } else {
        }
        %broadcast_in_dim3A_151 = vector.broadcast %add3A_139 : i32 to vector<16xi32>
        %parallel_loop3A_152 = arith.constant 0 : i32
        %parallel_loop3A_153 = arith.constant 80 : i32
        %parallel_loop3A_154 = arith.constant 1 : i32
        scf.for %parallel_loop3A_234 = %parallel_loop3A_152 to %parallel_loop3A_153 step %parallel_loop3A_154  : i32 {
          %parallel_loop3A_235 = vector.broadcast %parallel_loop3A_234 : i32 to vector<16xi32>
          %parallel_loop3A_236 = tpu.vector_load_idx %arg10[%broadcast_in_dim3A_151, %parallel_loop3A_235] : memref<250x80xf32, #tpu.memory_space<vmem>>[vector<16xi32>, vector<16xi32>], vector<16xf32>,
          %parallel_loop3A_237 = arith.index_cast %parallel_loop3A_234 : i32 to index
          %parallel_loop3A_238 = arith.constant 0 : index
          %parallel_loop3A_239 = tpu.vector_load %run_scoped3A_13[%parallel_loop3A_237, %parallel_loop3A_238] {strides = array<i32>} : memref<80x64xbf16, #tpu.memory_space<vmem>>, vector<32xbf16>,
          %parallel_loop3A_240 = tpu.unpack_subelements %parallel_loop3A_239, 0 {pack_format = #tpu.pack_format<interleaved>} : vector<32xbf16> -> vector<16xf32>
          %parallel_loop3A_241 = tpu.unpack_subelements %parallel_loop3A_239, 1 {pack_format = #tpu.pack_format<interleaved>} : vector<32xbf16> -> vector<16xf32>
          %parallel_loop3A_242 = arith.mulf %parallel_loop3A_240, %parallel_loop3A_236 : vector<16xf32>
          %parallel_loop3A_243 = arith.index_cast %parallel_loop3A_234 : i32 to index
          %parallel_loop3A_244 = arith.constant 0 : index
          %parallel_loop3A_245 = tpu.vector_load %run_scoped3A_18[%parallel_loop3A_243, %parallel_loop3A_244] {strides = array<i32>} : memref<80x64xf32, #tpu.memory_space<vmem>>, vector<16xf32>,
          tpu.vector_store %run_scoped3A_18[%parallel_loop3A_243, %parallel_loop3A_244], %parallel_loop3A_242 {strides = array<i32>} : memref<80x64xf32, #tpu.memory_space<vmem>>, vector<16xf32>,
          %parallel_loop3A_246 = arith.mulf %parallel_loop3A_241, %parallel_loop3A_236 : vector<16xf32>
          %parallel_loop3A_247 = arith.index_cast %parallel_loop3A_234 : i32 to index
          %parallel_loop3A_248 = arith.constant 16 : index
          %parallel_loop3A_249 = tpu.vector_load %run_scoped3A_18[%parallel_loop3A_247, %parallel_loop3A_248] {strides = array<i32>} : memref<80x64xf32, #tpu.memory_space<vmem>>, vector<16xf32>,
          tpu.vector_store %run_scoped3A_18[%parallel_loop3A_247, %parallel_loop3A_248], %parallel_loop3A_246 {strides = array<i32>} : memref<80x64xf32, #tpu.memory_space<vmem>>, vector<16xf32>,
          %parallel_loop3A_250 = arith.index_cast %parallel_loop3A_234 : i32 to index
          %parallel_loop3A_251 = arith.constant 32 : index
          %parallel_loop3A_252 = tpu.vector_load %run_scoped3A_13[%parallel_loop3A_250, %parallel_loop3A_251] {strides = array<i32>} : memref<80x64xbf16, #tpu.memory_space<vmem>>, vector<32xbf16>,
          %parallel_loop3A_253 = tpu.unpack_subelements %parallel_loop3A_252, 0 {pack_format = #tpu.pack_format<interleaved>} : vector<32xbf16> -> vector<16xf32>
          %parallel_loop3A_254 = tpu.unpack_subelements %parallel_loop3A_252, 1 {pack_format = #tpu.pack_format<interleaved>} : vector<32xbf16> -> vector<16xf32>
          %parallel_loop3A_255 = arith.mulf %parallel_loop3A_253, %parallel_loop3A_236 : vector<16xf32>
          %parallel_loop3A_256 = arith.index_cast %parallel_loop3A_234 : i32 to index
          %parallel_loop3A_257 = arith.constant 32 : index
          %parallel_loop3A_258 = tpu.vector_load %run_scoped3A_18[%parallel_loop3A_256, %parallel_loop3A_257] {strides = array<i32>} : memref<80x64xf32, #tpu.memory_space<vmem>>, vector<16xf32>,
          tpu.vector_store %run_scoped3A_18[%parallel_loop3A_256, %parallel_loop3A_257], %parallel_loop3A_255 {strides = array<i32>} : memref<80x64xf32, #tpu.memory_space<vmem>>, vector<16xf32>,
          %parallel_loop3A_259 = arith.mulf %parallel_loop3A_254, %parallel_loop3A_236 : vector<16xf32>
          %parallel_loop3A_260 = arith.index_cast %parallel_loop3A_234 : i32 to index
          %parallel_loop3A_261 = arith.constant 48 : index
          %parallel_loop3A_262 = tpu.vector_load %run_scoped3A_18[%parallel_loop3A_260, %parallel_loop3A_261] {strides = array<i32>} : memref<80x64xf32, #tpu.memory_space<vmem>>, vector<16xf32>,
          tpu.vector_store %run_scoped3A_18[%parallel_loop3A_260, %parallel_loop3A_261], %parallel_loop3A_259 {strides = array<i32>} : memref<80x64xf32, #tpu.memory_space<vmem>>, vector<16xf32>,
        } {sc.loop_unroll_factor = 8 : i64, sc.parallel_access}
        %dma_start3A_155 = arith.constant 0 : i32
        %dma_start3A_156 = tpu.memref_slice %arg8[%add3A_139, %dma_start3A_155] : memref<250x80xi32, #tpu.memory_space<vmem>> -> memref<1x80xi32, #tpu.memory_space<vmem>>
        %dma_start3A_157 = tpu.memref_squeeze %dma_start3A_156 : memref<1x80xi32, #tpu.memory_space<vmem>> -> memref<80xi32, #tpu.memory_space<vmem>>
        %dma_start3A_158 = arith.constant 0 : i32
        %dma_start3A_159 = arith.constant 0 : i32
        %dma_start3A_160 = tpu.memref_slice %arg11[%dma_start3A_158, %dma_start3A_159] : memref<10000x64xf32, #tpu.memory_space<vmem_shared>> -> memref<10000x64xf32, #tpu.memory_space<vmem_shared>>
        tpu.enqueue_indirect_dma source(%run_scoped3A_18 : memref<80x64xf32, #tpu.memory_space<vmem>>) target(%dma_start3A_160 : memref<10000x64xf32, #tpu.memory_space<vmem_shared>>) offsets(%dma_start3A_157 : memref<80xi32, #tpu.memory_space<vmem>>) semaphore(%arg19 : memref<!tpu.dma_semaphore, #tpu.memory_space<semaphore_mem>>) {add = true}
        %add3A_161 = arith.constant 5 : i32
        %add3A_162 = arith.addi %add3A_139, %add3A_161 : i32
        %lt3A_163 = arith.constant 250 : i32
        %lt3A_164 = arith.cmpi slt, %add3A_162, %lt3A_163 : i32
        %convert_element_type3A_165 = arith.extui %lt3A_164 : i1 to i32
        %cond3A_166 = arith.constant 0 : i32
        %cond3A_167 = arith.cmpi ne, %convert_element_type3A_165, %cond3A_166 : i32
        scf.if %cond3A_167 {
          %add3A_234 = arith.constant 5 : i32
          %add3A_235 = arith.addi %add3A_139, %add3A_234 : i32
          %dma_start3A_236 = arith.constant 0 : i32
          %dma_start3A_237 = tpu.memref_slice %arg9[%add3A_235, %dma_start3A_236] : memref<250x80xi32, #tpu.memory_space<vmem>> -> memref<1x80xi32, #tpu.memory_space<vmem>>
          %dma_start3A_238 = tpu.memref_squeeze %dma_start3A_237 : memref<1x80xi32, #tpu.memory_space<vmem>> -> memref<80xi32, #tpu.memory_space<vmem>>
          %dma_start3A_239 = arith.constant 0 : i32
          %dma_start3A_240 = arith.constant 0 : i32
          %dma_start3A_241 = tpu.memref_slice %arg4[%dma_start3A_239, %dma_start3A_240] : memref<20000x64xbf16, #tpu.memory_space<hbm>> -> memref<20000x64xbf16, #tpu.memory_space<hbm>>
          tpu.enqueue_indirect_dma source(%dma_start3A_241 : memref<20000x64xbf16, #tpu.memory_space<hbm>>) target(%run_scoped3A_13 : memref<80x64xbf16, #tpu.memory_space<vmem>>) offsets(%dma_start3A_238 : memref<80xi32, #tpu.memory_space<vmem>>) semaphore(%arg14 : memref<!tpu.dma_semaphore, #tpu.memory_space<semaphore_mem>>)
        } else {
        }
        %add3A_168 = arith.constant 3 : i32
        %add3A_169 = arith.addi %mul3A_82, %add3A_168 : i32
        %dma_wait3A_170 = arith.constant 0 : i32
        %dma_wait3A_171 = tpu.memref_slice %arg9[%add3A_169, %dma_wait3A_170] : memref<250x80xi32, #tpu.memory_space<vmem>> -> memref<1x80xi32, #tpu.memory_space<vmem>>
        %dma_wait3A_172 = tpu.memref_squeeze %dma_wait3A_171 : memref<1x80xi32, #tpu.memory_space<vmem>> -> memref<80xi32, #tpu.memory_space<vmem>>
        %dma_wait3A_173 = arith.constant 0 : i32
        %dma_wait3A_174 = arith.constant 0 : i32
        %dma_wait3A_175 = tpu.memref_slice %arg4[%dma_wait3A_173, %dma_wait3A_174] : memref<20000x64xbf16, #tpu.memory_space<hbm>> -> memref<20000x64xbf16, #tpu.memory_space<hbm>>
        tpu.wait_indirect_dma semaphore(%arg15 : memref<!tpu.dma_semaphore, #tpu.memory_space<semaphore_mem>>) src(%dma_wait3A_175 : memref<20000x64xbf16, #tpu.memory_space<hbm>>) dst(%run_scoped3A_14 : memref<80x64xbf16, #tpu.memory_space<vmem>>)
        %sub3A = arith.constant 3 : i32
        %sub3A_176 = arith.subi %add3A_169, %sub3A : i32
        %dma_wait3A_177 = arith.constant 0 : i32
        %dma_wait3A_178 = tpu.memref_slice %arg8[%sub3A_176, %dma_wait3A_177] : memref<250x80xi32, #tpu.memory_space<vmem>> -> memref<1x80xi32, #tpu.memory_space<vmem>>
        %dma_wait3A_179 = tpu.memref_squeeze %dma_wait3A_178 : memref<1x80xi32, #tpu.memory_space<vmem>> -> memref<80xi32, #tpu.memory_space<vmem>>
        %dma_wait3A_180 = arith.constant 0 : i32
        %dma_wait3A_181 = arith.constant 0 : i32
        %dma_wait3A_182 = tpu.memref_slice %arg11[%dma_wait3A_180, %dma_wait3A_181] : memref<10000x64xf32, #tpu.memory_space<vmem_shared>> -> memref<10000x64xf32, #tpu.memory_space<vmem_shared>>
        tpu.wait_indirect_dma semaphore(%arg17 : memref<!tpu.dma_semaphore, #tpu.memory_space<semaphore_mem>>) src(%run_scoped3A_16 : memref<80x64xf32, #tpu.memory_space<vmem>>) dst(%dma_wait3A_182 : memref<10000x64xf32, #tpu.memory_space<vmem_shared>>)
        %broadcast_in_dim3A_183 = vector.broadcast %add3A_169 : i32 to vector<16xi32>
        %parallel_loop3A_184 = arith.constant 0 : i32
        %parallel_loop3A_185 = arith.constant 80 : i32
        %parallel_loop3A_186 = arith.constant 1 : i32
        scf.for %parallel_loop3A_234 = %parallel_loop3A_184 to %parallel_loop3A_185 step %parallel_loop3A_186  : i32 {
          %parallel_loop3A_235 = vector.broadcast %parallel_loop3A_234 : i32 to vector<16xi32>
          %parallel_loop3A_236 = tpu.vector_load_idx %arg10[%broadcast_in_dim3A_183, %parallel_loop3A_235] : memref<250x80xf32, #tpu.memory_space<vmem>>[vector<16xi32>, vector<16xi32>], vector<16xf32>,
          %parallel_loop3A_237 = arith.index_cast %parallel_loop3A_234 : i32 to index
          %parallel_loop3A_238 = arith.constant 0 : index
          %parallel_loop3A_239 = tpu.vector_load %run_scoped3A_14[%parallel_loop3A_237, %parallel_loop3A_238] {strides = array<i32>} : memref<80x64xbf16, #tpu.memory_space<vmem>>, vector<32xbf16>,
          %parallel_loop3A_240 = tpu.unpack_subelements %parallel_loop3A_239, 0 {pack_format = #tpu.pack_format<interleaved>} : vector<32xbf16> -> vector<16xf32>
          %parallel_loop3A_241 = tpu.unpack_subelements %parallel_loop3A_239, 1 {pack_format = #tpu.pack_format<interleaved>} : vector<32xbf16> -> vector<16xf32>
          %parallel_loop3A_242 = arith.mulf %parallel_loop3A_240, %parallel_loop3A_236 : vector<16xf32>
          %parallel_loop3A_243 = arith.index_cast %parallel_loop3A_234 : i32 to index
          %parallel_loop3A_244 = arith.constant 0 : index
          %parallel_loop3A_245 = tpu.vector_load %run_scoped3A_16[%parallel_loop3A_243, %parallel_loop3A_244] {strides = array<i32>} : memref<80x64xf32, #tpu.memory_space<vmem>>, vector<16xf32>,
          tpu.vector_store %run_scoped3A_16[%parallel_loop3A_243, %parallel_loop3A_244], %parallel_loop3A_242 {strides = array<i32>} : memref<80x64xf32, #tpu.memory_space<vmem>>, vector<16xf32>,
          %parallel_loop3A_246 = arith.mulf %parallel_loop3A_241, %parallel_loop3A_236 : vector<16xf32>
          %parallel_loop3A_247 = arith.index_cast %parallel_loop3A_234 : i32 to index
          %parallel_loop3A_248 = arith.constant 16 : index
          %parallel_loop3A_249 = tpu.vector_load %run_scoped3A_16[%parallel_loop3A_247, %parallel_loop3A_248] {strides = array<i32>} : memref<80x64xf32, #tpu.memory_space<vmem>>, vector<16xf32>,
          tpu.vector_store %run_scoped3A_16[%parallel_loop3A_247, %parallel_loop3A_248], %parallel_loop3A_246 {strides = array<i32>} : memref<80x64xf32, #tpu.memory_space<vmem>>, vector<16xf32>,
          %parallel_loop3A_250 = arith.index_cast %parallel_loop3A_234 : i32 to index
          %parallel_loop3A_251 = arith.constant 32 : index
          %parallel_loop3A_252 = tpu.vector_load %run_scoped3A_14[%parallel_loop3A_250, %parallel_loop3A_251] {strides = array<i32>} : memref<80x64xbf16, #tpu.memory_space<vmem>>, vector<32xbf16>,
          %parallel_loop3A_253 = tpu.unpack_subelements %parallel_loop3A_252, 0 {pack_format = #tpu.pack_format<interleaved>} : vector<32xbf16> -> vector<16xf32>
          %parallel_loop3A_254 = tpu.unpack_subelements %parallel_loop3A_252, 1 {pack_format = #tpu.pack_format<interleaved>} : vector<32xbf16> -> vector<16xf32>
          %parallel_loop3A_255 = arith.mulf %parallel_loop3A_253, %parallel_loop3A_236 : vector<16xf32>
          %parallel_loop3A_256 = arith.index_cast %parallel_loop3A_234 : i32 to index
          %parallel_loop3A_257 = arith.constant 32 : index
          %parallel_loop3A_258 = tpu.vector_load %run_scoped3A_16[%parallel_loop3A_256, %parallel_loop3A_257] {strides = array<i32>} : memref<80x64xf32, #tpu.memory_space<vmem>>, vector<16xf32>,
          tpu.vector_store %run_scoped3A_16[%parallel_loop3A_256, %parallel_loop3A_257], %parallel_loop3A_255 {strides = array<i32>} : memref<80x64xf32, #tpu.memory_space<vmem>>, vector<16xf32>,
          %parallel_loop3A_259 = arith.mulf %parallel_loop3A_254, %parallel_loop3A_236 : vector<16xf32>
          %parallel_loop3A_260 = arith.index_cast %parallel_loop3A_234 : i32 to index
          %parallel_loop3A_261 = arith.constant 48 : index
          %parallel_loop3A_262 = tpu.vector_load %run_scoped3A_16[%parallel_loop3A_260, %parallel_loop3A_261] {strides = array<i32>} : memref<80x64xf32, #tpu.memory_space<vmem>>, vector<16xf32>,
          tpu.vector_store %run_scoped3A_16[%parallel_loop3A_260, %parallel_loop3A_261], %parallel_loop3A_259 {strides = array<i32>} : memref<80x64xf32, #tpu.memory_space<vmem>>, vector<16xf32>,
        } {sc.loop_unroll_factor = 8 : i64, sc.parallel_access}
        %dma_start3A_187 = arith.constant 0 : i32
        %dma_start3A_188 = tpu.memref_slice %arg8[%add3A_169, %dma_start3A_187] : memref<250x80xi32, #tpu.memory_space<vmem>> -> memref<1x80xi32, #tpu.memory_space<vmem>>
        %dma_start3A_189 = tpu.memref_squeeze %dma_start3A_188 : memref<1x80xi32, #tpu.memory_space<vmem>> -> memref<80xi32, #tpu.memory_space<vmem>>
        %dma_start3A_190 = arith.constant 0 : i32
        %dma_start3A_191 = arith.constant 0 : i32
        %dma_start3A_192 = tpu.memref_slice %arg11[%dma_start3A_190, %dma_start3A_191] : memref<10000x64xf32, #tpu.memory_space<vmem_shared>> -> memref<10000x64xf32, #tpu.memory_space<vmem_shared>>
        tpu.enqueue_indirect_dma source(%run_scoped3A_16 : memref<80x64xf32, #tpu.memory_space<vmem>>) target(%dma_start3A_192 : memref<10000x64xf32, #tpu.memory_space<vmem_shared>>) offsets(%dma_start3A_189 : memref<80xi32, #tpu.memory_space<vmem>>) semaphore(%arg17 : memref<!tpu.dma_semaphore, #tpu.memory_space<semaphore_mem>>) {add = true}
        %add3A_193 = arith.constant 5 : i32
        %add3A_194 = arith.addi %add3A_169, %add3A_193 : i32
        %lt3A_195 = arith.constant 250 : i32
        %lt3A_196 = arith.cmpi slt, %add3A_194, %lt3A_195 : i32
        %convert_element_type3A_197 = arith.extui %lt3A_196 : i1 to i32
        %cond3A_198 = arith.constant 0 : i32
        %cond3A_199 = arith.cmpi ne, %convert_element_type3A_197, %cond3A_198 : i32
        scf.if %cond3A_199 {
          %add3A_234 = arith.constant 5 : i32
          %add3A_235 = arith.addi %add3A_169, %add3A_234 : i32
          %dma_start3A_236 = arith.constant 0 : i32
          %dma_start3A_237 = tpu.memref_slice %arg9[%add3A_235, %dma_start3A_236] : memref<250x80xi32, #tpu.memory_space<vmem>> -> memref<1x80xi32, #tpu.memory_space<vmem>>
          %dma_start3A_238 = tpu.memref_squeeze %dma_start3A_237 : memref<1x80xi32, #tpu.memory_space<vmem>> -> memref<80xi32, #tpu.memory_space<vmem>>
          %dma_start3A_239 = arith.constant 0 : i32
          %dma_start3A_240 = arith.constant 0 : i32
          %dma_start3A_241 = tpu.memref_slice %arg4[%dma_start3A_239, %dma_start3A_240] : memref<20000x64xbf16, #tpu.memory_space<hbm>> -> memref<20000x64xbf16, #tpu.memory_space<hbm>>
          tpu.enqueue_indirect_dma source(%dma_start3A_241 : memref<20000x64xbf16, #tpu.memory_space<hbm>>) target(%run_scoped3A_14 : memref<80x64xbf16, #tpu.memory_space<vmem>>) offsets(%dma_start3A_238 : memref<80xi32, #tpu.memory_space<vmem>>) semaphore(%arg15 : memref<!tpu.dma_semaphore, #tpu.memory_space<semaphore_mem>>)
        } else {
        }
        %add3A_200 = arith.constant 4 : i32
        %add3A_201 = arith.addi %mul3A_82, %add3A_200 : i32
        %dma_wait3A_202 = arith.constant 0 : i32
        %dma_wait3A_203 = tpu.memref_slice %arg9[%add3A_201, %dma_wait3A_202] : memref<250x80xi32, #tpu.memory_space<vmem>> -> memref<1x80xi32, #tpu.memory_space<vmem>>
        %dma_wait3A_204 = tpu.memref_squeeze %dma_wait3A_203 : memref<1x80xi32, #tpu.memory_space<vmem>> -> memref<80xi32, #tpu.memory_space<vmem>>
        %dma_wait3A_205 = arith.constant 0 : i32
        %dma_wait3A_206 = arith.constant 0 : i32
        %dma_wait3A_207 = tpu.memref_slice %arg4[%dma_wait3A_205, %dma_wait3A_206] : memref<20000x64xbf16, #tpu.memory_space<hbm>> -> memref<20000x64xbf16, #tpu.memory_space<hbm>>
        tpu.wait_indirect_dma semaphore(%arg16 : memref<!tpu.dma_semaphore, #tpu.memory_space<semaphore_mem>>) src(%dma_wait3A_207 : memref<20000x64xbf16, #tpu.memory_space<hbm>>) dst(%run_scoped3A_15 : memref<80x64xbf16, #tpu.memory_space<vmem>>)
        %sub3A_208 = arith.constant 3 : i32
        %sub3A_209 = arith.subi %add3A_201, %sub3A_208 : i32
        %dma_wait3A_210 = arith.constant 0 : i32
        %dma_wait3A_211 = tpu.memref_slice %arg8[%sub3A_209, %dma_wait3A_210] : memref<250x80xi32, #tpu.memory_space<vmem>> -> memref<1x80xi32, #tpu.memory_space<vmem>>
        %dma_wait3A_212 = tpu.memref_squeeze %dma_wait3A_211 : memref<1x80xi32, #tpu.memory_space<vmem>> -> memref<80xi32, #tpu.memory_space<vmem>>
        %dma_wait3A_213 = arith.constant 0 : i32
        %dma_wait3A_214 = arith.constant 0 : i32
        %dma_wait3A_215 = tpu.memref_slice %arg11[%dma_wait3A_213, %dma_wait3A_214] : memref<10000x64xf32, #tpu.memory_space<vmem_shared>> -> memref<10000x64xf32, #tpu.memory_space<vmem_shared>>
        tpu.wait_indirect_dma semaphore(%arg18 : memref<!tpu.dma_semaphore, #tpu.memory_space<semaphore_mem>>) src(%run_scoped3A_17 : memref<80x64xf32, #tpu.memory_space<vmem>>) dst(%dma_wait3A_215 : memref<10000x64xf32, #tpu.memory_space<vmem_shared>>)
        %broadcast_in_dim3A_216 = vector.broadcast %add3A_201 : i32 to vector<16xi32>
        %parallel_loop3A_217 = arith.constant 0 : i32
        %parallel_loop3A_218 = arith.constant 80 : i32
        %parallel_loop3A_219 = arith.constant 1 : i32
        scf.for %parallel_loop3A_234 = %parallel_loop3A_217 to %parallel_loop3A_218 step %parallel_loop3A_219  : i32 {
          %parallel_loop3A_235 = vector.broadcast %parallel_loop3A_234 : i32 to vector<16xi32>
          %parallel_loop3A_236 = tpu.vector_load_idx %arg10[%broadcast_in_dim3A_216, %parallel_loop3A_235] : memref<250x80xf32, #tpu.memory_space<vmem>>[vector<16xi32>, vector<16xi32>], vector<16xf32>,
          %parallel_loop3A_237 = arith.index_cast %parallel_loop3A_234 : i32 to index
          %parallel_loop3A_238 = arith.constant 0 : index
          %parallel_loop3A_239 = tpu.vector_load %run_scoped3A_15[%parallel_loop3A_237, %parallel_loop3A_238] {strides = array<i32>} : memref<80x64xbf16, #tpu.memory_space<vmem>>, vector<32xbf16>,
          %parallel_loop3A_240 = tpu.unpack_subelements %parallel_loop3A_239, 0 {pack_format = #tpu.pack_format<interleaved>} : vector<32xbf16> -> vector<16xf32>
          %parallel_loop3A_241 = tpu.unpack_subelements %parallel_loop3A_239, 1 {pack_format = #tpu.pack_format<interleaved>} : vector<32xbf16> -> vector<16xf32>
          %parallel_loop3A_242 = arith.mulf %parallel_loop3A_240, %parallel_loop3A_236 : vector<16xf32>
          %parallel_loop3A_243 = arith.index_cast %parallel_loop3A_234 : i32 to index
          %parallel_loop3A_244 = arith.constant 0 : index
          %parallel_loop3A_245 = tpu.vector_load %run_scoped3A_17[%parallel_loop3A_243, %parallel_loop3A_244] {strides = array<i32>} : memref<80x64xf32, #tpu.memory_space<vmem>>, vector<16xf32>,
          tpu.vector_store %run_scoped3A_17[%parallel_loop3A_243, %parallel_loop3A_244], %parallel_loop3A_242 {strides = array<i32>} : memref<80x64xf32, #tpu.memory_space<vmem>>, vector<16xf32>,
          %parallel_loop3A_246 = arith.mulf %parallel_loop3A_241, %parallel_loop3A_236 : vector<16xf32>
          %parallel_loop3A_247 = arith.index_cast %parallel_loop3A_234 : i32 to index
          %parallel_loop3A_248 = arith.constant 16 : index
          %parallel_loop3A_249 = tpu.vector_load %run_scoped3A_17[%parallel_loop3A_247, %parallel_loop3A_248] {strides = array<i32>} : memref<80x64xf32, #tpu.memory_space<vmem>>, vector<16xf32>,
          tpu.vector_store %run_scoped3A_17[%parallel_loop3A_247, %parallel_loop3A_248], %parallel_loop3A_246 {strides = array<i32>} : memref<80x64xf32, #tpu.memory_space<vmem>>, vector<16xf32>,
          %parallel_loop3A_250 = arith.index_cast %parallel_loop3A_234 : i32 to index
          %parallel_loop3A_251 = arith.constant 32 : index
          %parallel_loop3A_252 = tpu.vector_load %run_scoped3A_15[%parallel_loop3A_250, %parallel_loop3A_251] {strides = array<i32>} : memref<80x64xbf16, #tpu.memory_space<vmem>>, vector<32xbf16>,
          %parallel_loop3A_253 = tpu.unpack_subelements %parallel_loop3A_252, 0 {pack_format = #tpu.pack_format<interleaved>} : vector<32xbf16> -> vector<16xf32>
          %parallel_loop3A_254 = tpu.unpack_subelements %parallel_loop3A_252, 1 {pack_format = #tpu.pack_format<interleaved>} : vector<32xbf16> -> vector<16xf32>
          %parallel_loop3A_255 = arith.mulf %parallel_loop3A_253, %parallel_loop3A_236 : vector<16xf32>
          %parallel_loop3A_256 = arith.index_cast %parallel_loop3A_234 : i32 to index
          %parallel_loop3A_257 = arith.constant 32 : index
          %parallel_loop3A_258 = tpu.vector_load %run_scoped3A_17[%parallel_loop3A_256, %parallel_loop3A_257] {strides = array<i32>} : memref<80x64xf32, #tpu.memory_space<vmem>>, vector<16xf32>,
          tpu.vector_store %run_scoped3A_17[%parallel_loop3A_256, %parallel_loop3A_257], %parallel_loop3A_255 {strides = array<i32>} : memref<80x64xf32, #tpu.memory_space<vmem>>, vector<16xf32>,
          %parallel_loop3A_259 = arith.mulf %parallel_loop3A_254, %parallel_loop3A_236 : vector<16xf32>
          %parallel_loop3A_260 = arith.index_cast %parallel_loop3A_234 : i32 to index
          %parallel_loop3A_261 = arith.constant 48 : index
          %parallel_loop3A_262 = tpu.vector_load %run_scoped3A_17[%parallel_loop3A_260, %parallel_loop3A_261] {strides = array<i32>} : memref<80x64xf32, #tpu.memory_space<vmem>>, vector<16xf32>,
          tpu.vector_store %run_scoped3A_17[%parallel_loop3A_260, %parallel_loop3A_261], %parallel_loop3A_259 {strides = array<i32>} : memref<80x64xf32, #tpu.memory_space<vmem>>, vector<16xf32>,
        } {sc.loop_unroll_factor = 8 : i64, sc.parallel_access}
        %dma_start3A_220 = arith.constant 0 : i32
        %dma_start3A_221 = tpu.memref_slice %arg8[%add3A_201, %dma_start3A_220] : memref<250x80xi32, #tpu.memory_space<vmem>> -> memref<1x80xi32, #tpu.memory_space<vmem>>
        %dma_start3A_222 = tpu.memref_squeeze %dma_start3A_221 : memref<1x80xi32, #tpu.memory_space<vmem>> -> memref<80xi32, #tpu.memory_space<vmem>>
        %dma_start3A_223 = arith.constant 0 : i32
        %dma_start3A_224 = arith.constant 0 : i32
        %dma_start3A_225 = tpu.memref_slice %arg11[%dma_start3A_223, %dma_start3A_224] : memref<10000x64xf32, #tpu.memory_space<vmem_shared>> -> memref<10000x64xf32, #tpu.memory_space<vmem_shared>>
        tpu.enqueue_indirect_dma source(%run_scoped3A_17 : memref<80x64xf32, #tpu.memory_space<vmem>>) target(%dma_start3A_225 : memref<10000x64xf32, #tpu.memory_space<vmem_shared>>) offsets(%dma_start3A_222 : memref<80xi32, #tpu.memory_space<vmem>>) semaphore(%arg18 : memref<!tpu.dma_semaphore, #tpu.memory_space<semaphore_mem>>) {add = true}
        %add3A_226 = arith.constant 5 : i32
        %add3A_227 = arith.addi %add3A_201, %add3A_226 : i32
        %lt3A_228 = arith.constant 250 : i32
        %lt3A_229 = arith.cmpi slt, %add3A_227, %lt3A_228 : i32
        %convert_element_type3A_230 = arith.extui %lt3A_229 : i1 to i32
        %cond3A_231 = arith.constant 0 : i32
        %cond3A_232 = arith.cmpi ne, %convert_element_type3A_230, %cond3A_231 : i32
        scf.if %cond3A_232 {
          %add3A_234 = arith.constant 5 : i32
          %add3A_235 = arith.addi %add3A_201, %add3A_234 : i32
          %dma_start3A_236 = arith.constant 0 : i32
          %dma_start3A_237 = tpu.memref_slice %arg9[%add3A_235, %dma_start3A_236] : memref<250x80xi32, #tpu.memory_space<vmem>> -> memref<1x80xi32, #tpu.memory_space<vmem>>
          %dma_start3A_238 = tpu.memref_squeeze %dma_start3A_237 : memref<1x80xi32, #tpu.memory_space<vmem>> -> memref<80xi32, #tpu.memory_space<vmem>>
          %dma_start3A_239 = arith.constant 0 : i32
          %dma_start3A_240 = arith.constant 0 : i32
          %dma_start3A_241 = tpu.memref_slice %arg4[%dma_start3A_239, %dma_start3A_240] : memref<20000x64xbf16, #tpu.memory_space<hbm>> -> memref<20000x64xbf16, #tpu.memory_space<hbm>>
          tpu.enqueue_indirect_dma source(%dma_start3A_241 : memref<20000x64xbf16, #tpu.memory_space<hbm>>) target(%run_scoped3A_15 : memref<80x64xbf16, #tpu.memory_space<vmem>>) offsets(%dma_start3A_238 : memref<80xi32, #tpu.memory_space<vmem>>) semaphore(%arg16 : memref<!tpu.dma_semaphore, #tpu.memory_space<semaphore_mem>>)
        } else {
        }
        %scan3A_233 = arith.constant 0 : i32
        scf.yield %scan3A_233 : i32
      }
      %scan3A_58 = arith.constant 50 : i32
      %dma_wait3A = arith.constant 248 : i32
      %dma_wait3A_59 = arith.constant 0 : i32
      %dma_wait3A_60 = tpu.memref_slice %arg8[%dma_wait3A, %dma_wait3A_59] : memref<250x80xi32, #tpu.memory_space<vmem>> -> memref<1x80xi32, #tpu.memory_space<vmem>>
      %dma_wait3A_61 = tpu.memref_squeeze %dma_wait3A_60 : memref<1x80xi32, #tpu.memory_space<vmem>> -> memref<80xi32, #tpu.memory_space<vmem>>
      %dma_wait3A_62 = arith.constant 0 : i32
      %dma_wait3A_63 = arith.constant 0 : i32
      %dma_wait3A_64 = tpu.memref_slice %arg11[%dma_wait3A_62, %dma_wait3A_63] : memref<10000x64xf32, #tpu.memory_space<vmem_shared>> -> memref<10000x64xf32, #tpu.memory_space<vmem_shared>>
      tpu.wait_indirect_dma semaphore(%arg17 : memref<!tpu.dma_semaphore, #tpu.memory_space<semaphore_mem>>) src(%run_scoped3A_16 : memref<80x64xf32, #tpu.memory_space<vmem>>) dst(%dma_wait3A_64 : memref<10000x64xf32, #tpu.memory_space<vmem_shared>>)
      %dma_wait3A_65 = arith.constant 249 : i32
      %dma_wait3A_66 = arith.constant 0 : i32
      %dma_wait3A_67 = tpu.memref_slice %arg8[%dma_wait3A_65, %dma_wait3A_66] : memref<250x80xi32, #tpu.memory_space<vmem>> -> memref<1x80xi32, #tpu.memory_space<vmem>>
      %dma_wait3A_68 = tpu.memref_squeeze %dma_wait3A_67 : memref<1x80xi32, #tpu.memory_space<vmem>> -> memref<80xi32, #tpu.memory_space<vmem>>
      %dma_wait3A_69 = arith.constant 0 : i32
      %dma_wait3A_70 = arith.constant 0 : i32
      %dma_wait3A_71 = tpu.memref_slice %arg11[%dma_wait3A_69, %dma_wait3A_70] : memref<10000x64xf32, #tpu.memory_space<vmem_shared>> -> memref<10000x64xf32, #tpu.memory_space<vmem_shared>>
      tpu.wait_indirect_dma semaphore(%arg18 : memref<!tpu.dma_semaphore, #tpu.memory_space<semaphore_mem>>) src(%run_scoped3A_17 : memref<80x64xf32, #tpu.memory_space<vmem>>) dst(%dma_wait3A_71 : memref<10000x64xf32, #tpu.memory_space<vmem_shared>>)
      %dma_wait3A_72 = arith.constant 247 : i32
      %dma_wait3A_73 = arith.constant 0 : i32
      %dma_wait3A_74 = tpu.memref_slice %arg8[%dma_wait3A_72, %dma_wait3A_73] : memref<250x80xi32, #tpu.memory_space<vmem>> -> memref<1x80xi32, #tpu.memory_space<vmem>>
      %dma_wait3A_75 = tpu.memref_squeeze %dma_wait3A_74 : memref<1x80xi32, #tpu.memory_space<vmem>> -> memref<80xi32, #tpu.memory_space<vmem>>
      %dma_wait3A_76 = arith.constant 0 : i32
      %dma_wait3A_77 = arith.constant 0 : i32
      %dma_wait3A_78 = tpu.memref_slice %arg11[%dma_wait3A_76, %dma_wait3A_77] : memref<10000x64xf32, #tpu.memory_space<vmem_shared>> -> memref<10000x64xf32, #tpu.memory_space<vmem_shared>>
      tpu.wait_indirect_dma semaphore(%arg19 : memref<!tpu.dma_semaphore, #tpu.memory_space<semaphore_mem>>) src(%run_scoped3A_18 : memref<80x64xf32, #tpu.memory_space<vmem>>) dst(%dma_wait3A_78 : memref<10000x64xf32, #tpu.memory_space<vmem_shared>>)
      tpu.yield
    }) : () -> ()
    %barrier3A_4 = arith.constant 0 : index
    tpu.barrier barrier_id(%barrier3A_4)
    %mul3A_5 = arith.constant 625 : i32
    %mul3A_6 = arith.muli %arg1, %mul3A_5 : i32
    %mul3A_7 = arith.constant 625 : i32
    %mul3A_8 = arith.muli %arg1, %mul3A_7 : i32
    %mul3A_9 = arith.constant 64 : i32
    %mul3A_10 = arith.muli %arg0, %mul3A_9 : i32
    "tpu.region"() ({
      %run_scoped3A_11 = tpu.sem_alloc : memref<!tpu.dma_semaphore, #tpu.memory_space<semaphore_mem>>
      %dma_start3A = tpu.memref_slice %arg7[%mul3A_8, %mul3A_10] : memref<10000x128xf32, #tpu.memory_space<hbm>> -> memref<625x64xf32, #tpu.memory_space<hbm>>
      %dma_start3A_12 = arith.constant 0 : i32
      %dma_start3A_13 = tpu.memref_slice %arg11[%mul3A_6, %dma_start3A_12] : memref<10000x64xf32, #tpu.memory_space<vmem_shared>> -> memref<625x64xf32, #tpu.memory_space<vmem_shared>>
      tpu.enqueue_dma source(%dma_start3A_13 : memref<625x64xf32, #tpu.memory_space<vmem_shared>>) target(%dma_start3A : memref<625x64xf32, #tpu.memory_space<hbm>>) target_semaphore(%run_scoped3A_11 : memref<!tpu.dma_semaphore, #tpu.memory_space<semaphore_mem>>)
      %dma_wait3A = tpu.memref_slice %arg7[%mul3A_8, %mul3A_10] : memref<10000x128xf32, #tpu.memory_space<hbm>> -> memref<625x64xf32, #tpu.memory_space<hbm>>
      %dma_wait3A_14 = arith.constant 0 : i32
      %dma_wait3A_15 = tpu.memref_slice %arg11[%mul3A_6, %dma_wait3A_14] : memref<10000x64xf32, #tpu.memory_space<vmem_shared>> -> memref<625x64xf32, #tpu.memory_space<vmem_shared>>
      tpu.wait_dma2 semaphore(%run_scoped3A_11 : memref<!tpu.dma_semaphore, #tpu.memory_space<semaphore_mem>>) src(%dma_wait3A_15 : memref<625x64xf32, #tpu.memory_space<vmem_shared>>) dst(%dma_wait3A : memref<625x64xf32, #tpu.memory_space<hbm>>)
      tpu.yield
    }) : () -> ()
    return
  }
}

module attributes {stable_mosaic.version = 14 : i64} {
  func.func @_tc_pre_body(%arg0: memref<10000x128xf32, #tpu.memory_space<vmem>>, %arg1: memref<128x128xf32, #tpu.memory_space<vmem>>, %arg2: memref<2x128xf32, #tpu.memory_space<vmem>>, %arg3: memref<10000x128xbf16, #tpu.memory_space<vmem>>, %arg4: memref<2x10000xf32, #tpu.memory_space<vmem>>) attributes {dimension_semantics = [], scalar_prefetch = 0 : i64, scratch_operands = 0 : i64, tpu.core_type = #tpu.core_type<tc>} {
    %get3A = arith.constant 0 : index
    %get3A_0 = arith.constant 0 : index
    %get3A_1 = vector.load %arg0[%get3A, %get3A_0] : memref<10000x128xf32, #tpu.memory_space<vmem>>, vector<10000x128xf32>
    %get3A_2 = arith.constant 0 : index
    %get3A_3 = arith.constant 0 : index
    %get3A_4 = vector.load %arg1[%get3A_2, %get3A_3] : memref<128x128xf32, #tpu.memory_space<vmem>>, vector<128x128xf32>
    %dot_general3A = arith.constant dense<0.000000e+00> : vector<10000x128xf32>
    %dot_general3A_5 = tpu.matmul %get3A_1, %get3A_4, %dot_general3A {dimension_numbers = #tpu.dot_dimension_numbers<[1], [0], [0], [1], [0, 0, 1, 1], [], []>, transpose_lhs_hint = false} : vector<10000x128xf32>, vector<128x128xf32>, vector<10000x128xf32> -> vector<10000x128xf32>
    %convert_element_type3A = arith.truncf %dot_general3A_5 : vector<10000x128xf32> to vector<10000x128xbf16>
    %swap3A = arith.constant 0 : index
    %swap3A_6 = arith.constant 0 : index
    %swap3A_7 = vector.load %arg3[%swap3A, %swap3A_6] : memref<10000x128xbf16, #tpu.memory_space<vmem>>, vector<10000x128xbf16>
    tpu.vector_store %arg3[%swap3A, %swap3A_6], %convert_element_type3A {strides = array<i32>} : memref<10000x128xbf16, #tpu.memory_space<vmem>>, vector<10000x128xbf16>,
    %get3A_8 = arith.constant 0 : index
    %get3A_9 = arith.constant 0 : index
    %get3A_10 = vector.load %arg2[%get3A_8, %get3A_9] : memref<2x128xf32, #tpu.memory_space<vmem>>, vector<2x128xf32>
    %dot_general3A_11 = arith.constant dense<0.000000e+00> : vector<2x10000xf32>
    %dot_general3A_12 = tpu.matmul %get3A_10, %dot_general3A_5, %dot_general3A_11 {dimension_numbers = #tpu.dot_dimension_numbers<[1], [1], [0], [0], [0, 0, 1, 0], [], []>, transpose_lhs_hint = false} : vector<2x128xf32>, vector<10000x128xf32>, vector<2x10000xf32> -> vector<2x10000xf32>
    %swap3A_13 = arith.constant 0 : index
    %swap3A_14 = arith.constant 0 : index
    %swap3A_15 = vector.load %arg4[%swap3A_13, %swap3A_14] : memref<2x10000xf32, #tpu.memory_space<vmem>>, vector<2x10000xf32>
    tpu.vector_store %arg4[%swap3A_13, %swap3A_14], %dot_general3A_12 {strides = array<i32>} : memref<2x10000xf32, #tpu.memory_space<vmem>>, vector<2x10000xf32>,
    return
  }
}

module attributes {stable_mosaic.version = 14 : i64} {
  func.func @_tc_post_body(%arg0: memref<10000x128xf32, #tpu.memory_space<vmem>>, %arg1: memref<128x128xf32, #tpu.memory_space<vmem>>, %arg2: memref<10000x128xf32, #tpu.memory_space<vmem>>) attributes {dimension_semantics = [], scalar_prefetch = 0 : i64, scratch_operands = 0 : i64, tpu.core_type = #tpu.core_type<tc>} {
    %get3A = arith.constant 0 : index
    %get3A_0 = arith.constant 0 : index
    %get3A_1 = vector.load %arg0[%get3A, %get3A_0] : memref<10000x128xf32, #tpu.memory_space<vmem>>, vector<10000x128xf32>
    %get3A_2 = arith.constant 0 : index
    %get3A_3 = arith.constant 0 : index
    %get3A_4 = vector.load %arg1[%get3A_2, %get3A_3] : memref<128x128xf32, #tpu.memory_space<vmem>>, vector<128x128xf32>
    %dot_general3A = arith.constant dense<0.000000e+00> : vector<10000x128xf32>
    %dot_general3A_5 = tpu.matmul %get3A_1, %get3A_4, %dot_general3A {dimension_numbers = #tpu.dot_dimension_numbers<[1], [0], [0], [1], [0, 0, 1, 1], [], []>, transpose_lhs_hint = false} : vector<10000x128xf32>, vector<128x128xf32>, vector<10000x128xf32> -> vector<10000x128xf32>
    %gt3A = arith.constant 0.000000e+00 : f32
    %gt3A_6 = vector.broadcast %gt3A : f32 to vector<10000x128xf32>
    %gt3A_7 = arith.cmpf ogt, %dot_general3A_5, %gt3A_6 : vector<10000x128xf32>
    %exp3A = math.exp %dot_general3A_5 : vector<10000x128xf32>
    %sub3A = arith.constant 1.000000e+00 : f32
    %sub3A_8 = vector.broadcast %sub3A : f32 to vector<10000x128xf32>
    %sub3A_9 = arith.subf %exp3A, %sub3A_8 : vector<10000x128xf32>
    %select_n3A = arith.select %gt3A_7, %dot_general3A_5, %sub3A_9 : vector<10000x128xi1>, vector<10000x128xf32>
    %swap3A = arith.constant 0 : index
    %swap3A_10 = arith.constant 0 : index
    %swap3A_11 = vector.load %arg2[%swap3A, %swap3A_10] : memref<10000x128xf32, #tpu.memory_space<vmem>>, vector<10000x128xf32>
    tpu.vector_store %arg2[%swap3A, %swap3A_10], %select_n3A {strides = array<i32>} : memref<10000x128xf32, #tpu.memory_space<vmem>>, vector<10000x128xf32>,
    return
  }
}

</mosaic_0001>

<sc_bundles>
// kernel: kernel.5.cloned.1.call-start
scs
__scs_entry_jumppad:
0x0: {  	(pc) =	sbr.rel $0x88, $3  }
0x1: {  	(tag) =	ssettag $0x0;
	lr =	simm.s32 $0x1  }
0x2: {  	[smem:$0x3F9D] =	sst lr;
	_ =	strace $0xD0000000  }
0x3: {  	_ = 	snop  }
0x4: {  	_ = 	snop  }
0x5: {  	_ = 	snop  }
0x6: {  	_ = 	snop  }
0x7: {  	_ = 	snop  }
__scs_overlays_trampoline_lowered:
0x8: {  	[smem:$0x3FAC] =	sst s0  }
0x9: {  	[smem:$0x3FAD] =	sst s1  }
0xa: {  	[smem:$0x3FAE] =	sst s2  }
0xb: {  	[smem:$0x3FAF] =	sst s3  }
0xc: {  	[smem:$0x3FB0] =	sst s4  }
0xd: {  	[smem:$0x3FB1] =	sst s5  }
0xe: {  	[smem:$0x3FB2] =	sst s6  }
0xf: {  	[smem:$0x3FB3] =	sst s7  }
0x10: {  	[smem:$0x3FB4] =	sst s8  }
0x11: {  	[smem:$0x3FB5] =	sst s9;
	s0 =	simm.s32 @!p0 $0x0  }
0x12: {  	s1 =	sld [smem:$0x3F9B];
	s0 =	simm.s32 @p0 $0x1  }
0x13: {  	[smem:$0x3FB6] =	sst s0;
	s0 =	simm.s32 @!p1 $0x0  }
0x14: {  	s2 =	sld [smem:$0x3F9A];
	s0 =	simm.s32 @p1 $0x1  }
0x15: {  	[smem:$0x3FB7] =	sst s0;
	s0 =	simm.s32 @!p2 $0x0  }
0x16: {  	s3 =	sld [smem:$0x3FDB];
	s0 =	simm.s32 @p2 $0x1  }
0x17: {  	s4 =	simm.s32 $0x1BF5;
	[smem:$0x3FB9] =	sst s0  }
0x18: {  	s0 =	sld [smem:$0x3F9C];
	_ =	swait.ge [sflag:s4], $0x0  }
0x19: {  	s7 =	sld [smem:$0x3F9D]  }
0x1a: {  	s8 =	sadd.s32 $0xFFFFE003, lr  }
0x1b: {  	s9 =	sadd.s32 $0xFFFFFEF7, lr;
	s5 =	simm.s32 $0xFFFFFFFF;
	p2 =	slt.u32 s8, $0xFFFFF086  }
0x1c: {  	p1 =	slt.u32 s9, $0xF7A;
	s5 =	simm.s32 @!p2 $0x0  }
0x1d: {  	s5 =	simm.s32 @p1 $0x1;
	p0 =	seq.s32 s7, s2  }
0x1e: {  	s7 =	smul.u32 @!p0 $0xF7A, s2;
	p2 =	seq.s32 @!p0 s5, $0x0  }
0x1f: {  	s9 =	smul.u32 $0xF7A, s1;
	s8 =	simm.s32 @!p0 $0x1BF5;
	p2 =	por !p2, p0  }
0x20: {  	[sflag:s8] =	ssyncset.s32 @!p0 $0xFFFFF086;
	s6 =	sadd.s32 @!p0 s3, s7;
	s7 =	simm.s32 @!p0 $0x108  }
0x21: {  	s3 =	sadd.s32 s3, s9;
	s6 =	sadd.s32 @!p0 $0x88, s6;
	s7 =	simm.s32 @p2 $0x1082  }
0x22: {  	[simem:s7], [sflag:s8] =	dma.local @!p0 [hbm:s6], $0xF7A  }
0x23: {  	s9 =	sor.u32 $0xD0000000, s2;
	s6 =	simm.s32 $0x108;
	_ =	swait.ge @!p0 [sflag:s8], $0x0  }
0x24: {  	s3 =	sadd.s32 $0x88, s3;
	s6 =	simm.s32 @!p1 $0x1082;
	[sflag:s4] =	ssyncset.s32 $0xFFFFF086  }
0x25: {  	[simem:s6], [sflag:s4] =	dma.local [hbm:s3], $0xF7A  }
0x26: {  	[smem:$0x3F9D] =	sst s1;
	(tag) =	ssettag s2;
	_ =	strace s9  }
0x27: {  	s1 =	sld [smem:$0x3FAD]  }
0x28: {  	s2 =	sld [smem:$0x3FAE]  }
0x29: {  	s4 =	sld [smem:$0x3FB0]  }
0x2a: {  	p0 =	seq.s32 s5, $0x0;
	s5 =	sld [smem:$0x3FB1]  }
0x2b: {  	s6 =	sld [smem:$0x3FB2]  }
0x2c: {  	s7 =	sld [smem:$0x3FB3]  }
0x2d: {  	s3 =	simm.s32 $0x108;
	s8 =	sld [smem:$0x3FB4]  }
0x2e: {  	s3 =	simm.s32 @!p0 $0x1082;
	s9 =	sld [smem:$0x3FB5]  }
0x2f: {  	lr =	sadd.s32 s0, s3;
	s0 =	sld [smem:$0x3FAC]  }
0x30: {  	s3 =	sld [smem:$0x3FAF]  }
0x31: {  	[smem:$0x3FB8] =	sst s10  }
0x32: {  	s10 =	sld [smem:$0x3FB6];
	_ =	sdelay $0x3  }
0x33: {  	p0 =	seq.s32 s10, $0x1;
	s10 =	sld [smem:$0x3FB8];
	_ =	sdelay $0x3  }
0x34: {  	[smem:$0x3FB8] =	sst s10  }
0x35: {  	s10 =	sld [smem:$0x3FB7];
	_ =	sdelay $0x3  }
0x36: {  	p1 =	seq.s32 s10, $0x1;
	s10 =	sld [smem:$0x3FB8];
	_ =	sdelay $0x3  }
0x37: {  	[smem:$0x3FB8] =	sst s10  }
0x38: {  	s10 =	sld [smem:$0x3FB9]  }
0x39: {  	_ = 	snop;
	(pc) =	sbr.ind lr, $3  }
0x3a: {  	_ = 	snop  }
0x3b: {  	_ = 	snop  }
0x3c: {  	p2 =	seq.s32 s10, $0x1;
	s10 =	sld [smem:$0x3FB8]  }
0x3d: {  	_ =	shalt  }
0x3e: {  	_ =	shalt  }
0x3f: {  	_ =	shalt  }
0x40: {  	_ =	shalt  }
0x41: {  	_ =	shalt  }
0x42: {  	_ =	shalt  }
0x43: {  	_ =	shalt  }
0x44: {  	_ =	shalt  }
0x45: {  	_ =	shalt  }
0x46: {  	_ =	shalt  }
0x47: {  	_ =	shalt  }
0x48: {  	_ =	shalt  }
0x49: {  	_ =	shalt  }
0x4a: {  	_ =	shalt  }
0x4b: {  	_ =	shalt  }
0x4c: {  	_ =	shalt  }
0x4d: {  	_ =	shalt  }
0x4e: {  	_ =	shalt  }
0x4f: {  	_ =	shalt  }
0x50: {  	_ =	shalt  }
0x51: {  	_ =	shalt  }
0x52: {  	_ =	shalt  }
0x53: {  	_ =	shalt  }
0x54: {  	_ =	shalt  }
0x55: {  	_ =	shalt  }
0x56: {  	_ =	shalt  }
0x57: {  	_ =	shalt  }
0x58: {  	_ =	shalt  }
0x59: {  	_ =	shalt  }
0x5a: {  	_ =	shalt  }
0x5b: {  	_ =	shalt  }
0x5c: {  	_ =	shalt  }
0x5d: {  	_ =	shalt  }
0x5e: {  	_ =	shalt  }
0x5f: {  	_ =	shalt  }
0x60: {  	_ =	shalt  }
0x61: {  	_ =	shalt  }
0x62: {  	_ =	shalt  }
0x63: {  	_ =	shalt  }
0x64: {  	_ =	shalt  }
0x65: {  	_ =	shalt  }
0x66: {  	_ =	shalt  }
0x67: {  	_ =	shalt  }
0x68: {  	_ =	shalt  }
0x69: {  	_ =	shalt  }
0x6a: {  	_ =	shalt  }
0x6b: {  	_ =	shalt  }
0x6c: {  	_ =	shalt  }
0x6d: {  	_ =	shalt  }
0x6e: {  	_ =	shalt  }
0x6f: {  	_ =	shalt  }
0x70: {  	_ =	shalt  }
0x71: {  	_ =	shalt  }
0x72: {  	_ =	shalt  }
0x73: {  	_ =	shalt  }
0x74: {  	_ =	shalt  }
0x75: {  	_ =	shalt  }
0x76: {  	_ =	shalt  }
0x77: {  	_ =	shalt  }
0x78: {  	_ =	shalt  }
0x79: {  	_ =	shalt  }
0x7a: {  	_ =	shalt  }
0x7b: {  	_ =	shalt  }
0x7c: {  	_ =	shalt  }
0x7d: {  	_ =	shalt  }
0x7e: {  	_ =	shalt  }
0x7f: {  	_ =	shalt  }
0x80: {  	_ =	shalt  }
0x81: {  	_ =	shalt  }
0x82: {  	_ =	shalt  }
0x83: {  	_ =	shalt  }
0x84: {  	_ =	shalt  }
0x85: {  	_ =	shalt  }
0x86: {  	_ =	shalt  }
0x87: {  	_ =	shalt  }
.Lfunc_end0:
.L_simem_size_0:
called_computation_lowered:
.L_overlay_start_0:
0x88: {  	s2 =	sld [smem:$0x3FD9]  }
0x89: {  	s3 =	sld [smem:$0x3FFE];
	_ =	sdelay $0x1  }
0x8a: {  	s1 =	srdreg.scid  }
0x8b: {  	s0 =	sand.u32 $0x1, s1  }
0x8c: {  	s14 =	sshll.u32 s0, $0xA;
	s2 =	sadd.s32 s3, s2  }
0x8d: {  	s2 =	sadd.s32 s2, s14  }
0x8e: {  	[smem:$0x3FC4] =	sst s2  }
0x8f: {  	_ = 	snop  }
0x90: {  	s2 =	sld [smem:$0x3FD0];
	_ =	sdelay $0x2  }
0x91: {  	s15 =	simm.s32 $0xA;
	s4 =	simm.s32 $0x10  }
0x92: {  	[smem:s4], [sflag:s15] =	dma.local [hbm:s2], $0x1  }
0x93: {  	_ =	swait.eq [sflag:s15], $0x1  }
0x94: {  	[sflag:s15] =	ssyncset.done $0x0  }
0x95: {  	s16 =	sld [smem:$0x10];
	[sflag:s15] =	ssyncadd.s32 $0xFFFFFFFF  }
0x96: {  	s17 =	sld [smem:$0x11];
	(tm) =	ssettm $0x1  }
0x97: {  	s18 =	sld [smem:$0x3FFB];
	_ =	sdelay $0x3  }
0x98: {  	_ =	strace s18  }
0x99: {  	s4 =	sld [smem:$0x3FFC];
	_ =	sdelay $0x3  }
0x9a: {  	_ =	strace s4  }
0x9b: {  	s4 =	sld [smem:$0x3FFD];
	_ =	sdelay $0x3  }
0x9c: {  	_ =	strace s4  }
0x9d: {  	_ =	strace $0x8FFFFFFF  }
0x9e: {  	s19 =	sld [smem:$0x3FDB];
	_ =	sdelay $0x1  }
0x9f: {  	s5 =	simm.s32 $_scs_section_size  }
0xa0: {  	s6 =	simm.s32 $_size__tile_overlayer_lowered;
	s7 =	simm.s32 $_tile_overlayer_lowered  }
0xa1: {  	s22 =	simm.s32 $0x1BFF;
	s21 =	sshll.u32 s7, $0x1;
	s4 =	sadd.s32 s5, s19  }
0xa2: {  	s8 =	simm.s32 $0x0;
	s20 =	sshll.u32 s6, $0x1;
	s6 =	sadd.s32 s21, s4  }
0xa3: {  	[timem:s8], [sflag:s22] =	dma.local [hbm:s6], s20  }
0xa4: {  	_ =	swait.ge [sflag:s22], s20  }
0xa5: {  	s5 =	ssub.s32 $0x0, s20;
	[sflag:s22] =	ssyncset.done $0x0  }
0xa6: {  	[sflag:s22] =	ssyncadd.s32 s5;
	_ =	sdelay $0x1  }
0xa7: {  	s23 =	simm.s32 $0x1B8B  }
0xa8: {  	_ =	swait.ge [sflag:s23], $0x1  }
0xa9: {  	[sflag:s23] =	ssyncset.done $0x0  }
0xaa: {  	s25 =	simm.s32 $0x1B8E;
	s24 =	sld [smem:$0x3FFE];
	[sflag:s23] =	ssyncadd.s32 $0xFFFFFFFF  }
0xab: {  	s26 =	simm.s32 $execute0_lowered;
	[smem:$0x3FD2] =	sst s25  }
0xac: {  	s6 =	sshll.u32 s26, $0x1;
	_ =	strace $0x80000046;
	[dreg:$0x1] =	wrdreg $0xFFFFFFFF  }
0xad: {  	s28 =	simm.s32 $_size_execute0_lowered;
	s4 =	sadd.s32 s4, s6;
	[dreg:$0x0] =	wrdreg $0x0  }
0xae: {  	s6 =	sshll.u32 s28, $0x1;
	[dreg:$0x2] =	wrdreg s4  }
0xaf: {  	[dreg:$0x3] =	wrdreg s6  }
0xb0: {  	[dreg:$0x4] =	wrdreg $0xC0  }
0xb1: {  	_ =	task [dreg:s8], $0x5FFFF  }
0xb2: {  	[dreg:$0x1] =	wrdreg $0xFFFFFFFF  }
0xb3: {  	[dreg:$0x0] =	wrdreg $0x60  }
0xb4: {  	[dreg:$0x2] =	wrdreg s24  }
0xb5: {  	[dreg:$0x3] =	wrdreg s17  }
0xb6: {  	[dreg:$0x4] =	wrdreg s16  }
0xb7: {  	[dreg:$0x5] =	wrdreg $0xEA600  }
0xb8: {  	[dreg:$0x6] =	wrdreg $0x9  }
0xb9: {  	_ =	task.clear_ibuf [dreg:s8], $0x7FFFF;
	_ =	strace $0x90000046  }
0xba: {  	s29 =	simm.s32 $0x9;
	_ =	strace $0x80000048  }
0xbb: {  	_ =	swait.ge [sflag:s29], $0x1  }
0xbc: {  	[sflag:s29] =	ssyncadd.s32 $0xFFFFFFFF  }
0xbd: {  	_ =	strace $0x90000048  }
0xbe: {  	_ =	sfence  }
0xbf: {  	s30 =	sld [smem:$0x0];
	_ =	sdelay $0x2  }
0xc0: {  	s31 =	sshll.u32 s1, $0xD;
	s1 =	sshrl.u32 s1, $0x2  }
0xc1: {  	s3 =	sand.u32 $0x4000, s31;
	s1 =	sadd.s32 s1, s30  }
0xc2: {  	s0 =	sor.u32 s3, s0;
	s1 =	sshll.u32 s1, $0x11  }
0xc3: {  	s0 =	sor.u32 s1, s0  }
0xc4: {  	s0 =	sadd.s32 $0x8F2B, s0  }
0xc5: {  	[sflag:s0] =	ssyncadd.remote.s32 $0x1  }
0xc6: {  	_ =	sfence.sel $0xFFFF  }
0xc7: {  	[dreg:$0x0] =	wrdreg $0xFFFFFFFF;
	(pc) =	sbr.abs _section_cstart, $3  }
0xc8: {  	[dreg:$0x1] =	wrdreg $0xFFFFFFFF  }
0xc9: {  	_ =	task.clear_ibuf [dreg:s8], $0x2FFFF;
	_ =	strace $0x9FFFFFFF  }
0xca: {  	(tm) =	ssettm $0x7FFFFFFF  }
0xcb: {  	_ =	shalt  }
tec
execute0_lowered:
.L_overlay_start_1:
0x0: {  	(tag) =	ssettag $0x1  }
0x1: {  	s0 =	rddreg [dreg:$0x0]  }
0x2: {  	s1 =	rddreg [dreg:$0x1]  }
0x3: {  	s3 =	rddreg [dreg:$0x2]  }
0x4: {  	s2 =	rddreg [dreg:$0x3];
	s12 =	stileid.u32;
	s5 =	simm.s32 $0x0  }
0x5: {  	s18 =	srdreg.scid;
	s16 =	simm.s32 $0x4E20;
	s17 =	simm.s32 $0x186A0  }
0x6: {  	s29 =	simm.s32 $0x1;
	s30 =	simm.s32 $0x9C40;
	s4 =	smul.u32 $0x4E20, s12  }
0x7: {  	[smem:$0x7FF] =	sst s5;
	s7 =	smul.u32 $0x1388, s12;
	s8 =	sand.u32 $0x1, s18  }
0x8: {  	s19 =	sadd.s32 $0x15000, s0;
	s5 =	sadd.s32 $0x1600, s0;
	s11 =	smul.u32 $0x27100, s12  }
0x9: {  	s21 =	smul.u32 $0x13880, s12;
	s31 =	sshll.u32 s12, $0x6;
	s18 =	simm.s32 $0x1ADB0  }
0xa: {  	_ =	strace $0x80000047;
	[dreg:$0x5] =	wrdreg s19;
	s9 =	ssub.s32 $0x2, s8  }
0xb: {  	s23 =	sshll.u32 s8, $0x6;
	p0 =	sne.s32 s8, $0x0;
	s19 =	simm.s32 $0x50  }
0xc: {  	s4 =	sshrl.u32 s4, $0x3;
	s7 =	sadd.s32 s7, s0;
	s10 =	sshrl.u32 s9, $0x1  }
0xd: {  	s22 =	sshrl.u32 s11, $0x2;
	s24 =	sor.u32 s23, s21;
	s21 =	simm.s32 $0x3  }
0xe: {  	s23 =	simm.s32 $0x4;
	s6 =	sadd.s32 s4, s0;
	s7 =	sadd.s32 $0x29400, s7  }
0xf: {  	s9 =	ssub.s32 s9, s10;
	s0 =	sadd.s32 $0x154E2, s0;
	[dreg:$0x8] =	wrdreg s7  }
0x10: {  	s25 =	sadd.s32 s1, s4;
	s26 =	sshrl.u32 s24, $0x3;
	[dreg:$0x9] =	wrdreg s0  }
0x11: {  	s4 =	sor.u32 $0x1C09, s31;
	s24 =	simm.s32 $0x6;
	[dreg:$0xa] =	wrdreg s25  }
0x12: {  	s1 =	simm.s32 $0x0;
	s20 =	sadd.s32 $0x15A00, s6;
	[dreg:$0xd] =	wrdreg s4  }
.Ltmp0:
0x13: {  	s6 =	sadd.s32 $0x1F640, s6;
	[dreg:$0x6] =	wrdreg s20;
	(pc) =	sbr.rel .LBB2_1-.Ltmp0, $4  }
0x14: {  	s0 =	sadd.s32 s3, s26;
	s28 =	smax.u32 s9, $0x1;
	[dreg:$0x7] =	wrdreg s6  }
0x15: {  	s3 =	simm.s32 $0x9;
	s6 =	sadd.s32 s22, s2;
	[dreg:$0xb] =	wrdreg s0  }
0x16: {  	v1 =	vimm.s32 $0x0;
	vm0 =	vcmask $0x300;
	s25 =	simm.s32 $0x5;
	[dreg:$0xc] =	wrdreg s28;
	s6 =	sshrl.u32 s6, $0x3  }
0x17: {  	v1 =	vsel vm0, $0x3, v1;
	v0 =	vmov s8;
	s26 =	simm.s32 $0x7;
	s22 =	simm.s32 $0x4E70;
	[dreg:$0xe] =	wrdreg s6  }
.LBB2_16:
0x18: {  	_ =	swait.ge [sflag:s24], $0x1400  }
0x19: {  	[sflag:s24] =	ssyncset.done $0x0  }
0x1a: {  	[sflag:s24] =	ssyncadd.s32 $0xFFFFEC00  }
0x1b: {  	_ =	swait.ge [sflag:s26], $0x1400  }
0x1c: {  	[sflag:s26] =	ssyncset.done $0x0  }
0x1d: {  	s1 =	simm.s32 $0x8;
	[sflag:s26] =	ssyncadd.s32 $0xFFFFEC00  }
0x1e: {  	_ =	swait.ge [sflag:s1], $0x1400  }
0x1f: {  	[sflag:s1] =	ssyncset.done $0x0  }
0x20: {  	[sflag:s1] =	ssyncadd.s32 $0xFFFFEC00  }
0x21: {  	[bflag:$0x0] =	sbarrier.arrive $0xFFFF  }
0x22: {  	s0 =	rddreg [dreg:$0xb]  }
0x23: {  	s4 =	rddreg [dreg:$0xd]  }
0x24: {  	s3 =	simm.s32 $0x10;
	s6 =	rddreg [dreg:$0xe]  }
0x25: {  	[hbm:s0@s3], [sflag:s4] =	dma.strided [spmem:s6@s1], $0x1388, s29, $0x8   }
0x26: {  	s3 =	simm.s32 $0x9  }
0x27: {  	_ =	swait.ge [sflag:s3], $0x1388  }
0x28: {  	s28 =	rddreg [dreg:$0xf]  }
0x29: {  	s31 =	rddreg [dreg:$0xc];
	s1 =	sadd.s32 $0x1, s28  }
0x2a: {  	p1 =	sne.s32 s1, s31  }
.Ltmp1:
0x2b: {  	_ = 	snop;
	(pc) =	sbr.rel @!p1 .LBB2_17-.Ltmp1, $3  }
0x2c: {  	_ =	sdelay $0x1  }
0x2d: {  	[sflag:s3] =	ssyncset.done $0x0  }
0x2e: {  	[sflag:s3] =	ssyncadd.s32 $0xFFFFEC78  }
.LBB2_1:
0x2f: {  	[dreg:$0xf] =	wrdreg s1  }
0x30: {  	s0 =	simm.s32 $0x0;
	s13 =	rddreg [dreg:$0x6]  }
0x31: {  	[tilespmem:s0], [sflag:$0x9] =	stream.linear.gather [hbm4b:s13+s0], $0x4E20, $0x38;
	[tilespmem:$0x1F4A0] =	vst v63  }
0x32: {  	_ =	swait.ge [sflag:s3], $0x4E20  }
0x33: {  	[sflag:s3] =	ssyncset.done $0x0  }
0x34: {  	s14 =	rddreg [dreg:$0x7];
	[sflag:s3] =	ssyncadd.s32 $0xFFFFB1E0  }
0x35: {  	[tilespmem:s16], [sflag:$0x9] =	stream.linear.gather [hbm4b:s14+s0], $0x4E20, $0x38;
	[tilespmem:$0x1F4A0] =	vst v63  }
0x36: {  	_ =	swait.ge [sflag:s3], $0x4E20  }
0x37: {  	[sflag:s3] =	ssyncset.done $0x0  }
0x38: {  	s15 =	rddreg [dreg:$0x8];
	[sflag:s3] =	ssyncadd.s32 $0xFFFFB1E0  }
0x39: {  	[spmem:s6], [sflag:s4] =	dma.local [hbm:s15], $0x1388  }
0x3a: {  	_ =	swait.ge [sflag:s3], $0x1388  }
0x3b: {  	[sflag:s3] =	ssyncset.done $0x0  }
0x3c: {  	s16 =	rddreg [dreg:$0x5];
	[sflag:s3] =	ssyncadd.s32 $0xFFFFEC78  }
0x3d: {  	[tilespmem:s17], [sflag:$0x9] =	stream.linear.gather [hbm4b:s16+s0], $0x2710, $0x38;
	[tilespmem:$0x1F4A0] =	vst v63  }
0x3e: {  	_ =	swait.ge [sflag:s3], $0x2710  }
0x3f: {  	[sflag:s3] =	ssyncset.done $0x0  }
0x40: {  	s20 =	rddreg [dreg:$0x9];
	[sflag:s3] =	ssyncadd.s32 $0xFFFFD8F0  }
0x41: {  	[tilespmem:s18], [sflag:$0x9] =	stream.linear.gather [hbm4b:s20+s0], $0x2710, $0x38;
	[tilespmem:$0x1F4A0] =	vst v63  }
0x42: {  	_ =	swait.ge [sflag:s3], $0x2710  }
0x43: {  	[sflag:s3] =	ssyncset.done $0x0  }
0x44: {  	[sflag:s3] =	ssyncadd.s32 $0xFFFFD8F0  }
0x45: {  	v2 =	vld [tilespmem:s19+$0x0]  }
0x46: {  	v3 =	vld [tilespmem:s22+$0x0];
	_ =	sdelay $0x6  }
0x47: {  	v2 =	vld.idx.msk [tilespmem:v2+s17+$0x0], $0xffff  }
0x48: {  	v4 =	vld.idx.msk [tilespmem:v3+s18+$0x0], $0xffff;
	_ =	sdelay $0x4  }
0x49: {  	v2 =	vadd.f32 v4, v2;
	_ =	sdelay $0x1  }
0x4a: {  	v4 =	vmul.f32 $2.000000030e-01, v2  }
0x4b: {  	vm0 =	vge.f32 v2, $0.0e+00  }
0x4c: {  	v2 =	vsel vm0, v2, v4  }
0x4d: {  	v2 =	vsub.f32 $0.0e+00, v2;
	_ =	sdelay $0x1  }
0x4e: {  	v2 =	vmul.f32 $1.442695020e+00, v2;
	_ =	sdelay $0x1  }
0x4f: {  	(erf) = vpow2.f32 v2;
	_ =	sdelay $0x1  }
0x50: {  	v4 =	vld [tilespmem:s19+$0xFFFFFFB0];
	_ =	sdelay $0x2  }
0x51: {  	v2 =	vld [tilespmem:s22+$0xFFFFFFB0];
	_ =	sdelay $0x3  }
0x52: {  	s6 =	simm.s32 $0x9C90;
	v3 =	vshll.u32 v3, $0x1;
	v5 =	vpop (erf)  }
0x53: {  	v3 =	vor.u32 v0, v3;
	v4 =	vld.idx.msk [tilespmem:v4+s17+$0x0], $0xffff;
	[tilespmem:s6+$0x0] =	vst v5  }
0x54: {  	[tilespmem:s22+$0x0] =	vst v3;
	v5 =	vld [tilespmem:s22+$0x10]  }
0x55: {  	v3 =	vld [tilespmem:s19+$0x10]  }
0x56: {  	s20 =	simm.s32 $0xF0;
	v6 =	vld.idx.msk [tilespmem:v2+s18+$0x0], $0xffff  }
0x57: {  	s7 =	simm.s32 $0x4F10;
	v7 =	vld [tilespmem:s20+$0x0]  }
0x58: {  	v8 =	vld [tilespmem:s7+$0x0];
	_ =	sdelay $0x2  }
0x59: {  	v4 =	vadd.f32 v6, v4  }
0x5a: {  	v6 =	vld.idx.msk [tilespmem:v5+s18+$0x0], $0xffff  }
0x5b: {  	v9 =	vmul.f32 $2.000000030e-01, v4;
	v3 =	vld.idx.msk [tilespmem:v3+s17+$0x0], $0xffff  }
0x5c: {  	vm14 =	vge.f32 v4, $0.0e+00  }
0x5d: {  	v7 =	vld.idx.msk [tilespmem:v7+s17+$0x0], $0xffff;
	v4 =	vsel vm14, v4, v9  }
0x5e: {  	v9 =	vld.idx.msk [tilespmem:v8+s18+$0x0], $0xffff;
	v4 =	vsub.f32 $0.0e+00, v4;
	_ =	sdelay $0x1  }
0x5f: {  	v4 =	vmul.f32 $1.442695020e+00, v4;
	v3 =	vadd.f32 v6, v3;
	_ =	sdelay $0x1  }
0x60: {  	(erf) = vpow2.f32 v4;
	v6 =	vmul.f32 $2.000000030e-01, v3  }
0x61: {  	v4 =	vadd.f32 v9, v7;
	vm15 =	vge.f32 v3, $0.0e+00  }
0x62: {  	v3 =	vsel vm15, v3, v6  }
0x63: {  	v6 =	vmul.f32 $2.000000030e-01, v4;
	v3 =	vsub.f32 $0.0e+00, v3  }
0x64: {  	vm4 =	vge.f32 v4, $0.0e+00  }
0x65: {  	v4 =	vsel vm4, v4, v6;
	v3 =	vmul.f32 $1.442695020e+00, v3  }
0x66: {  	v4 =	vsub.f32 $0.0e+00, v4  }
0x67: {  	(erf) = vpow2.f32 v3  }
0x68: {  	v3 =	vld [tilespmem:s7+$0xFFFFFFB0];
	v4 =	vmul.f32 $1.442695020e+00, v4  }
0x69: {  	v2 =	vshll.u32 v2, $0x1;
	v7 =	vld [tilespmem:s20+$0xFFFFFFB0];
	v6 =	vpop (erf)  }
0x6a: {  	v2 =	vor.u32 v0, v2;
	[tilespmem:s6+$0xFFFFFFB0] =	vst v6;
	(erf) = vpow2.f32 v4  }
0x6b: {  	[tilespmem:s22+$0xFFFFFFB0] =	vst v2  }
0x6c: {  	v2 =	vld [tilespmem:s19+$0xFFFFFFC0]  }
0x6d: {  	v4 =	vld [tilespmem:s22+$0xFFFFFFC0];
	_ =	sdelay $0x2  }
0x6e: {  	v5 =	vshll.u32 v5, $0x1;
	v9 =	vld.idx.msk [tilespmem:v3+s18+$0x0], $0xffff;
	v6 =	vpop (erf)  }
0x6f: {  	v5 =	vor.u32 v0, v5;
	[tilespmem:s6+$0x10] =	vst v6;
	v6 =	vld.idx.msk [tilespmem:v7+s17+$0x0], $0xffff  }
0x70: {  	[tilespmem:s22+$0x10] =	vst v5;
	v10 =	vld [tilespmem:s22+$0x20]  }
0x71: {  	s9 =	simm.s32 $0x9D30;
	v7 =	vshll.u32 v8, $0x1;
	v8 =	vpop (erf);
	v5 =	vld [tilespmem:s19+$0x20]  }
0x72: {  	v2 =	vld.idx.msk [tilespmem:v2+s17+$0x0], $0xffff;
	v7 =	vor.u32 v0, v7;
	[tilespmem:s9+$0x0] =	vst v8  }
0x73: {  	v8 =	vld.idx.msk [tilespmem:v4+s18+$0x0], $0xffff;
	[tilespmem:s7+$0x0] =	vst v7  }
0x74: {  	v7 =	vld [tilespmem:s20+$0x10];
	v6 =	vadd.f32 v9, v6  }
0x75: {  	s12 =	simm.s32 $0x190;
	v9 =	vld [tilespmem:s7+$0x10]  }
0x76: {  	s8 =	simm.s32 $0x4FB0;
	v12 =	vld [tilespmem:s12+$0x0];
	v11 =	vmul.f32 $2.000000030e-01, v6  }
0x77: {  	v13 =	vld [tilespmem:s8+$0x0];
	vm5 =	vge.f32 v6, $0.0e+00  }
0x78: {  	v2 =	vadd.f32 v8, v2;
	v6 =	vsel vm5, v6, v11;
	v8 =	vld.idx.msk [tilespmem:v10+s18+$0x0], $0xffff  }
0x79: {  	v5 =	vld.idx.msk [tilespmem:v5+s17+$0x0], $0xffff;
	v6 =	vsub.f32 $0.0e+00, v6  }
0x7a: {  	v11 =	vmul.f32 $2.000000030e-01, v2  }
0x7b: {  	vm6 =	vge.f32 v2, $0.0e+00;
	v6 =	vmul.f32 $1.442695020e+00, v6  }
0x7c: {  	v2 =	vsel vm6, v2, v11;
	v7 =	vld.idx.msk [tilespmem:v7+s17+$0x0], $0xffff  }
0x7d: {  	v2 =	vsub.f32 $0.0e+00, v2;
	(erf) = vpow2.f32 v6;
	v6 =	vld.idx.msk [tilespmem:v9+s18+$0x0], $0xffff  }
0x7e: {  	v5 =	vadd.f32 v8, v5  }
0x7f: {  	v11 =	vld.idx.msk [tilespmem:v12+s17+$0x0], $0xffff;
	v2 =	vmul.f32 $1.442695020e+00, v2  }
0x80: {  	v8 =	vld.idx.msk [tilespmem:v13+s18+$0x0], $0xffff;
	v12 =	vmul.f32 $2.000000030e-01, v5  }
0x81: {  	(erf) = vpow2.f32 v2;
	vm7 =	vge.f32 v5, $0.0e+00  }
0x82: {  	v2 =	vadd.f32 v6, v7;
	v5 =	vsel vm7, v5, v12  }
0x83: {  	v5 =	vsub.f32 $0.0e+00, v5  }
0x84: {  	v3 =	vshll.u32 v3, $0x1;
	v6 =	vmul.f32 $2.000000030e-01, v2  }
0x85: {  	v7 =	vadd.f32 v8, v11;
	vm8 =	vge.f32 v2, $0.0e+00;
	v5 =	vmul.f32 $1.442695020e+00, v5  }
0x86: {  	v3 =	vor.u32 v0, v3;
	v8 =	vpop (erf);
	v2 =	vsel vm8, v2, v6  }
0x87: {  	v6 =	vmul.f32 $2.000000030e-01, v7;
	[tilespmem:s9+$0xFFFFFFB0] =	vst v8;
	v8 =	vld [tilespmem:s8+$0xFFFFFFB0];
	v2 =	vsub.f32 $0.0e+00, v2;
	(erf) = vpow2.f32 v5  }
0x88: {  	vm9 =	vge.f32 v7, $0.0e+00;
	[tilespmem:s7+$0xFFFFFFB0] =	vst v3;
	v3 =	vld [tilespmem:s12+$0xFFFFFFB0]  }
0x89: {  	v5 =	vsel vm9, v7, v6;
	v6 =	vld [tilespmem:s20+$0xFFFFFFC0];
	v2 =	vmul.f32 $1.442695020e+00, v2  }
0x8a: {  	v4 =	vshll.u32 v4, $0x1;
	v7 =	vpop (erf);
	v11 =	vld [tilespmem:s7+$0xFFFFFFC0];
	v5 =	vsub.f32 $0.0e+00, v5  }
0x8b: {  	v4 =	vor.u32 v0, v4;
	[tilespmem:s6+$0xFFFFFFC0] =	vst v7;
	(erf) = vpow2.f32 v2  }
0x8c: {  	[tilespmem:s22+$0xFFFFFFC0] =	vst v4;
	v2 =	vmul.f32 $1.442695020e+00, v5  }
0x8d: {  	v4 =	vld [tilespmem:s19+$0xFFFFFFD0]  }
0x8e: {  	(erf) = vpow2.f32 v2;
	v2 =	vld [tilespmem:s22+$0xFFFFFFD0]  }
0x8f: {  	v5 =	vld.idx.msk [tilespmem:v8+s18+$0x0], $0xffff  }
0x90: {  	v7 =	vshll.u32 v10, $0x1;
	v3 =	vld.idx.msk [tilespmem:v3+s17+$0x0], $0xffff;
	v10 =	vpop (erf)  }
0x91: {  	v7 =	vor.u32 v0, v7;
	v6 =	vld.idx.msk [tilespmem:v6+s17+$0x0], $0xffff;
	[tilespmem:s6+$0x20] =	vst v10  }
0x92: {  	v10 =	vld.idx.msk [tilespmem:v11+s18+$0x0], $0xffff;
	[tilespmem:s22+$0x20] =	vst v7  }
0x93: {  	v7 =	vld [tilespmem:s19+$0x30]  }
0x94: {  	v9 =	vshll.u32 v9, $0x1;
	v14 =	vld [tilespmem:s22+$0x30];
	v12 =	vpop (erf)  }
0x95: {  	v4 =	vld.idx.msk [tilespmem:v4+s17+$0x0], $0xffff;
	v3 =	vadd.f32 v5, v3;
	[tilespmem:s9+$0x10] =	vst v12;
	v5 =	vor.u32 v0, v9  }
0x96: {  	v9 =	vld.idx.msk [tilespmem:v2+s18+$0x0], $0xffff;
	[tilespmem:s7+$0x10] =	vst v5  }
0x97: {  	s10 =	simm.s32 $0x9DD0;
	v5 =	vshll.u32 v13, $0x1;
	v12 =	vpop (erf);
	v6 =	vadd.f32 v10, v6;
	v13 =	vmul.f32 $2.000000030e-01, v3;
	v10 =	vld [tilespmem:s20+$0x20]  }
0x98: {  	[tilespmem:s10+$0x0] =	vst v12;
	v5 =	vor.u32 v0, v5;
	vm10 =	vge.f32 v3, $0.0e+00;
	v12 =	vld [tilespmem:s7+$0x20]  }
0x99: {  	[tilespmem:s8+$0x0] =	vst v5;
	v5 =	vmul.f32 $2.000000030e-01, v6;
	v15 =	vld [tilespmem:s8+$0x10];
	v3 =	vsel vm10, v3, v13  }
0x9a: {  	vm11 =	vge.f32 v6, $0.0e+00;
	v13 =	vld [tilespmem:s12+$0x10];
	v3 =	vsub.f32 $0.0e+00, v3  }
0x9b: {  	v4 =	vadd.f32 v9, v4;
	v5 =	vsel vm11, v6, v5;
	v6 =	vld.idx.msk [tilespmem:v7+s17+$0x0], $0xffff  }
0x9c: {  	s3 =	simm.s32 $0x230;
	v5 =	vsub.f32 $0.0e+00, v5;
	v7 =	vld.idx.msk [tilespmem:v14+s18+$0x0], $0xffff;
	v3 =	vmul.f32 $1.442695020e+00, v3  }
0x9d: {  	s11 =	simm.s32 $0x5050;
	v16 =	vld [tilespmem:s3+$0x0];
	v9 =	vmul.f32 $2.000000030e-01, v4  }
0x9e: {  	vm12 =	vge.f32 v4, $0.0e+00;
	(erf) = vpow2.f32 v3;
	v3 =	vmul.f32 $1.442695020e+00, v5;
	v5 =	vld [tilespmem:s11+$0x0]  }
0x9f: {  	v4 =	vsel vm12, v4, v9;
	v9 =	vld.idx.msk [tilespmem:v10+s17+$0x0], $0xffff  }
0xa0: {  	(erf) = vpow2.f32 v3;
	v3 =	vsub.f32 $0.0e+00, v4;
	v4 =	vld.idx.msk [tilespmem:v12+s18+$0x0], $0xffff  }
0xa1: {  	v6 =	vadd.f32 v7, v6;
	v7 =	vld.idx.msk [tilespmem:v15+s18+$0x0], $0xffff  }
0xa2: {  	v10 =	vld.idx.msk [tilespmem:v13+s17+$0x0], $0xffff;
	v3 =	vmul.f32 $1.442695020e+00, v3  }
0xa3: {  	v13 =	vmul.f32 $2.000000030e-01, v6  }
0xa4: {  	v17 =	vld [tilespmem:s11+$0xFFFFFFB0];
	vm13 =	vge.f32 v6, $0.0e+00;
	(erf) = vpow2.f32 v3  }
0xa5: {  	v8 =	vshll.u32 v8, $0x1;
	v3 =	vld.idx.msk [tilespmem:v16+s17+$0x0], $0xffff;
	v6 =	vsel vm13, v6, v13;
	v4 =	vadd.f32 v4, v9  }
0xa6: {  	v8 =	vor.u32 v0, v8;
	v6 =	vsub.f32 $0.0e+00, v6;
	v9 =	vld.idx.msk [tilespmem:v5+s18+$0x0], $0xffff  }
0xa7: {  	v16 =	vld [tilespmem:s3+$0xFFFFFFB0];
	v7 =	vadd.f32 v7, v10;
	v13 =	vpop (erf);
	v10 =	vmul.f32 $2.000000030e-01, v4  }
0xa8: {  	v11 =	vshll.u32 v11, $0x1;
	vm14 =	vge.f32 v4, $0.0e+00;
	v6 =	vmul.f32 $1.442695020e+00, v6;
	[tilespmem:s10+$0xFFFFFFB0] =	vst v13  }
0xa9: {  	v11 =	vor.u32 v0, v11;
	v13 =	vmul.f32 $2.000000030e-01, v7;
	[tilespmem:s8+$0xFFFFFFB0] =	vst v8;
	v8 =	vpop (erf);
	v4 =	vsel vm14, v4, v10  }
0xaa: {  	vm15 =	vge.f32 v7, $0.0e+00;
	(erf) = vpow2.f32 v6;
	[tilespmem:s9+$0xFFFFFFC0] =	vst v8;
	v8 =	vld [tilespmem:s12+$0xFFFFFFC0];
	v4 =	vsub.f32 $0.0e+00, v4  }
0xab: {  	v6 =	vld [tilespmem:s8+$0xFFFFFFC0];
	v7 =	vsel vm15, v7, v13;
	[tilespmem:s7+$0xFFFFFFC0] =	vst v11;
	v3 =	vadd.f32 v9, v3  }
0xac: {  	v2 =	vshll.u32 v2, $0x1;
	v7 =	vsub.f32 $0.0e+00, v7;
	v9 =	vld [tilespmem:s20+$0xFFFFFFD0];
	v10 =	vmul.f32 $1.442695020e+00, v4  }
0xad: {  	v2 =	vor.u32 v0, v2;
	v4 =	vld [tilespmem:s7+$0xFFFFFFD0];
	v11 =	vpop (erf);
	v13 =	vmul.f32 $2.000000030e-01, v3  }
0xae: {  	vm4 =	vge.f32 v3, $0.0e+00;
	v7 =	vmul.f32 $1.442695020e+00, v7;
	[tilespmem:s6+$0xFFFFFFD0] =	vst v11;
	v11 =	vld.idx.msk [tilespmem:v17+s18+$0x0], $0xffff;
	(erf) = vpow2.f32 v10  }
0xaf: {  	v10 =	vld.idx.msk [tilespmem:v16+s17+$0x0], $0xffff;
	[tilespmem:s22+$0xFFFFFFD0] =	vst v2;
	v2 =	vsel vm4, v3, v13  }
0xb0: {  	(erf) = vpow2.f32 v7;
	v13 =	vld [tilespmem:s19+$0xFFFFFFE0];
	v2 =	vsub.f32 $0.0e+00, v2  }
0xb1: {  	v3 =	vld [tilespmem:s22+$0xFFFFFFE0]  }
0xb2: {  	v7 =	vld.idx.msk [tilespmem:v8+s17+$0x0], $0xffff;
	v2 =	vmul.f32 $1.442695020e+00, v2  }
0xb3: {  	v14 =	vshll.u32 v14, $0x1;
	v8 =	vld.idx.msk [tilespmem:v6+s18+$0x0], $0xffff;
	v16 =	vpop (erf)  }
0xb4: {  	[tilespmem:s6+$0x30] =	vst v16;
	v9 =	vld.idx.msk [tilespmem:v9+s17+$0x0], $0xffff;
	(erf) = vpow2.f32 v2;
	v2 =	vor.u32 v0, v14  }
0xb5: {  	v14 =	vld.idx.msk [tilespmem:v4+s18+$0x0], $0xffff;
	[tilespmem:s22+$0x30] =	vst v2  }
0xb6: {  	v16 =	vld [tilespmem:s19+$0x40]  }
0xb7: {  	v12 =	vshll.u32 v12, $0x1;
	v2 =	vld [tilespmem:s22+$0x40];
	v18 =	vpop (erf)  }
0xb8: {  	v12 =	vor.u32 v0, v12;
	v10 =	vadd.f32 v11, v10;
	v13 =	vld.idx.msk [tilespmem:v13+s17+$0x0], $0xffff;
	[tilespmem:s9+$0x20] =	vst v18  }
0xb9: {  	v15 =	vshll.u32 v15, $0x1;
	v18 =	vld.idx.msk [tilespmem:v3+s18+$0x0], $0xffff;
	v19 =	vpop (erf);
	[tilespmem:s7+$0x20] =	vst v12  }
0xba: {  	v11 =	vor.u32 v0, v15;
	v15 =	vmul.f32 $2.000000030e-01, v10;
	[tilespmem:s10+$0x10] =	vst v19;
	v12 =	vld [tilespmem:s20+$0x30]  }
0xbb: {  	vm5 =	vge.f32 v10, $0.0e+00;
	[tilespmem:s8+$0x10] =	vst v11;
	v11 =	vld [tilespmem:s7+$0x30]  }
0xbc: {  	v7 =	vadd.f32 v8, v7;
	v10 =	vsel vm5, v10, v15;
	v20 =	vld [tilespmem:s8+$0x20]  }
0xbd: {  	s16 =	simm.s32 $0x9E70;
	v5 =	vshll.u32 v5, $0x1;
	v10 =	vsub.f32 $0.0e+00, v10;
	v8 =	vld [tilespmem:s12+$0x20];
	v19 =	vpop (erf)  }
0xbe: {  	v5 =	vor.u32 v0, v5;
	v15 =	vmul.f32 $2.000000030e-01, v7;
	[tilespmem:s16+$0x0] =	vst v19;
	v16 =	vld.idx.msk [tilespmem:v16+s17+$0x0], $0xffff  }
0xbf: {  	vm6 =	vge.f32 v7, $0.0e+00;
	v10 =	vmul.f32 $1.442695020e+00, v10;
	[tilespmem:s11+$0x0] =	vst v5;
	v5 =	vld.idx.msk [tilespmem:v2+s18+$0x0], $0xffff  }
0xc0: {  	v9 =	vadd.f32 v14, v9;
	v7 =	vsel vm6, v7, v15;
	v15 =	vld [tilespmem:s11+$0x10]  }
0xc1: {  	v7 =	vsub.f32 $0.0e+00, v7;
	(erf) = vpow2.f32 v10;
	v14 =	vld [tilespmem:s3+$0x10]  }
0xc2: {  	v19 =	vmul.f32 $2.000000030e-01, v9;
	v12 =	vld.idx.msk [tilespmem:v12+s17+$0x0], $0xffff  }
0xc3: {  	s14 =	simm.s32 $0x2D0;
	vm7 =	vge.f32 v9, $0.0e+00;
	v7 =	vmul.f32 $1.442695020e+00, v7;
	v10 =	vld.idx.msk [tilespmem:v11+s18+$0x0], $0xffff  }
0xc4: {  	v13 =	vadd.f32 v18, v13;
	v9 =	vsel vm7, v9, v19;
	v19 =	vld [tilespmem:s14+$0x0]  }
0xc5: {  	s15 =	simm.s32 $0x50F0;
	(erf) = vpow2.f32 v7;
	v7 =	vsub.f32 $0.0e+00, v9  }
0xc6: {  	v18 =	vshll.u32 v6, $0x1;
	v6 =	vmul.f32 $2.000000030e-01, v13;
	v9 =	vld [tilespmem:s15+$0x0]  }
0xc7: {  	vm8 =	vge.f32 v13, $0.0e+00;
	v8 =	vld.idx.msk [tilespmem:v8+s17+$0x0], $0xffff;
	v7 =	vmul.f32 $1.442695020e+00, v7;
	v5 =	vadd.f32 v5, v16  }
0xc8: {  	v17 =	vshll.u32 v17, $0x1;
	v13 =	vsel vm8, v13, v6;
	v16 =	vld.idx.msk [tilespmem:v20+s18+$0x0], $0xffff;
	v10 =	vadd.f32 v10, v12  }
0xc9: {  	v13 =	vsub.f32 $0.0e+00, v13;
	(erf) = vpow2.f32 v7;
	v7 =	vmul.f32 $2.000000030e-01, v5;
	v12 =	vld.idx.msk [tilespmem:v15+s18+$0x0], $0xffff  }
0xca: {  	v17 =	vor.u32 v0, v17;
	v22 =	vpop (erf);
	vm9 =	vge.f32 v5, $0.0e+00;
	v14 =	vld.idx.msk [tilespmem:v14+s17+$0x0], $0xffff;
	v21 =	vmul.f32 $2.000000030e-01, v10  }
0xcb: {  	v13 =	vmul.f32 $1.442695020e+00, v13;
	[tilespmem:s16+$0xFFFFFFB0] =	vst v22;
	v5 =	vsel vm9, v5, v7;
	v7 =	vld [tilespmem:s14+$0xFFFFFFB0];
	vm10 =	vge.f32 v10, $0.0e+00  }
0xcc: {  	[tilespmem:s11+$0xFFFFFFB0] =	vst v17;
	v19 =	vld.idx.msk [tilespmem:v19+s17+$0x0], $0xffff;
	v5 =	vsub.f32 $0.0e+00, v5;
	v10 =	vsel vm10, v10, v21  }
0xcd: {  	(erf) = vpow2.f32 v13;
	v13 =	vld [tilespmem:s3+$0xFFFFFFC0];
	v8 =	vadd.f32 v16, v8;
	v10 =	vsub.f32 $0.0e+00, v10  }
0xce: {  	v16 =	vor.u32 v0, v18;
	v18 =	vld.idx.msk [tilespmem:v9+s18+$0x0], $0xffff;
	v5 =	vmul.f32 $1.442695020e+00, v5  }
0xcf: {  	v6 =	vld [tilespmem:s15+$0xFFFFFFB0];
	v12 =	vadd.f32 v12, v14;
	v14 =	vmul.f32 $2.000000030e-01, v8;
	v10 =	vmul.f32 $1.442695020e+00, v10  }
0xd0: {  	s13 =	simm.s32 $0x370;
	v17 =	vpop (erf);
	vm11 =	vge.f32 v8, $0.0e+00  }
0xd1: {  	v54 =	vld [tilespmem:s13+$0x0];
	[tilespmem:s10+$0xFFFFFFC0] =	vst v17;
	(erf) = vpow2.f32 v5;
	v5 =	vmul.f32 $2.000000030e-01, v12;
	v8 =	vsel vm11, v8, v14  }
0xd2: {  	v4 =	vshll.u32 v4, $0x1;
	v17 =	vld [tilespmem:s8+$0xFFFFFFD0];
	vm12 =	vge.f32 v12, $0.0e+00;
	v8 =	vsub.f32 $0.0e+00, v8  }
0xd3: {  	[tilespmem:s8+$0xFFFFFFC0] =	vst v16;
	v16 =	vld [tilespmem:s11+$0xFFFFFFC0];
	v18 =	vadd.f32 v18, v19;
	(erf) = vpow2.f32 v10;
	v5 =	vsel vm12, v12, v5;
	v10 =	vpop (erf)  }
0xd4: {  	v4 =	vor.u32 v0, v4;
	v14 =	vld [tilespmem:s12+$0xFFFFFFD0];
	v5 =	vsub.f32 $0.0e+00, v5;
	v8 =	vmul.f32 $1.442695020e+00, v8;
	[tilespmem:s9+$0xFFFFFFD0] =	vst v10  }
0xd5: {  	v13 =	vld.idx.msk [tilespmem:v13+s17+$0x0], $0xffff;
	[tilespmem:s7+$0xFFFFFFD0] =	vst v4;
	v4 =	vmul.f32 $2.000000030e-01, v18  }
0xd6: {  	vm13 =	vge.f32 v18, $0.0e+00;
	v12 =	vld.idx.msk [tilespmem:v7+s17+$0x0], $0xffff;
	v7 =	vmul.f32 $1.442695020e+00, v5;
	(erf) = vpow2.f32 v8  }
0xd7: {  	v10 =	vld.idx.msk [tilespmem:v6+s18+$0x0], $0xffff;
	v4 =	vsel vm13, v18, v4  }
0xd8: {  	v5 =	vld [tilespmem:s7+$0xFFFFFFE0];
	(erf) = vpow2.f32 v7  }
0xd9: {  	v19 =	vld [tilespmem:s20+$0xFFFFFFE0];
	v8 =	vsub.f32 $0.0e+00, v4  }
0xda: {  	v3 =	vshll.u32 v3, $0x1;
	v21 =	vld.idx.msk [tilespmem:v17+s18+$0x0], $0xffff;
	v4 =	vpop (erf)  }
0xdb: {  	v3 =	vor.u32 v0, v3;
	v18 =	vld.idx.msk [tilespmem:v16+s18+$0x0], $0xffff;
	v7 =	vmul.f32 $1.442695020e+00, v8;
	[tilespmem:s6+$0xFFFFFFE0] =	vst v4;
	v4 =	vpop (erf)  }
0xdc: {  	v14 =	vld.idx.msk [tilespmem:v14+s17+$0x0], $0xffff;
	[tilespmem:s22+$0xFFFFFFE0] =	vst v3;
	v3 =	vshll.u32 v11, $0x1;
	v11 =	vpop (erf)  }
0xdd: {  	(erf) = vpow2.f32 v7;
	v8 =	vld [tilespmem:s19+$0xFFFFFFF0];
	[tilespmem:s9+$0x30] =	vst v11;
	v3 =	vor.u32 v0, v3  }
0xde: {  	[tilespmem:s7+$0x30] =	vst v3;
	v3 =	vld [tilespmem:s7+$0x40]  }
0xdf: {  	v20 =	vshll.u32 v20, $0x1;
	v22 =	vpop (erf);
	v11 =	vld [tilespmem:s20+$0x40]  }
0xe0: {  	v20 =	vor.u32 v0, v20;
	v10 =	vadd.f32 v10, v12;
	v12 =	vld.idx.msk [tilespmem:v5+s18+$0x0], $0xffff;
	[tilespmem:s10+$0x20] =	vst v22  }
0xe1: {  	v15 =	vshll.u32 v15, $0x1;
	v19 =	vld.idx.msk [tilespmem:v19+s17+$0x0], $0xffff;
	v22 =	vpop (erf);
	[tilespmem:s8+$0x20] =	vst v20  }
0xe2: {  	v15 =	vor.u32 v0, v15;
	v13 =	vadd.f32 v18, v13;
	[tilespmem:s16+$0x10] =	vst v22;
	v20 =	vld [tilespmem:s12+$0x30];
	v22 =	vmul.f32 $2.000000030e-01, v10  }
0xe3: {  	vm14 =	vge.f32 v10, $0.0e+00;
	[tilespmem:s11+$0x10] =	vst v15;
	v15 =	vld [tilespmem:s8+$0x30]  }
0xe4: {  	v23 =	vshll.u32 v9, $0x1;
	v9 =	vld [tilespmem:s11+$0x20];
	v10 =	vsel vm14, v10, v22;
	v22 =	vmul.f32 $2.000000030e-01, v13  }
0xe5: {  	vm15 =	vge.f32 v13, $0.0e+00;
	v18 =	vld [tilespmem:s3+$0x20];
	v10 =	vsub.f32 $0.0e+00, v10  }
0xe6: {  	s4 =	simm.s32 $0x9F10;
	v14 =	vadd.f32 v21, v14;
	v24 =	vpop (erf);
	v13 =	vsel vm15, v13, v22;
	v21 =	vld.idx.msk [tilespmem:v3+s18+$0x0], $0xffff  }
0xe7: {  	v23 =	vor.u32 v0, v23;
	[tilespmem:s4+$0x0] =	vst v24;
	v10 =	vmul.f32 $1.442695020e+00, v10;
	v22 =	vsub.f32 $0.0e+00, v13;
	v11 =	vld.idx.msk [tilespmem:v11+s17+$0x0], $0xffff  }
0xe8: {  	v53 =	vmul.f32 $2.000000030e-01, v14;
	[tilespmem:s15+$0x0] =	vst v23;
	v13 =	vld [tilespmem:s15+$0x10]  }
0xe9: {  	vm4 =	vge.f32 v14, $0.0e+00;
	v23 =	vld [tilespmem:s14+$0x10];
	(erf) = vpow2.f32 v10;
	v10 =	vmul.f32 $1.442695020e+00, v22  }
0xea: {  	v14 =	vsel vm4, v14, v53;
	v20 =	vld.idx.msk [tilespmem:v20+s17+$0x0], $0xffff  }
0xeb: {  	s31 =	simm.s32 $0x5190;
	v14 =	vsub.f32 $0.0e+00, v14;
	v22 =	vld.idx.msk [tilespmem:v15+s18+$0x0], $0xffff;
	(erf) = vpow2.f32 v10  }
0xec: {  	v12 =	vadd.f32 v12, v19;
	v10 =	vld [tilespmem:s31+$0x0]  }
0xed: {  	v14 =	vmul.f32 $1.442695020e+00, v14;
	v24 =	vld.idx.msk [tilespmem:v54+s17+$0x0], $0xffff  }
0xee: {  	v19 =	vmul.f32 $2.000000030e-01, v12;
	v18 =	vld.idx.msk [tilespmem:v18+s17+$0x0], $0xffff;
	v11 =	vadd.f32 v21, v11  }
0xef: {  	v6 =	vshll.u32 v6, $0x1;
	vm5 =	vge.f32 v12, $0.0e+00;
	(erf) = vpow2.f32 v14;
	v21 =	vld.idx.msk [tilespmem:v9+s18+$0x0], $0xffff  }
0xf0: {  	v12 =	vsel vm5, v12, v19;
	v19 =	vmul.f32 $2.000000030e-01, v11;
	v20 =	vadd.f32 v22, v20;
	v22 =	vld [tilespmem:s31+$0xFFFFFFB0]  }
0xf1: {  	v6 =	vor.u32 v0, v6;
	vm6 =	vge.f32 v11, $0.0e+00;
	v14 =	vld.idx.msk [tilespmem:v23+s17+$0x0], $0xffff  }
0xf2: {  	v12 =	vsub.f32 $0.0e+00, v12;
	v23 =	vld.idx.msk [tilespmem:v13+s18+$0x0], $0xffff;
	v11 =	vsel vm6, v11, v19;
	v25 =	vpop (erf)  }
0xf3: {  	v16 =	vshll.u32 v16, $0x1;
	v19 =	vld [tilespmem:s13+$0xFFFFFFB0];
	v26 =	vmul.f32 $2.000000030e-01, v20;
	v11 =	vsub.f32 $0.0e+00, v11;
	[tilespmem:s4+$0xFFFFFFB0] =	vst v25  }
0xf4: {  	v12 =	vmul.f32 $1.442695020e+00, v12;
	vm7 =	vge.f32 v20, $0.0e+00;
	v18 =	vadd.f32 v21, v18;
	v21 =	vld.idx.msk [tilespmem:v10+s18+$0x0], $0xffff;
	[tilespmem:s15+$0xFFFFFFB0] =	vst v6;
	v6 =	vpop (erf)  }
0xf5: {  	v16 =	vor.u32 v0, v16;
	v20 =	vsel vm7, v20, v26;
	[tilespmem:s16+$0xFFFFFFC0] =	vst v6;
	v6 =	vmul.f32 $1.442695020e+00, v11;
	v11 =	vld [tilespmem:s14+$0xFFFFFFC0]  }
0xf6: {  	(erf) = vpow2.f32 v12;
	v12 =	vsub.f32 $0.0e+00, v20;
	v20 =	vmul.f32 $2.000000030e-01, v18;
	[tilespmem:s11+$0xFFFFFFC0] =	vst v16;
	v16 =	vld [tilespmem:s15+$0xFFFFFFC0]  }
0xf7: {  	vm8 =	vge.f32 v18, $0.0e+00;
	v14 =	vadd.f32 v23, v14;
	(erf) = vpow2.f32 v6;
	v6 =	vld [tilespmem:s3+$0xFFFFFFD0]  }
0xf8: {  	v17 =	vshll.u32 v17, $0x1;
	v23 =	vpop (erf);
	v12 =	vmul.f32 $1.442695020e+00, v12;
	v18 =	vsel vm8, v18, v20;
	v20 =	vld [tilespmem:s11+$0xFFFFFFD0]  }
0xf9: {  	v17 =	vor.u32 v0, v17;
	[tilespmem:s10+$0xFFFFFFD0] =	vst v23;
	v55 =	vmul.f32 $2.000000030e-01, v14;
	v23 =	vld.idx.msk [tilespmem:v22+s18+$0x0], $0xffff  }
0xfa: {  	vm9 =	vge.f32 v14, $0.0e+00;
	v18 =	vsub.f32 $0.0e+00, v18;
	v56 =	vld [tilespmem:s8+$0xFFFFFFE0];
	(erf) = vpow2.f32 v12  }
0xfb: {  	[tilespmem:s8+$0xFFFFFFD0] =	vst v17;
	v12 =	vadd.f32 v21, v24;
	v17 =	vld.idx.msk [tilespmem:v19+s17+$0x0], $0xffff;
	v14 =	vsel vm9, v14, v55  }
0xfc: {  	v5 =	vshll.u32 v5, $0x1;
	v19 =	vld [tilespmem:s12+$0xFFFFFFE0];
	v18 =	vmul.f32 $1.442695020e+00, v18;
	v14 =	vsub.f32 $0.0e+00, v14  }
0xfd: {  	v2 =	vshll.u32 v2, $0x1;
	v7 =	vld [tilespmem:s22+$0xFFFFFFF0];
	v5 =	vor.u32 v0, v5;
	v21 =	vmul.f32 $2.000000030e-01, v12  }
0xfe: {  	v61 =	vld.idx.msk [tilespmem:v8+s17+$0x0], $0xffff;
	v9 =	vshll.u32 v9, $0x1;
	vm10 =	vge.f32 v12, $0.0e+00;
	(erf) = vpow2.f32 v18  }
0xff: {  	v9 =	vor.u32 v0, v9;
	v57 =	vld.idx.msk [tilespmem:v11+s17+$0x0], $0xffff;
	v11 =	vmul.f32 $1.442695020e+00, v14;
	v12 =	vsel vm10, v12, v21  }
0x100: {  	v13 =	vshll.u32 v13, $0x1;
	v22 =	vshll.u32 v22, $0x1;
	v18 =	vld.idx.msk [tilespmem:v16+s18+$0x0], $0xffff;
	v12 =	vsub.f32 $0.0e+00, v12;
	v14 =	vpop (erf)  }
0x101: {  	v16 =	vshll.u32 v16, $0x1;
	(erf) = vpow2.f32 v11;
	v11 =	vadd.f32 v23, v17;
	v17 =	vld.idx.msk [tilespmem:v20+s18+$0x0], $0xffff;
	[tilespmem:s9+$0xFFFFFFE0] =	vst v14  }
0x102: {  	v23 =	vor.u32 v0, v2;
	v14 =	vld.idx.msk [tilespmem:v6+s17+$0x0], $0xffff;
	v6 =	vshll.u32 v7, $0x1;
	v21 =	vpop (erf);
	[tilespmem:s7+$0xFFFFFFE0] =	vst v5;
	v5 =	vmul.f32 $1.442695020e+00, v12  }
0x103: {  	v59 =	vld.idx.msk [tilespmem:v56+s18+$0x0], $0xffff;
	v2 =	vor.u32 v0, v6;
	v58 =	vmul.f32 $2.000000030e-01, v11;
	v12 =	vshll.u32 v15, $0x1;
	v15 =	vpop (erf)  }
0x104: {  	vm11 =	vge.f32 v11, $0.0e+00;
	(erf) = vpow2.f32 v5;
	[tilespmem:s10+$0x30] =	vst v15;
	v15 =	vld.idx.msk [tilespmem:v19+s17+$0x0], $0xffff;
	v19 =	vor.u32 v0, v12  }
0x105: {  	v6 =	vld [tilespmem:s20+$0xFFFFFFF0];
	v12 =	vor.u32 v0, v22;
	v22 =	vsel vm11, v11, v58;
	v18 =	vadd.f32 v18, v57;
	[tilespmem:s8+$0x30] =	vst v19  }
0x106: {  	v11 =	vor.u32 v0, v16;
	v16 =	vshll.u32 v20, $0x1;
	v19 =	vsub.f32 $0.0e+00, v22;
	v20 =	vld [tilespmem:s12+$0x40]  }
0x107: {  	v22 =	vshll.u32 v3, $0x1;
	v3 =	vld [tilespmem:s8+$0x40];
	v60 =	vpop (erf);
	v8 =	vadd.f32 v17, v14;
	v14 =	vmul.f32 $2.000000030e-01, v18  }
0x108: {  	v17 =	vld.idx.msk [tilespmem:v7+s18+$0x0], $0xffff;
	vm12 =	vge.f32 v18, $0.0e+00;
	v7 =	vor.u32 v0, v13;
	[tilespmem:s16+$0x20] =	vst v60;
	v19 =	vmul.f32 $1.442695020e+00, v19  }
0x109: {  	v5 =	vld [tilespmem:s7+$0xFFFFFFF0];
	v13 =	vor.u32 v0, v16;
	[tilespmem:s11+$0x20] =	vst v9;
	v14 =	vsel vm12, v18, v14;
	v16 =	vmul.f32 $2.000000030e-01, v8  }
0x10a: {  	v9 =	vpop (erf);
	(erf) = vpow2.f32 v19;
	v19 =	vld [tilespmem:s3+$0x30];
	v14 =	vsub.f32 $0.0e+00, v14  }
0x10b: {  	v10 =	vshll.u32 v10, $0x1;
	vm13 =	vge.f32 v8, $0.0e+00;
	[tilespmem:s4+$0x10] =	vst v9;
	v9 =	vld [tilespmem:s11+$0x30]  }
0x10c: {  	v62 =	vadd.f32 v59, v15;
	v18 =	vsel vm13, v8, v16;
	[tilespmem:s15+$0x10] =	vst v7;
	v8 =	vld [tilespmem:s15+$0x20];
	v14 =	vmul.f32 $1.442695020e+00, v14  }
0x10d: {  	v10 =	vor.u32 v0, v10;
	s20 =	simm.s32 $0x9FB0;
	v15 =	vld [tilespmem:s14+$0x20];
	v16 =	vpop (erf)  }
0x10e: {  	v26 =	vmul.f32 $2.000000030e-01, v62;
	(erf) = vpow2.f32 v14;
	[tilespmem:s20+$0x0] =	vst v16;
	v16 =	vld.idx.msk [tilespmem:v20+s17+$0x0], $0xffff;
	v20 =	vsub.f32 $0.0e+00, v18  }
0x10f: {  	v22 =	vor.u32 v0, v22;
	vm14 =	vge.f32 v62, $0.0e+00;
	v25 =	vadd.f32 v17, v61;
	v18 =	vld.idx.msk [tilespmem:v3+s18+$0x0], $0xffff;
	[tilespmem:s31+$0x0] =	vst v10  }
0x110: {  	[tilespmem:s6+$0x40] =	vst v4;
	v4 =	vshll.u32 v5, $0x1;
	v24 =	vsel vm14, v62, v26;
	v17 =	vld [tilespmem:s13+$0x10];
	v20 =	vmul.f32 $1.442695020e+00, v20  }
0x111: {  	[tilespmem:s22+$0x40] =	vst v23;
	v4 =	vor.u32 v0, v4;
	v63 =	vmul.f32 $2.000000030e-01, v25;
	v23 =	vsub.f32 $0.0e+00, v24;
	v10 =	vld [tilespmem:s31+$0x10]  }
0x112: {  	s1 =	simm.s32 $0xA;
	[tilespmem:s9+$0x40] =	vst v21;
	v7 =	vshll.u32 v56, $0x1;
	vm15 =	vge.f32 v25, $0.0e+00;
	v19 =	vld.idx.msk [tilespmem:v19+s17+$0x0], $0xffff;
	(erf) = vpow2.f32 v20  }
0x113: {  	s28 =	simm.s32 $0x5190;
	s0 =	simm.s32 $0x410;
	s22 =	simm.s32 $0x4E70;
	[tilespmem:s7+$0x40] =	vst v22;
	v7 =	vor.u32 v0, v7;
	v14 =	vsel vm15, v25, v63;
	v21 =	vmul.f32 $1.442695020e+00, v23;
	v22 =	vpop (erf);
	v20 =	vld.idx.msk [tilespmem:v9+s18+$0x0], $0xffff  }
.LBB2_2:
0x114: {  	v23 =	vld [tilespmem:s0+$0x0];
	[tilespmem:s20+$0xFFFFFFB0] =	vst v22;
	s31 =	sadd.s32 $0xA0, s31;
	v22 =	vsub.f32 $0.0e+00, v14  }
0x115: {  	v14 =	vld [tilespmem:s31+$0x0];
	[tilespmem:s28+$0xFFFFFFB0] =	vst v12;
	v12 =	vadd.f32 v18, v16;
	(erf) = vpow2.f32 v21  }
0x116: {  	v15 =	vld.idx.msk [tilespmem:v15+s17+$0x0], $0xffff;
	v16 =	vmul.f32 $1.442695020e+00, v22  }
0x117: {  	v18 =	vld.idx.msk [tilespmem:v8+s18+$0x0], $0xffff;
	v21 =	vpop (erf);
	v22 =	vmul.f32 $2.000000030e-01, v12  }
0x118: {  	vm0 =	vge.f32 v12, $0.0e+00;
	v17 =	vld.idx.msk [tilespmem:v17+s17+$0x0], $0xffff;
	[tilespmem:s4+$0xFFFFFFC0] =	vst v21;
	(erf) = vpow2.f32 v16  }
0x119: {  	v16 =	vld.idx.msk [tilespmem:v10+s18+$0x0], $0xffff;
	[tilespmem:s15+$0xFFFFFFC0] =	vst v11;
	v11 =	vadd.f32 v20, v19;
	v12 =	vsel vm0, v12, v22  }
0x11a: {  	v19 =	vld [tilespmem:s31+$0xFFFFFFB0];
	v12 =	vsub.f32 $0.0e+00, v12  }
0x11b: {  	v20 =	vld [tilespmem:s0+$0xFFFFFFB0];
	v21 =	vmul.f32 $2.000000030e-01, v11;
	v22 =	vpop (erf)  }
0x11c: {  	vm0 =	vge.f32 v11, $0.0e+00;
	v23 =	vld.idx.msk [tilespmem:v23+s17+$0x0], $0xffff;
	[tilespmem:s16+$0xFFFFFFD0] =	vst v22;
	v12 =	vmul.f32 $1.442695020e+00, v12  }
0x11d: {  	v15 =	vadd.f32 v18, v15;
	v22 =	vld.idx.msk [tilespmem:v14+s18+$0x0], $0xffff;
	[tilespmem:s11+$0xFFFFFFD0] =	vst v13;
	v11 =	vsel vm0, v11, v21  }
0x11e: {  	v13 =	vld [tilespmem:s13+$0xFFFFFFC0];
	v11 =	vsub.f32 $0.0e+00, v11;
	v18 =	vpop (erf);
	(erf) = vpow2.f32 v12  }
0x11f: {  	v16 =	vadd.f32 v16, v17;
	v25 =	vmul.f32 $2.000000030e-01, v15;
	v12 =	vshll.u32 v19, $0x1;
	v21 =	vld [tilespmem:s28+$0xFFFFFFC0];
	[tilespmem:s10+$0xFFFFFFE0] =	vst v18  }
0x120: {  	s1 =	sadd.s32 $0x2, s1;
	vm0 =	vge.f32 v15, $0.0e+00;
	v12 =	vor.u32 v0, v12;
	v18 =	vld [tilespmem:s14+$0xFFFFFFD0];
	v11 =	vmul.f32 $1.442695020e+00, v11;
	[tilespmem:s8+$0xFFFFFFE0] =	vst v7  }
0x121: {  	p1 =	slt.u32 s1, $0xF8;
	v7 =	vmul.f32 $2.000000030e-01, v16;
	v15 =	vsel vm0, v15, v25;
	v24 =	vld [tilespmem:s15+$0xFFFFFFD0];
	v17 =	vpop (erf)  }
0x122: {  	vm0 =	vge.f32 v16, $0.0e+00;
	v15 =	vsub.f32 $0.0e+00, v15;
	v19 =	vld.idx.msk [tilespmem:v19+s18+$0x0], $0xffff;
	(erf) = vpow2.f32 v11;
	[tilespmem:s6+$0xFFFFFFF0] =	vst v17;
	s6 =	smov.u32 s9;
	s9 =	smov.u32 s10;
	s10 =	smov.u32 s16  }
0x123: {  	v7 =	vsel vm0, v16, v7;
	v17 =	vld.idx.msk [tilespmem:v20+s17+$0x0], $0xffff;
	v20 =	vadd.f32 v22, v23;
	[tilespmem:s22+$0xFFFFFFF0] =	vst v2;
	v2 =	vmov v4;
	s22 =	smov.u32 s7;
	s7 =	smov.u32 s8;
	s8 =	smov.u32 s11  }
0x124: {  	v7 =	vsub.f32 $0.0e+00, v7;
	v15 =	vmul.f32 $1.442695020e+00, v15;
	s11 =	smov.u32 s15;
	s15 =	smov.u32 s28;
	s28 =	smov.u32 s31;
	v4 =	vshll.u32 v21, $0x1;
	v16 =	vld [tilespmem:s3+$0xFFFFFFE0]  }
0x125: {  	s16 =	smov.u32 s4;
	s4 =	smov.u32 s20;
	v22 =	vmul.f32 $2.000000030e-01, v20;
	v11 =	vor.u32 v0, v4;
	v4 =	vld [tilespmem:s8+$0xFFFFFFE0]  }
0x126: {  	vm0 =	vge.f32 v20, $0.0e+00;
	v7 =	vmul.f32 $1.442695020e+00, v7;
	v23 =	vld.idx.msk [tilespmem:v13+s17+$0x0], $0xffff;
	(erf) = vpow2.f32 v15  }
0x127: {  	v3 =	vshll.u32 v3, $0x1;
	v13 =	vsel vm0, v20, v22;
	v15 =	vld.idx.msk [tilespmem:v21+s18+$0x0], $0xffff;
	v20 =	vshll.u32 v24, $0x1;
	v21 =	vpop (erf)  }
0x128: {  	v3 =	vor.u32 v0, v3;
	v25 =	vsub.f32 $0.0e+00, v13;
	(erf) = vpow2.f32 v7;
	v18 =	vld.idx.msk [tilespmem:v18+s17+$0x0], $0xffff;
	[tilespmem:s9+$0x40] =	vst v21  }
0x129: {  	v17 =	vadd.f32 v19, v17;
	v13 =	vor.u32 v0, v20;
	v19 =	vld.idx.msk [tilespmem:v24+s18+$0x0], $0xffff;
	[tilespmem:s7+$0x40] =	vst v3  }
0x12a: {  	v3 =	vmul.f32 $1.442695020e+00, v25;
	v7 =	vshll.u32 v4, $0x1;
	v20 =	vld [tilespmem:s12+$0xFFFFFFF0];
	s12 =	smov.u32 s3;
	s3 =	smov.u32 s14;
	s14 =	smov.u32 s13  }
0x12b: {  	v9 =	vshll.u32 v9, $0x1;
	vm0 =	vge.f32 v17, $0.0e+00;
	v21 =	vmul.f32 $2.000000030e-01, v17;
	s13 =	smov.u32 s0;
	v22 =	vpop (erf);
	v24 =	vld [tilespmem:s7+$0xFFFFFFF0]  }
0x12c: {  	v7 =	vor.u32 v0, v7;
	(erf) = vpow2.f32 v3;
	v16 =	vld.idx.msk [tilespmem:v16+s17+$0x0], $0xffff;
	[tilespmem:s10+$0x30] =	vst v22;
	v3 =	vor.u32 v0, v9  }
0x12d: {  	v9 =	vsel vm0, v17, v21;
	v15 =	vadd.f32 v15, v23;
	v4 =	vld.idx.msk [tilespmem:v4+s18+$0x0], $0xffff;
	[tilespmem:s8+$0x30] =	vst v3  }
0x12e: {  	v9 =	vsub.f32 $0.0e+00, v9;
	v17 =	vld [tilespmem:s12+$0x40]  }
0x12f: {  	v8 =	vshll.u32 v8, $0x1;
	vm0 =	vge.f32 v15, $0.0e+00;
	v21 =	vmul.f32 $2.000000030e-01, v15;
	v22 =	vpop (erf);
	v3 =	vld [tilespmem:s8+$0x40]  }
0x130: {  	v8 =	vor.u32 v0, v8;
	v18 =	vadd.f32 v19, v18;
	v9 =	vmul.f32 $1.442695020e+00, v9;
	[tilespmem:s16+$0x20] =	vst v22;
	v19 =	vld.idx.msk [tilespmem:v6+s17+$0x0], $0xffff  }
0x131: {  	v10 =	vshll.u32 v10, $0x1;
	v25 =	vsel vm0, v15, v21;
	v15 =	vpop (erf);
	[tilespmem:s11+$0x20] =	vst v8;
	v8 =	vshll.u32 v24, $0x1;
	v21 =	vld.idx.msk [tilespmem:v5+s18+$0x0], $0xffff  }
0x132: {  	v6 =	vmovc v20;
	v25 =	vsub.f32 $0.0e+00, v25;
	v5 =	vmovc v24;
	(erf) = vpow2.f32 v9;
	[tilespmem:s20+$0x10] =	vst v15;
	v9 =	vor.u32 v0, v10;
	v23 =	vld [tilespmem:s3+$0x30]  }
0x133: {  	vm0 =	vge.f32 v18, $0.0e+00;
	v10 =	vmul.f32 $2.000000030e-01, v18;
	v20 =	vadd.f32 v4, v16;
	[tilespmem:s15+$0x10] =	vst v9;
	v9 =	vld [tilespmem:s11+$0x30]  }
0x134: {  	v4 =	vor.u32 v0, v8;
	v16 =	vmul.f32 $1.442695020e+00, v25;
	v15 =	vld [tilespmem:s14+$0x20]  }
0x135: {  	v14 =	vshll.u32 v14, $0x1;
	s20 =	sadd.s32 $0xA0, s20;
	v10 =	vsel vm0, v18, v10;
	v24 =	vmul.f32 $2.000000030e-01, v20;
	v22 =	vpop (erf);
	v8 =	vld [tilespmem:s15+$0x20]  }
0x136: {  	v14 =	vor.u32 v0, v14;
	v10 =	vsub.f32 $0.0e+00, v10;
	[tilespmem:s20+$0x0] =	vst v22;
	(erf) = vpow2.f32 v16;
	v16 =	vld.idx.msk [tilespmem:v17+s17+$0x0], $0xffff  }
.Ltmp2:
0x137: {  	vm0 =	vge.f32 v20, $0.0e+00;
	[tilespmem:s31+$0x0] =	vst v14;
	v18 =	vld.idx.msk [tilespmem:v3+s18+$0x0], $0xffff;
	v14 =	vadd.f32 v21, v19;
	(pc) =	sbr.rel @p1 .LBB2_2-.Ltmp2, $4  }
0x138: {  	v21 =	vmul.f32 $1.442695020e+00, v10;
	v19 =	vsel vm0, v20, v24;
	v17 =	vld [tilespmem:s0+$0x10]  }
0x139: {  	v24 =	vsub.f32 $0.0e+00, v19;
	v10 =	vld [tilespmem:s31+$0x10];
	vm0 =	vge.f32 v14, $0.0e+00;
	v25 =	vmul.f32 $2.000000030e-01, v14  }
0x13a: {  	v19 =	vld.idx.msk [tilespmem:v23+s17+$0x0], $0xffff;
	(erf) = vpow2.f32 v21  }
0x13b: {  	s0 =	sadd.s32 $0xA0, s0;
	v21 =	vmul.f32 $1.442695020e+00, v24;
	v22 =	vpop (erf);
	v20 =	vld.idx.msk [tilespmem:v9+s18+$0x0], $0xffff;
	v14 =	vsel vm0, v14, v25  }
0x13c: {  	_ =	sdelay $0x3  }
0x13d: {  	v15 =	vld.idx.msk [tilespmem:v15+s17+$0x0], $0xffff  }
0x13e: {  	[tilespmem:s20+$0xFFFFFFB0] =	vst v22;
	v33 =	vld.idx.msk [tilespmem:v8+s18+$0x0], $0xffff  }
0x13f: {  	v34 =	vld [tilespmem:s28+$0xFFFFFFC0]  }
0x140: {  	[tilespmem:s28+$0xFFFFFFB0] =	vst v12;
	v17 =	vld.idx.msk [tilespmem:v17+s17+$0x0], $0xffff  }
0x141: {  	v16 =	vadd.f32 v18, v16;
	v22 =	vld [tilespmem:s13+$0xFFFFFFC0]  }
0x142: {  	v23 =	vld.idx.msk [tilespmem:v10+s18+$0x0], $0xffff;
	v19 =	vadd.f32 v20, v19  }
0x143: {  	v14 =	vsub.f32 $0.0e+00, v14;
	(erf) = vpow2.f32 v21;
	v35 =	vmul.f32 $2.000000030e-01, v16  }
0x144: {  	vm0 =	vge.f32 v16, $0.0e+00;
	v12 =	vadd.f32 v33, v15;
	v24 =	vmul.f32 $2.000000030e-01, v19  }
0x145: {  	v14 =	vmul.f32 $1.442695020e+00, v14;
	v36 =	vsel vm0, v16, v35;
	vm8 =	vge.f32 v19, $0.0e+00  }
0x146: {  	v15 =	vsub.f32 $0.0e+00, v36;
	v38 =	vmul.f32 $2.000000030e-01, v12;
	v37 =	vsel vm8, v19, v24  }
0x147: {  	vm9 =	vge.f32 v12, $0.0e+00;
	v17 =	vadd.f32 v23, v17;
	v16 =	vsub.f32 $0.0e+00, v37  }
0x148: {  	v39 =	vpop (erf);
	(erf) = vpow2.f32 v14;
	v15 =	vmul.f32 $1.442695020e+00, v15;
	v12 =	vsel vm9, v12, v38;
	v42 =	vld.idx.msk [tilespmem:v34+s18+$0x0], $0xffff  }
0x149: {  	v44 =	vmul.f32 $2.000000030e-01, v17;
	v40 =	vld.idx.msk [tilespmem:v22+s17+$0x0], $0xffff;
	v12 =	vsub.f32 $0.0e+00, v12;
	v41 =	vmul.f32 $1.442695020e+00, v16  }
0x14a: {  	v43 =	vpop (erf);
	(erf) = vpow2.f32 v15;
	vm10 =	vge.f32 v17, $0.0e+00  }
0x14b: {  	[tilespmem:s4+$0xFFFFFFC0] =	vst v39;
	v46 =	vsel vm10, v17, v44;
	v45 =	vmul.f32 $1.442695020e+00, v12;
	(erf) = vpow2.f32 v41  }
0x14c: {  	[tilespmem:s15+$0xFFFFFFC0] =	vst v11;
	v14 =	vld [tilespmem:s15+$0xFFFFFFD0];
	v12 =	vsub.f32 $0.0e+00, v46  }
0x14d: {  	v20 =	vld [tilespmem:s14+$0xFFFFFFD0];
	(erf) = vpow2.f32 v45  }
0x14e: {  	v12 =	vmul.f32 $1.442695020e+00, v12;
	v48 =	vadd.f32 v42, v40;
	_ =	sdelay $0x1  }
0x14f: {  	v6 =	vld.idx.msk [tilespmem:v6+s17+$0x0], $0xffff;
	v16 =	vmul.f32 $2.000000030e-01, v48  }
0x150: {  	v5 =	vld.idx.msk [tilespmem:v5+s18+$0x0], $0xffff;
	[tilespmem:s16+$0xFFFFFFD0] =	vst v43;
	v17 =	vpop (erf);
	(erf) = vpow2.f32 v12;
	vm11 =	vge.f32 v48, $0.0e+00  }
0x151: {  	[tilespmem:s11+$0xFFFFFFD0] =	vst v13;
	v13 =	vld [tilespmem:s11+$0xFFFFFFE0];
	v12 =	vpop (erf);
	v16 =	vsel vm11, v48, v16  }
0x152: {  	v47 =	vld [tilespmem:s3+$0xFFFFFFE0];
	v11 =	vpop (erf);
	v16 =	vsub.f32 $0.0e+00, v16  }
0x153: {  	v9 =	vshll.u32 v9, $0x1;
	v50 =	vld.idx.msk [tilespmem:v14+s18+$0x0], $0xffff;
	v51 =	vpop (erf)  }
0x154: {  	v9 =	vor.u32 v0, v9;
	v49 =	vld.idx.msk [tilespmem:v20+s17+$0x0], $0xffff;
	v16 =	vmul.f32 $1.442695020e+00, v16;
	[tilespmem:s16+$0x30] =	vst v51  }
0x155: {  	v53 =	vshll.u32 v8, $0x1;
	v54 =	vpop (erf);
	[tilespmem:s11+$0x30] =	vst v9;
	v8 =	vld [tilespmem:s11+$0x40]  }
0x156: {  	v56 =	vor.u32 v0, v53;
	[tilespmem:s4+$0x20] =	vst v54;
	(erf) = vpow2.f32 v16;
	v55 =	vld [tilespmem:s3+$0x40]  }
0x157: {  	[tilespmem:s15+$0x20] =	vst v56;
	v59 =	vld [tilespmem:s15+$0x30]  }
0x158: {  	v9 =	vld [tilespmem:s14+$0x30]  }
0x159: {  	v57 =	vshll.u32 v10, $0x1;
	v52 =	vld.idx.msk [tilespmem:v13+s18+$0x0], $0xffff;
	v58 =	vpop (erf)  }
0x15a: {  	v10 =	vor.u32 v0, v57;
	v15 =	vld.idx.msk [tilespmem:v47+s17+$0x0], $0xffff;
	[tilespmem:s20+$0x10] =	vst v58  }
0x15b: {  	[tilespmem:s28+$0x10] =	vst v10;
	v16 =	vld [tilespmem:s28+$0x20]  }
0x15c: {  	v10 =	vld [tilespmem:s13+$0x20]  }
0x15d: {  	v61 =	vld.idx.msk [tilespmem:v8+s18+$0x0], $0xffff  }
0x15e: {  	v60 =	vld.idx.msk [tilespmem:v55+s17+$0x0], $0xffff  }
0x15f: {  	v18 =	vshll.u32 v34, $0x1;
	v62 =	vpop (erf);
	v63 =	vld.idx.msk [tilespmem:v59+s18+$0x0], $0xffff  }
0x160: {  	v18 =	vor.u32 v0, v18;
	v9 =	vld.idx.msk [tilespmem:v9+s17+$0x0], $0xffff;
	[tilespmem:s20+$0xFFFFFFC0] =	vst v62  }
0x161: {  	v19 =	vadd.f32 v50, v49;
	[tilespmem:s28+$0xFFFFFFC0] =	vst v18;
	v31 =	vld [tilespmem:s28+$0xFFFFFFD0]  }
0x162: {  	v5 =	vadd.f32 v5, v6;
	v15 =	vadd.f32 v52, v15;
	v29 =	vld [tilespmem:s13+$0xFFFFFFD0]  }
0x163: {  	v25 =	vmul.f32 $2.000000030e-01, v19  }
0x164: {  	v35 =	vmul.f32 $2.000000030e-01, v5;
	vm12 =	vge.f32 v19, $0.0e+00;
	v30 =	vmul.f32 $2.000000030e-01, v15  }
0x165: {  	vm14 =	vge.f32 v5, $0.0e+00;
	v28 =	vsel vm12, v19, v25;
	vm13 =	vge.f32 v15, $0.0e+00;
	v34 =	vld.idx.msk [tilespmem:v16+s18+$0x0], $0xffff  }
0x166: {  	v15 =	vsel vm13, v15, v30;
	v18 =	vsub.f32 $0.0e+00, v28;
	v10 =	vld.idx.msk [tilespmem:v10+s17+$0x0], $0xffff;
	v33 =	vadd.f32 v61, v60  }
0x167: {  	v5 =	vsel vm14, v5, v35;
	v15 =	vsub.f32 $0.0e+00, v15;
	v36 =	vadd.f32 v63, v9  }
0x168: {  	v5 =	vsub.f32 $0.0e+00, v5;
	v32 =	vmul.f32 $1.442695020e+00, v18;
	v38 =	vmul.f32 $2.000000030e-01, v33  }
0x169: {  	v37 =	vmul.f32 $1.442695020e+00, v15;
	vm15 =	vge.f32 v33, $0.0e+00;
	v21 =	vmul.f32 $2.000000030e-01, v36;
	v40 =	vld.idx.msk [tilespmem:v31+s18+$0x0], $0xffff  }
0x16a: {  	(erf) = vpow2.f32 v32;
	vm4 =	vge.f32 v36, $0.0e+00;
	v15 =	vsel vm15, v33, v38;
	v39 =	vld.idx.msk [tilespmem:v29+s17+$0x0], $0xffff  }
0x16b: {  	v10 =	vadd.f32 v34, v10;
	v15 =	vsub.f32 $0.0e+00, v15;
	v6 =	vsel vm4, v36, v21  }
0x16c: {  	v5 =	vmul.f32 $1.442695020e+00, v5;
	(erf) = vpow2.f32 v37;
	v6 =	vsub.f32 $0.0e+00, v6  }
0x16d: {  	v42 =	vmul.f32 $2.000000030e-01, v10;
	v41 =	vmul.f32 $1.442695020e+00, v15  }
0x16e: {  	(erf) = vpow2.f32 v5;
	vm5 =	vge.f32 v10, $0.0e+00;
	v43 =	vmul.f32 $1.442695020e+00, v6  }
0x16f: {  	v44 =	vsel vm5, v10, v42;
	(erf) = vpow2.f32 v41;
	v45 =	vadd.f32 v40, v39  }
0x170: {  	v6 =	vsub.f32 $0.0e+00, v44;
	(erf) = vpow2.f32 v43  }
0x171: {  	v48 =	vmul.f32 $2.000000030e-01, v45  }
0x172: {  	v6 =	vmul.f32 $1.442695020e+00, v6;
	vm6 =	vge.f32 v45, $0.0e+00  }
0x173: {  	v46 =	vshll.u32 v14, $0x1;
	v5 =	vsel vm6, v45, v48  }
0x174: {  	[tilespmem:s10+$0xFFFFFFE0] =	vst v17;
	v9 =	vor.u32 v0, v46;
	v47 =	vpop (erf);
	(erf) = vpow2.f32 v6;
	v5 =	vsub.f32 $0.0e+00, v5  }
0x175: {  	[tilespmem:s8+$0xFFFFFFE0] =	vst v7;
	v7 =	vld [tilespmem:s8+$0xFFFFFFF0]  }
0x176: {  	v55 =	vld [tilespmem:s12+$0xFFFFFFF0];
	[tilespmem:s4+$0xFFFFFFD0] =	vst v47;
	v50 =	vpop (erf)  }
0x177: {  	[tilespmem:s15+$0xFFFFFFD0] =	vst v9;
	v9 =	vpop (erf)  }
0x178: {  	v52 =	vmul.f32 $1.442695020e+00, v5;
	v5 =	vpop (erf)  }
0x179: {  	v53 =	vshll.u32 v59, $0x1;
	v51 =	vld [tilespmem:s15+$0xFFFFFFE0];
	v54 =	vpop (erf)  }
0x17a: {  	v56 =	vor.u32 v0, v53;
	v49 =	vld [tilespmem:s14+$0xFFFFFFE0];
	(erf) = vpow2.f32 v52;
	[tilespmem:s4+$0x30] =	vst v54  }
0x17b: {  	[tilespmem:s15+$0x30] =	vst v56;
	v62 =	vld [tilespmem:s15+$0x40]  }
0x17c: {  	v17 =	vld [tilespmem:s14+$0x40]  }
0x17d: {  	v58 =	vshll.u32 v16, $0x1;
	v28 =	vld.idx.msk [tilespmem:v7+s18+$0x0], $0xffff;
	v59 =	vpop (erf)  }
0x17e: {  	v61 =	vor.u32 v0, v58;
	v15 =	vld.idx.msk [tilespmem:v55+s17+$0x0], $0xffff;
	[tilespmem:s20+$0x20] =	vst v59  }
0x17f: {  	[tilespmem:s28+$0x20] =	vst v61;
	v63 =	vld [tilespmem:s28+$0x30]  }
0x180: {  	v16 =	vld [tilespmem:s13+$0x30]  }
0x181: {  	v60 =	vld.idx.msk [tilespmem:v51+s18+$0x0], $0xffff  }
0x182: {  	v57 =	vld.idx.msk [tilespmem:v49+s17+$0x0], $0xffff  }
0x183: {  	v26 =	vshll.u32 v31, $0x1;
	v27 =	vpop (erf);
	v29 =	vld.idx.msk [tilespmem:v62+s18+$0x0], $0xffff  }
0x184: {  	v21 =	vor.u32 v0, v26;
	[tilespmem:s20+$0xFFFFFFD0] =	vst v27;
	v17 =	vld.idx.msk [tilespmem:v17+s17+$0x0], $0xffff  }
0x185: {  	[tilespmem:s28+$0xFFFFFFD0] =	vst v21;
	v22 =	vld [tilespmem:s28+$0xFFFFFFE0]  }
0x186: {  	v21 =	vld [tilespmem:s13+$0xFFFFFFE0]  }
0x187: {  	v30 =	vld.idx.msk [tilespmem:v63+s18+$0x0], $0xffff  }
0x188: {  	v16 =	vld.idx.msk [tilespmem:v16+s17+$0x0], $0xffff;
	_ =	sdelay $0x1  }
0x189: {  	v15 =	vadd.f32 v28, v15;
	v18 =	vadd.f32 v60, v57;
	_ =	sdelay $0x1  }
0x18a: {  	v23 =	vmul.f32 $2.000000030e-01, v15;
	v19 =	vmul.f32 $2.000000030e-01, v18;
	v17 =	vadd.f32 v29, v17  }
0x18b: {  	vm8 =	vge.f32 v15, $0.0e+00;
	vm7 =	vge.f32 v18, $0.0e+00;
	v16 =	vadd.f32 v30, v16;
	v31 =	vld.idx.msk [tilespmem:v22+s18+$0x0], $0xffff  }
0x18c: {  	v15 =	vsel vm8, v15, v23;
	v18 =	vsel vm7, v18, v19;
	v32 =	vmul.f32 $2.000000030e-01, v17;
	v21 =	vld.idx.msk [tilespmem:v21+s17+$0x0], $0xffff  }
0x18d: {  	v18 =	vsub.f32 $0.0e+00, v18;
	vm9 =	vge.f32 v17, $0.0e+00;
	v33 =	vmul.f32 $2.000000030e-01, v16  }
0x18e: {  	v15 =	vsub.f32 $0.0e+00, v15;
	vm10 =	vge.f32 v16, $0.0e+00;
	v17 =	vsel vm9, v17, v32  }
0x18f: {  	v18 =	vmul.f32 $1.442695020e+00, v18;
	v17 =	vsub.f32 $0.0e+00, v17;
	v16 =	vsel vm10, v16, v33  }
0x190: {  	v15 =	vmul.f32 $1.442695020e+00, v15;
	v16 =	vsub.f32 $0.0e+00, v16  }
0x191: {  	(erf) = vpow2.f32 v18;
	v35 =	vmul.f32 $1.442695020e+00, v17;
	v34 =	vadd.f32 v31, v21  }
0x192: {  	(erf) = vpow2.f32 v15;
	v16 =	vmul.f32 $1.442695020e+00, v16  }
0x193: {  	(erf) = vpow2.f32 v35;
	v36 =	vmul.f32 $2.000000030e-01, v34  }
0x194: {  	(erf) = vpow2.f32 v16;
	vm11 =	vge.f32 v34, $0.0e+00  }
0x195: {  	v37 =	vsel vm11, v34, v36  }
0x196: {  	v15 =	vsub.f32 $0.0e+00, v37;
	_ =	sdelay $0x1  }
0x197: {  	v13 =	vshll.u32 v13, $0x1;
	v15 =	vmul.f32 $1.442695020e+00, v15  }
0x198: {  	v13 =	vor.u32 v0, v13;
	[tilespmem:s16+$0xFFFFFFE0] =	vst v50  }
0x199: {  	[tilespmem:s11+$0xFFFFFFE0] =	vst v13;
	v44 =	vld [tilespmem:s11+$0xFFFFFFF0];
	v38 =	vpop (erf);
	(erf) = vpow2.f32 v15  }
0x19a: {  	v43 =	vld [tilespmem:s3+$0xFFFFFFF0];
	v39 =	vpop (erf);
	[tilespmem:s4+$0xFFFFFFE0] =	vst v38  }
0x19b: {  	v45 =	vshll.u32 v51, $0x1;
	v51 =	vld [tilespmem:s15+$0xFFFFFFF0];
	v40 =	vpop (erf)  }
0x19c: {  	v41 =	vshll.u32 v63, $0x1;
	v42 =	vpop (erf)  }
0x19d: {  	v13 =	vor.u32 v0, v41;
	[tilespmem:s20+$0x30] =	vst v42  }
0x19e: {  	[tilespmem:s28+$0x30] =	vst v13;
	v13 =	vor.u32 v0, v45;
	v48 =	vld [tilespmem:s28+$0x40]  }
0x19f: {  	v46 =	vld [tilespmem:s13+$0x40];
	[tilespmem:s15+$0xFFFFFFE0] =	vst v13  }
0x1a0: {  	v50 =	vld [tilespmem:s14+$0xFFFFFFF0]  }
0x1a1: {  	v52 =	vld.idx.msk [tilespmem:v44+s18+$0x0], $0xffff  }
0x1a2: {  	v18 =	vld.idx.msk [tilespmem:v43+s17+$0x0], $0xffff;
	v47 =	vshll.u32 v22, $0x1;
	v49 =	vpop (erf)  }
0x1a3: {  	v13 =	vor.u32 v0, v47;
	v55 =	vld.idx.msk [tilespmem:v51+s18+$0x0], $0xffff;
	[tilespmem:s20+$0xFFFFFFE0] =	vst v49  }
0x1a4: {  	[tilespmem:s28+$0xFFFFFFE0] =	vst v13;
	v53 =	vld [tilespmem:s28+$0xFFFFFFF0]  }
0x1a5: {  	v13 =	vld [tilespmem:s13+$0xFFFFFFF0]  }
0x1a6: {  	v54 =	vld.idx.msk [tilespmem:v48+s18+$0x0], $0xffff  }
0x1a7: {  	v14 =	vld.idx.msk [tilespmem:v46+s17+$0x0], $0xffff  }
0x1a8: {  	v20 =	vld.idx.msk [tilespmem:v50+s17+$0x0], $0xffff  }
0x1a9: {  	v18 =	vadd.f32 v52, v18;
	_ =	sdelay $0x1  }
0x1aa: {  	v21 =	vmul.f32 $2.000000030e-01, v18  }
0x1ab: {  	vm12 =	vge.f32 v18, $0.0e+00;
	v14 =	vadd.f32 v54, v14;
	v56 =	vld.idx.msk [tilespmem:v53+s18+$0x0], $0xffff  }
0x1ac: {  	v18 =	vsel vm12, v18, v21;
	v20 =	vadd.f32 v55, v20;
	v13 =	vld.idx.msk [tilespmem:v13+s17+$0x0], $0xffff  }
0x1ad: {  	v18 =	vsub.f32 $0.0e+00, v18;
	v23 =	vmul.f32 $2.000000030e-01, v14  }
0x1ae: {  	vm13 =	vge.f32 v14, $0.0e+00;
	v24 =	vmul.f32 $2.000000030e-01, v20  }
0x1af: {  	v18 =	vmul.f32 $1.442695020e+00, v18;
	vm14 =	vge.f32 v20, $0.0e+00;
	v14 =	vsel vm13, v14, v23  }
0x1b0: {  	v20 =	vsel vm14, v20, v24;
	v14 =	vsub.f32 $0.0e+00, v14  }
0x1b1: {  	(erf) = vpow2.f32 v18;
	v57 =	vsub.f32 $0.0e+00, v20;
	v13 =	vadd.f32 v56, v13  }
0x1b2: {  	[tilespmem:s6+$0xFFFFFFF0] =	vst v12;
	v58 =	vmul.f32 $1.442695020e+00, v14  }
0x1b3: {  	[tilespmem:s22+$0xFFFFFFF0] =	vst v2;
	v2 =	vmul.f32 $1.442695020e+00, v57;
	v59 =	vmul.f32 $2.000000030e-01, v13  }
0x1b4: {  	v3 =	vshll.u32 v3, $0x1;
	(erf) = vpow2.f32 v58;
	vm15 =	vge.f32 v13, $0.0e+00  }
0x1b5: {  	v3 =	vor.u32 v0, v3;
	[tilespmem:s10+$0x40] =	vst v11;
	(erf) = vpow2.f32 v2;
	v2 =	vsel vm15, v13, v59  }
0x1b6: {  	[tilespmem:s8+$0x40] =	vst v3;
	v2 =	vsub.f32 $0.0e+00, v2  }
0x1b7: {  	[tilespmem:s9+$0xFFFFFFF0] =	vst v9;
	v60 =	vshll.u32 v7, $0x1  }
0x1b8: {  	v3 =	vor.u32 v0, v60;
	[tilespmem:s10+$0xFFFFFFF0] =	vst v39;
	v2 =	vmul.f32 $1.442695020e+00, v2  }
0x1b9: {  	[tilespmem:s8+$0xFFFFFFF0] =	vst v3;
	v3 =	vshll.u32 v8, $0x1  }
0x1ba: {  	[tilespmem:s16+$0x40] =	vst v5;
	v61 =	vpop (erf);
	(erf) = vpow2.f32 v2;
	v2 =	vor.u32 v0, v3;
	v3 =	vshll.u32 v44, $0x1  }
0x1bb: {  	[tilespmem:s11+$0x40] =	vst v2;
	v2 =	vor.u32 v0, v3  }
0x1bc: {  	[tilespmem:s4+$0x40] =	vst v40  }
0x1bd: {  	[tilespmem:s16+$0xFFFFFFF0] =	vst v61;
	v3 =	vshll.u32 v62, $0x1  }
0x1be: {  	[tilespmem:s11+$0xFFFFFFF0] =	vst v2;
	v3 =	vor.u32 v0, v3;
	v2 =	vpop (erf)  }
0x1bf: {  	v63 =	vshll.u32 v51, $0x1;
	[tilespmem:s15+$0x40] =	vst v3;
	v62 =	vpop (erf)  }
0x1c0: {  	v3 =	vor.u32 v0, v63;
	[tilespmem:s4+$0xFFFFFFF0] =	vst v62  }
0x1c1: {  	[tilespmem:s15+$0xFFFFFFF0] =	vst v3;
	v3 =	vshll.u32 v48, $0x1  }
0x1c2: {  	[tilespmem:s7+$0xFFFFFFF0] =	vst v4  }
0x1c3: {  	[tilespmem:s20+$0x40] =	vst v2;
	v2 =	vor.u32 v0, v3  }
0x1c4: {  	[tilespmem:s28+$0x40] =	vst v2;
	v2 =	vshll.u32 v53, $0x1;
	v3 =	vpop (erf)  }
0x1c5: {  	v2 =	vor.u32 v0, v2;
	[tilespmem:s20+$0xFFFFFFF0] =	vst v3  }
0x1c6: {  	[tilespmem:s28+$0xFFFFFFF0] =	vst v2  }
0x1c7: {  	s0 =	simm.s32 @!p0 $0x0;
	s1 =	simm.s32 @!p0 $0x9C40;
	s3 =	rddreg [dreg:$0xa]  }
0x1c8: {  	[hbm4b:s3+s0] =	stream.linear.scatter @!p0 [tilespmem:s1], [sflag:$0x9], $0x4E20, $0x38;
	[tilespmem:$0x1F4A0] =	vst v63  }
0x1c9: {  	s0 =	simm.s32 @!p0 $0x9  }
0x1ca: {  	_ =	swait.ge @!p0 [sflag:s0], $0x4E20  }
0x1cb: {  	[sflag:s0] =	ssyncset.done @!p0 $0x0  }
0x1cc: {  	[sflag:s0] =	ssyncadd.s32 @!p0 $0xFFFFB1E0  }
0x1cd: {  	s16 =	simm.s32 $0x4E20;
	[bflag:$0x0] =	sbarrier.arrive $0xFFFF  }
0x1ce: {  	[tilespmem:s17], [sflag:$0x1] =	stream.indirect.gather [hbm4b:s5+s19], $0x20, s16, s19, $0xb8;
	[tilespmem:$0x1F4A0] =	vst v63  }
0x1cf: {  	s31 =	simm.s32 $0x2;
	s22 =	simm.s32 $0x4E70;
	s10 =	simm.s32 $0x190A0  }
0x1d0: {  	[tilespmem:s10], [sflag:$0x2] =	stream.indirect.gather [hbm4b:s5+s19], $0x20, s22, s19, $0xb8;
	[tilespmem:$0x1F4A0] =	vst v63  }
0x1d1: {  	s6 =	simm.s32 $0x0;
	s12 =	simm.s32 $0x19AA0;
	s11 =	simm.s32 $0x4EC0  }
0x1d2: {  	[tilespmem:s12], [sflag:$0x3] =	stream.indirect.gather [hbm4b:s5+s19], $0x20, s11, s19, $0xb8;
	[tilespmem:$0x1F4A0] =	vst v63  }
0x1d3: {  	s7 =	simm.s32 $0x0;
	s14 =	simm.s32 $0x1A4A0;
	s13 =	simm.s32 $0x4F10  }
0x1d4: {  	[tilespmem:s14], [sflag:$0x4] =	stream.indirect.gather [hbm4b:s5+s19], $0x20, s13, s19, $0xb8;
	[tilespmem:$0x1F4A0] =	vst v63  }
0x1d5: {  	s15 =	simm.s32 $0x4F60;
	s20 =	simm.s32 $0x1AEA0;
	s28 =	simm.s32 $0x1B8A0  }
0x1d6: {  	[tilespmem:s20], [sflag:$0x5] =	stream.indirect.gather [hbm4b:s5+s19], $0x20, s15, s19, $0xb8;
	[tilespmem:$0x1F4A0] =	vst v63  }
.LBB2_4:
0x1d7: {  	s9 =	smul.u32 $0x5, s7  }
0x1d8: {  	_ =	swait.ge [sflag:s29], $0xA00;
	p2 =	seq.s32 s7, $0x0;
	s1 =	simm.s32 $0x1  }
0x1d9: {  	s3 =	simm.s32 $0x2;
	s4 =	simm.s32 $0x3;
	[sflag:s29] =	ssyncset.done $0x0  }
0x1da: {  	s12 =	simm.s32 $0x4;
	s0 =	simm.s32 @!p2 $0x6;
	[sflag:s29] =	ssyncadd.s32 $0xFFFFF600  }
0x1db: {  	s13 =	simm.s32 $0x5;
	s14 =	simm.s32 $0x7;
	v11 =	vmov s1;
	v12 =	vmov s3;
	v14 =	vmov s4;
	_ =	swait.ge @!p2 [sflag:s0], $0x1400  }
0x1dc: {  	s15 =	simm.s32 $0x6;
	v16 =	vmov s12;
	v17 =	vmov s13;
	v18 =	vmov s14;
	[sflag:s0] =	ssyncset.done @!p2 $0x0  }
0x1dd: {  	s11 =	simm.s32 $0x18720;
	v19 =	vmov s15;
	v2 =	vmov s9;
	v11 =	vshrl.u32 v11, $0x3;
	[sflag:s0] =	ssyncadd.s32 @!p2 $0xFFFFEC00  }
0x1de: {  	v16 =	vshrl.u32 v16, $0x3;
	v17 =	vshrl.u32 v17, $0x3;
	v18 =	vshrl.u32 v18, $0x3;
	v10 =	vld [tilespmem:s11+$0xFFFFFFF0]  }
0x1df: {  	v12 =	vshrl.u32 v12, $0x3;
	v19 =	vshrl.u32 v19, $0x3;
	v14 =	vshrl.u32 v14, $0x3;
	v13 =	vld [tilespmem:s11+$0xFFFFFF80]  }
0x1e0: {  	v2 =	vmul.u32 $0x50, v2;
	v16 =	vshll.u32 v16, v1;
	v17 =	vshll.u32 v17, v1;
	v15 =	vld [tilespmem:s11+$0xFFFFFFB0]  }
0x1e1: {  	v11 =	vshll.u32 v11, v1;
	v18 =	vshll.u32 v18, v1;
	v25 =	vshll.u32 v12, v1;
	v32 =	vld [tilespmem:s11+$0x40]  }
0x1e2: {  	v19 =	vshll.u32 v19, v1;
	v14 =	vshll.u32 v14, v1;
	v9 =	vor.u32 $0x7, v2;
	v20 =	vld [tilespmem:s11+$0x50]  }
0x1e3: {  	v3 =	vor.u32 $0x1, v2;
	v4 =	vor.u32 $0x2, v2;
	v21 =	vld [tilespmem:s11+$0x20];
	v18 =	vadd.s32 v18, v9  }
0x1e4: {  	v6 =	vor.u32 $0x4, v2;
	v11 =	vadd.s32 v11, v3;
	v23 =	vld [tilespmem:s11+$0xFFFFFFD0];
	v18 =	vbroadcast v18, $0x0  }
0x1e5: {  	v5 =	vor.u32 $0x3, v2;
	v16 =	vadd.s32 v16, v6;
	v24 =	vld [tilespmem:s11+$0x0];
	v11 =	vbroadcast v11, $0x0  }
0x1e6: {  	v8 =	vor.u32 $0x6, v2;
	v27 =	vld [tilespmem:s11+$0x30];
	v25 =	vadd.s32 v25, v4;
	v16 =	vbroadcast v16, $0x0  }
0x1e7: {  	v7 =	vor.u32 $0x5, v2;
	v19 =	vadd.s32 v19, v8;
	v26 =	vld [tilespmem:s11+$0x60];
	v25 =	vbroadcast v25, $0x0  }
0x1e8: {  	v17 =	vadd.s32 v17, v7;
	v14 =	vadd.s32 v14, v5;
	v28 =	vld [tilespmem:s11+$0xFFFFFFA0];
	v19 =	vbroadcast v19, $0x0  }
0x1e9: {  	v22 =	vld [tilespmem:s11+$0x10];
	v17 =	vbroadcast v17, $0x0;
	v29 =	vbroadcast v14, $0x0;
	v14 =	vmov s6  }
0x1ea: {  	v33 =	vunpack.i.u.bf16.f32 v10;
	v34 =	vunpack.i.l.bf16.f32 v10;
	v30 =	vunpack.i.l.bf16.f32 v21;
	v10 =	vld.idx.msk [tilespmem:v18+s30+$0x0], $0xffff  }
0x1eb: {  	v35 =	vunpack.i.l.bf16.f32 v27;
	v36 =	vunpack.i.l.bf16.f32 v32;
	v37 =	vunpack.i.l.bf16.f32 v20;
	v31 =	vld.idx.msk [tilespmem:v11+s30+$0x0], $0xffff  }
0x1ec: {  	v38 =	vunpack.i.l.bf16.f32 v15;
	v39 =	vunpack.i.u.bf16.f32 v23;
	v40 =	vunpack.i.l.bf16.f32 v24;
	v16 =	vld.idx.msk [tilespmem:v16+s30+$0x0], $0xffff  }
0x1ed: {  	v41 =	vunpack.i.u.bf16.f32 v26;
	v43 =	vunpack.i.l.bf16.f32 v28;
	v42 =	vld.idx.msk [tilespmem:v25+s30+$0x0], $0xffff;
	v25 =	vshrl.u32 v14, $0x3  }
0x1ee: {  	v26 =	vunpack.i.l.bf16.f32 v26;
	v44 =	vunpack.i.u.bf16.f32 v13;
	v14 =	vld.idx.msk [tilespmem:v19+s30+$0x0], $0xffff;
	v19 =	vshll.u32 v25, v1  }
0x1ef: {  	v15 =	vunpack.i.u.bf16.f32 v15;
	v17 =	vld.idx.msk [tilespmem:v17+s30+$0x0], $0xffff;
	v19 =	vadd.s32 v2, v19;
	v25 =	vmul.f32 v26, v10  }
0x1f0: {  	s3 =	simm.s32 $0x1B9A0;
	v23 =	vunpack.i.l.bf16.f32 v23;
	v58 =	vbroadcast v19, $0x0;
	v41 =	vmul.f32 v41, v10  }
0x1f1: {  	v60 =	vld [tilespmem:s11+$0xFFFFFFC0];
	v20 =	vunpack.i.u.bf16.f32 v20;
	v26 =	vmul.f32 v43, v31;
	v19 =	vmul.f32 v40, v16;
	[tilespmem:s3+$0xC0] =	vst v25  }
0x1f2: {  	v12 =	vld [tilespmem:s11+$0x70];
	v18 =	vunpack.i.l.bf16.f32 v22;
	v15 =	vmul.f32 v15, v31;
	v23 =	vmul.f32 v23, v42;
	[tilespmem:s3+$0xD0] =	vst v41  }
0x1f3: {  	v59 =	vld [tilespmem:s11+$0xFFFFFFE0];
	v28 =	vunpack.i.u.bf16.f32 v28;
	v61 =	vmul.f32 v20, v14;
	v18 =	vmul.f32 v18, v16;
	[tilespmem:s3+$0xFFFFFF40] =	vst v26  }
0x1f4: {  	v20 =	vunpack.i.u.bf16.f32 v22;
	v22 =	vmul.f32 v30, v17;
	v25 =	vmul.f32 v28, v31;
	[tilespmem:s3+$0xFFFFFFA0] =	vst v23  }
0x1f5: {  	v13 =	vunpack.i.l.bf16.f32 v13;
	v28 =	vmul.f32 v38, v31;
	v31 =	vmul.f32 v39, v42;
	[tilespmem:s3+$0xFFFFFF70] =	vst v15  }
0x1f6: {  	v26 =	vld.idx.msk [tilespmem:v29+s30+$0x0], $0xffff;
	v29 =	vunpack.i.u.bf16.f32 v24;
	v24 =	vmul.f32 v37, v14;
	v15 =	vunpack.i.l.bf16.f32 v60;
	[tilespmem:s3+$0x20] =	vst v18  }
0x1f7: {  	v62 =	vld [tilespmem:s11+$0xFFFFFF90];
	v11 =	vunpack.i.u.bf16.f32 v12;
	v30 =	vmul.f32 v15, v42;
	[tilespmem:s3+$0xFFFFFF50] =	vst v25;
	v25 =	vmul.f32 v36, v14  }
0x1f8: {  	v23 =	vunpack.i.l.bf16.f32 v59;
	[tilespmem:s3+$0xFFFFFF60] =	vst v28;
	v28 =	vmul.f32 v29, v16;
	v16 =	vmul.f32 v20, v16;
	v63 =	vld.idx.msk [tilespmem:v58+s30+$0x0], $0xffff  }
0x1f9: {  	[tilespmem:s3+$0xFFFFFFB0] =	vst v31;
	v20 =	vunpack.i.u.bf16.f32 v21;
	v21 =	vunpack.i.u.bf16.f32 v27;
	v27 =	vmul.f32 v35, v17  }
0x1fa: {  	v18 =	vunpack.i.u.bf16.f32 v60;
	v20 =	vmul.f32 v20, v17;
	[tilespmem:s3+$0x80] =	vst v25;
	v25 =	vmul.f32 v21, v17  }
0x1fb: {  	v31 =	vunpack.i.u.bf16.f32 v59;
	[tilespmem:s3+$0x10] =	vst v28;
	v28 =	vmul.f32 v18, v42;
	v15 =	vmul.f32 v23, v26  }
0x1fc: {  	[tilespmem:s3+$0xB0] =	vst v61;
	v17 =	vunpack.i.l.bf16.f32 v62;
	v29 =	vmul.f32 v34, v26;
	v23 =	vmul.f32 v33, v26  }
0x1fd: {  	[tilespmem:s3+$0x60] =	vst v27;
	v21 =	vmul.f32 v13, v63;
	v13 =	vunpack.i.u.bf16.f32 v62;
	v18 =	vmul.f32 v17, v63  }
0x1fe: {  	s1 =	simm.s32 $0x18820;
	s4 =	simm.s32 $0x1BBA0;
	s0 =	simm.s32 $0x8;
	v17 =	vmul.f32 v44, v63;
	[tilespmem:s3+$0xFFFFFFC0] =	vst v15;
	v27 =	vmul.f32 v13, v63;
	v13 =	vunpack.i.u.bf16.f32 v32  }
.LBB2_5:
0x1ff: {  	s10 =	sadd.s32 $0x1, s0  }
0x200: {  	s11 =	sadd.s32 $0x2, s0;
	s12 =	sadd.s32 $0x3, s0;
	v32 =	vld [tilespmem:s1+$0xFFFFFFF0];
	v26 =	vmul.f32 v31, v26;
	[tilespmem:s3+$0x0] =	vst v19;
	v14 =	vmul.f32 v13, v14;
	v19 =	vunpack.i.l.bf16.f32 v12;
	s8 =	smov.u32 s0  }
0x201: {  	v13 =	vld [tilespmem:s1+$0xFFFFFF80];
	v12 =	vmov s10;
	v31 =	vmov s11;
	v33 =	vmov s12;
	s10 =	sadd.s32 $0x4, s0;
	s11 =	sadd.s32 $0x5, s0;
	s12 =	sadd.s32 $0x6, s0  }
0x202: {  	p1 =	slt.u32 s0, $0x48;
	s0 =	sadd.s32 $0x8, s0;
	v12 =	vshrl.u32 v12, $0x3;
	v34 =	vld [tilespmem:s1+$0xFFFFFFB0];
	v15 =	vmov s10;
	v35 =	vmov s11;
	s10 =	sadd.s32 $0x7, s8;
	[tilespmem:s3+$0xFFFFFF80] =	vst v30  }
0x203: {  	v30 =	vshrl.u32 v15, $0x3;
	v35 =	vshrl.u32 v35, $0x3;
	v15 =	vld [tilespmem:s1+$0x40];
	v36 =	vmov s10;
	[tilespmem:s3+$0xA0] =	vst v24  }
0x204: {  	v24 =	vshll.u32 v30, v1;
	v30 =	vshll.u32 v35, v1;
	v35 =	vld [tilespmem:s1+$0x50];
	v36 =	vshrl.u32 v36, $0x3;
	[tilespmem:s3+$0xFFFFFFE0] =	vst v29  }
0x205: {  	v12 =	vshll.u32 v12, v1;
	v29 =	vadd.s32 v30, v7;
	v30 =	vld [tilespmem:s1+$0x20];
	v36 =	vshll.u32 v36, v1;
	[tilespmem:s3+$0x90] =	vst v14  }
0x206: {  	v12 =	vadd.s32 v12, v3;
	v37 =	vld [tilespmem:s1+$0x10];
	v29 =	vbroadcast v29, $0x0;
	v14 =	vadd.s32 v36, v9;
	[tilespmem:s3+$0xFFFFFF90] =	vst v28  }
0x207: {  	v28 =	vbroadcast v12, $0x0;
	v12 =	vmov s12;
	v36 =	vld [tilespmem:s1+$0xFFFFFFD0];
	v14 =	vbroadcast v14, $0x0;
	[tilespmem:s3+$0x40] =	vst v22  }
0x208: {  	v24 =	vadd.s32 v24, v6;
	v22 =	vshrl.u32 v31, $0x3;
	v12 =	vshrl.u32 v12, $0x3;
	v31 =	vld [tilespmem:s1+$0x0];
	[tilespmem:s3+$0x70] =	vst v25  }
0x209: {  	v24 =	vbroadcast v24, $0x0;
	v22 =	vshll.u32 v22, v1;
	v25 =	vshll.u32 v12, v1;
	v12 =	vld [tilespmem:s1+$0x70];
	[tilespmem:s3+$0x50] =	vst v20  }
0x20a: {  	v20 =	vadd.s32 v22, v4;
	v22 =	vshrl.u32 v33, $0x3;
	v25 =	vadd.s32 v25, v8;
	v33 =	vld [tilespmem:s1+$0x30];
	[tilespmem:s3+$0x30] =	vst v16  }
0x20b: {  	v20 =	vbroadcast v20, $0x0;
	v22 =	vshll.u32 v22, v1;
	v25 =	vbroadcast v25, $0x0;
	v16 =	vld [tilespmem:s1+$0xFFFFFFA0];
	[tilespmem:s3+$0xFFFFFF30] =	vst v27  }
0x20c: {  	v19 =	vmul.f32 v19, v10;
	v22 =	vadd.s32 v22, v5;
	v27 =	vunpack.i.u.bf16.f32 v32;
	v38 =	vld [tilespmem:s1+$0x60];
	[tilespmem:s3+$0xFFFFFFD0] =	vst v26  }
0x20d: {  	v11 =	vmul.f32 v11, v10;
	v32 =	vunpack.i.l.bf16.f32 v32;
	v22 =	vbroadcast v22, $0x0;
	[tilespmem:s3+$0xFFFFFFF0] =	vst v23;
	v10 =	vld.idx.msk [tilespmem:v14+s30+$0x0], $0xffff  }
0x20e: {  	v39 =	vunpack.i.l.bf16.f32 v30;
	v23 =	vld.idx.msk [tilespmem:v28+s30+$0x0], $0xffff;
	v28 =	vunpack.i.l.bf16.f32 v37;
	[tilespmem:s3+$0xFFFFFF00] =	vst v21  }
0x20f: {  	v41 =	vunpack.i.l.bf16.f32 v35;
	v21 =	vld.idx.msk [tilespmem:v24+s30+$0x0], $0xffff;
	v40 =	vunpack.i.l.bf16.f32 v33;
	v24 =	vunpack.i.l.bf16.f32 v15;
	[tilespmem:s3+$0xE0] =	vst v19  }
0x210: {  	v26 =	vunpack.i.l.bf16.f32 v34;
	v42 =	vunpack.i.u.bf16.f32 v36;
	v19 =	vunpack.i.l.bf16.f32 v31;
	[tilespmem:s3+$0xF0] =	vst v11  }
0x211: {  	v14 =	vmov s8;
	v11 =	vunpack.i.u.bf16.f32 v12;
	v43 =	vld.idx.msk [tilespmem:v20+s30+$0x0], $0xffff;
	v20 =	vunpack.i.u.bf16.f32 v38;
	[tilespmem:s3+$0xFFFFFF20] =	vst v18  }
0x212: {  	v44 =	vunpack.i.l.bf16.f32 v16;
	v18 =	vshrl.u32 v14, $0x3;
	v14 =	vld.idx.msk [tilespmem:v25+s30+$0x0], $0xffff;
	v25 =	vunpack.i.l.bf16.f32 v38;
	[tilespmem:s3+$0xFFFFFF10] =	vst v17;
	s3 =	smov.u32 s4  }
0x213: {  	v17 =	vshll.u32 v18, v1;
	v38 =	vunpack.i.u.bf16.f32 v13;
	v18 =	vmul.f32 v25, v10  }
0x214: {  	v20 =	vmul.f32 v20, v10;
	v17 =	vadd.s32 v2, v17;
	v25 =	vmul.f32 v44, v23  }
0x215: {  	v16 =	vunpack.i.u.bf16.f32 v16;
	v17 =	vbroadcast v17, $0x0;
	v19 =	vmul.f32 v19, v21;
	v29 =	vld.idx.msk [tilespmem:v29+s30+$0x0], $0xffff;
	[tilespmem:s4+$0xC0] =	vst v18  }
0x216: {  	v16 =	vmul.f32 v16, v23;
	v18 =	vunpack.i.u.bf16.f32 v34;
	v34 =	vmul.f32 v26, v23;
	v44 =	vld [tilespmem:s1+$0xFFFFFFE0];
	[tilespmem:s4+$0xD0] =	vst v20  }
0x217: {  	v18 =	vmul.f32 v18, v23;
	v20 =	vunpack.i.l.bf16.f32 v36;
	[tilespmem:s4+$0xFFFFFF40] =	vst v25;
	v23 =	vld [tilespmem:s1+$0xFFFFFFC0];
	v25 =	vmul.f32 v42, v43  }
0x218: {  	v36 =	vmul.f32 v24, v14;
	[tilespmem:s4+$0xFFFFFF50] =	vst v16;
	v16 =	vmul.f32 v20, v43;
	v26 =	vld.idx.msk [tilespmem:v22+s30+$0x0], $0xffff;
	v20 =	vunpack.i.u.bf16.f32 v35  }
0x219: {  	v24 =	vmul.f32 v41, v14;
	v22 =	vunpack.i.u.bf16.f32 v31;
	[tilespmem:s4+$0xFFFFFFB0] =	vst v25;
	v35 =	vmul.f32 v20, v14  }
0x21a: {  	v28 =	vmul.f32 v28, v21;
	v20 =	vunpack.i.u.bf16.f32 v37;
	v41 =	vld [tilespmem:s1+$0xFFFFFF90];
	[tilespmem:s4+$0xFFFFFF60] =	vst v34;
	v34 =	vmul.f32 v22, v21  }
0x21b: {  	v22 =	vmul.f32 v39, v29;
	v37 =	vld.idx.msk [tilespmem:v17+s30+$0x0], $0xffff;
	[tilespmem:s4+$0xFFFFFFA0] =	vst v16;
	v16 =	vmul.f32 v20, v21;
	v17 =	vunpack.i.u.bf16.f32 v30  }
0x21c: {  	v21 =	vmul.f32 v40, v29;
	v20 =	vmul.f32 v17, v29;
	v17 =	vunpack.i.u.bf16.f32 v33;
	[tilespmem:s4+$0x80] =	vst v36  }
0x21d: {  	v33 =	vunpack.i.l.bf16.f32 v44;
	[tilespmem:s4+$0xFFFFFF70] =	vst v18;
	v18 =	vunpack.i.l.bf16.f32 v23;
	v25 =	vmul.f32 v17, v29  }
.Ltmp3:
0x21e: {  	v31 =	vunpack.i.u.bf16.f32 v44;
	v33 =	vmul.f32 v33, v26;
	v30 =	vmul.f32 v18, v43;
	[tilespmem:s4+$0x20] =	vst v28;
	(pc) =	sbr.rel @p1 .LBB2_5-.Ltmp3, $4  }
0x21f: {  	v29 =	vmul.f32 v32, v26;
	v18 =	vunpack.i.u.bf16.f32 v23;
	v17 =	vunpack.i.l.bf16.f32 v41;
	[tilespmem:s4+$0x10] =	vst v34  }
0x220: {  	v13 =	vunpack.i.l.bf16.f32 v13;
	v23 =	vmul.f32 v27, v26;
	v28 =	vmul.f32 v18, v43;
	[tilespmem:s4+$0x60] =	vst v21  }
0x221: {  	v21 =	vmul.f32 v13, v37;
	v13 =	vunpack.i.u.bf16.f32 v41;
	v18 =	vmul.f32 v17, v37;
	[tilespmem:s4+$0xB0] =	vst v35  }
0x222: {  	s1 =	sadd.s32 $0x100, s1;
	v17 =	vmul.f32 v38, v37;
	v27 =	vmul.f32 v13, v37;
	v13 =	vunpack.i.u.bf16.f32 v15;
	s4 =	sadd.s32 $0x200, s4;
	[tilespmem:s3+$0xFFFFFFC0] =	vst v33  }
0x223: {  	[tilespmem:s3+$0x0] =	vst v19  }
0x224: {  	[tilespmem:s3+$0xFFFFFF80] =	vst v30  }
0x225: {  	[tilespmem:s3+$0xA0] =	vst v24  }
0x226: {  	[tilespmem:s3+$0xFFFFFFE0] =	vst v29  }
0x227: {  	[tilespmem:s3+$0xFFFFFF90] =	vst v28  }
0x228: {  	[tilespmem:s3+$0x40] =	vst v22  }
0x229: {  	[tilespmem:s3+$0x70] =	vst v25  }
0x22a: {  	[tilespmem:s3+$0x50] =	vst v20  }
0x22b: {  	[tilespmem:s3+$0x30] =	vst v16  }
0x22c: {  	[tilespmem:s3+$0xFFFFFFF0] =	vst v23  }
0x22d: {  	v2 =	vmul.f32 v13, v14;
	[tilespmem:s3+$0xFFFFFF00] =	vst v21  }
0x22e: {  	[tilespmem:s3+$0xFFFFFF20] =	vst v18  }
0x22f: {  	[tilespmem:s3+$0x90] =	vst v2;
	v2 =	vmul.f32 v31, v26  }
0x230: {  	v3 =	vunpack.i.l.bf16.f32 v12;
	[tilespmem:s3+$0xFFFFFF30] =	vst v27  }
0x231: {  	[tilespmem:s3+$0xFFFFFFD0] =	vst v2;
	v2 =	vmul.f32 v3, v10  }
0x232: {  	s0 =	smul.u32 $0x640, s7;
	[tilespmem:s3+$0xFFFFFF10] =	vst v17;
	v3 =	vmul.f32 v11, v10  }
0x233: {  	p1 =	seq.s32 s7, $0x31;
	[tilespmem:s3+$0xE0] =	vst v2  }
0x234: {  	s8 =	sshra.s32 s0, $0x2;
	s10 =	sshra.s32 @!p1 s0, $0x2;
	[tilespmem:s3+$0xF0] =	vst v3  }
0x235: {  	[spmem:s2] =	stream.indirect.scatter.add.f32 [tilespmem:s28], [sflag:$0x6], $0x40, s8, s19, $0xb8;
	[tilespmem:$0x1F4A0] =	vst v63  }
0x236: {  	s1 =	simm.s32 @!p1 $0x50;
	s0 =	sadd.s32 @!p1 $0x4FB0, s10;
	s3 =	simm.s32 @!p1 $0x186A0  }
0x237: {  	[tilespmem:s3], [sflag:$0x1] =	stream.indirect.gather @!p1 [hbm4b:s5+s1], $0x20, s0, s1, $0xb8;
	[tilespmem:$0x1F4A0] =	vst v63  }
0x238: {  	_ =	swait.ge [sflag:s31], $0xA00  }
0x239: {  	s4 =	simm.s32 $0x2;
	[sflag:s31] =	ssyncset.done $0x0  }
0x23a: {  	s11 =	simm.s32 $0x3;
	s0 =	simm.s32 @!p2 $0x7;
	[sflag:s31] =	ssyncadd.s32 $0xFFFFF600  }
0x23b: {  	s12 =	simm.s32 $0x5;
	s13 =	simm.s32 $0x7;
	_ =	swait.ge @!p2 [sflag:s0], $0x1400  }
0x23c: {  	s14 =	simm.s32 $0x6;
	v12 =	vmov s4;
	v14 =	vmov s11;
	s11 =	simm.s32 $0x4;
	v17 =	vmov s12;
	[sflag:s0] =	ssyncset.done @!p2 $0x0  }
0x23d: {  	v19 =	vmov s13;
	v24 =	vmov s14;
	v15 =	vmov s11;
	[sflag:s0] =	ssyncadd.s32 @!p2 $0xFFFFEC00;
	s0 =	simm.s32 $0x19120  }
0x23e: {  	v17 =	vshrl.u32 v17, $0x3;
	v19 =	vshrl.u32 v19, $0x3;
	v12 =	vshrl.u32 v12, $0x3;
	v10 =	vld [tilespmem:s0+$0xFFFFFFF0]  }
0x23f: {  	v24 =	vshrl.u32 v24, $0x3;
	v14 =	vshrl.u32 v14, $0x3;
	v18 =	vshrl.u32 v15, $0x3;
	s3 =	sadd.s32 $0x1, s9;
	v13 =	vld [tilespmem:s0+$0xFFFFFF80]  }
0x240: {  	s15 =	simm.s32 $0x1;
	v17 =	vshll.u32 v17, v1;
	v19 =	vshll.u32 v19, v1;
	v2 =	vmov s3;
	v16 =	vld [tilespmem:s0+$0xFFFFFFB0]  }
0x241: {  	v26 =	vshll.u32 v12, v1;
	v11 =	vmov s15;
	v2 =	vmul.u32 $0x50, v2;
	v15 =	vld [tilespmem:s0+$0x40]  }
0x242: {  	v24 =	vshll.u32 v24, v1;
	v14 =	vshll.u32 v14, v1;
	v11 =	vshrl.u32 v11, $0x3;
	v20 =	vld [tilespmem:s0+$0x50]  }
0x243: {  	v18 =	vshll.u32 v18, v1;
	v11 =	vshll.u32 v11, v1;
	v9 =	vor.u32 $0x7, v2;
	v21 =	vld [tilespmem:s0+$0x20]  }
0x244: {  	v3 =	vor.u32 $0x1, v2;
	v4 =	vor.u32 $0x2, v2;
	v19 =	vadd.s32 v19, v9;
	v22 =	vld [tilespmem:s0+$0x10]  }
0x245: {  	v6 =	vor.u32 $0x4, v2;
	v11 =	vadd.s32 v11, v3;
	v19 =	vbroadcast v19, $0x0;
	v23 =	vld [tilespmem:s0+$0xFFFFFFD0]  }
0x246: {  	v5 =	vor.u32 $0x3, v2;
	v18 =	vadd.s32 v18, v6;
	v11 =	vbroadcast v11, $0x0;
	v25 =	vld [tilespmem:s0+$0x0]  }
0x247: {  	v8 =	vor.u32 $0x6, v2;
	v26 =	vadd.s32 v26, v4;
	v18 =	vbroadcast v18, $0x0;
	v27 =	vld [tilespmem:s0+$0x30]  }
0x248: {  	v7 =	vor.u32 $0x5, v2;
	v24 =	vadd.s32 v24, v8;
	v26 =	vbroadcast v26, $0x0;
	v12 =	vld [tilespmem:s0+$0x70]  }
0x249: {  	s15 =	simm.s32 $0x0;
	v17 =	vadd.s32 v17, v7;
	v14 =	vadd.s32 v14, v5;
	v24 =	vbroadcast v24, $0x0;
	v28 =	vld [tilespmem:s0+$0x60]  }
0x24a: {  	v17 =	vbroadcast v17, $0x0;
	v30 =	vbroadcast v14, $0x0;
	v14 =	vmov s15;
	v29 =	vld [tilespmem:s0+$0xFFFFFFA0]  }
0x24b: {  	v32 =	vunpack.i.u.bf16.f32 v10;
	v33 =	vunpack.i.l.bf16.f32 v10;
	v10 =	vld.idx.msk [tilespmem:v19+s30+$0x0], $0xffff;
	v31 =	vunpack.i.l.bf16.f32 v22  }
0x24c: {  	v34 =	vunpack.i.l.bf16.f32 v21;
	v35 =	vld.idx.msk [tilespmem:v11+s30+$0x0], $0xffff;
	v36 =	vunpack.i.l.bf16.f32 v27;
	v37 =	vunpack.i.l.bf16.f32 v15  }
0x24d: {  	v38 =	vunpack.i.l.bf16.f32 v20;
	v18 =	vld.idx.msk [tilespmem:v18+s30+$0x0], $0xffff;
	v39 =	vunpack.i.l.bf16.f32 v16;
	v40 =	vunpack.i.u.bf16.f32 v23  }
0x24e: {  	v19 =	vunpack.i.l.bf16.f32 v25;
	v41 =	vunpack.i.u.bf16.f32 v28;
	v11 =	vunpack.i.u.bf16.f32 v12;
	v42 =	vld.idx.msk [tilespmem:v26+s30+$0x0], $0xffff  }
0x24f: {  	v26 =	vshrl.u32 v14, $0x3;
	v43 =	vunpack.i.l.bf16.f32 v29;
	v28 =	vunpack.i.l.bf16.f32 v28;
	v14 =	vld.idx.msk [tilespmem:v24+s30+$0x0], $0xffff  }
0x250: {  	v44 =	vunpack.i.u.bf16.f32 v13;
	v24 =	vshll.u32 v26, v1;
	v26 =	vmul.f32 v28, v10  }
0x251: {  	s4 =	simm.s32 $0x1CDA0;
	v17 =	vld.idx.msk [tilespmem:v17+s30+$0x0], $0xffff;
	v16 =	vunpack.i.u.bf16.f32 v16;
	v24 =	vadd.s32 v2, v24;
	v41 =	vmul.f32 v41, v10  }
0x252: {  	v57 =	vbroadcast v24, $0x0;
	v24 =	vunpack.i.u.bf16.f32 v29;
	v28 =	vmul.f32 v43, v35;
	[tilespmem:s4+$0xC0] =	vst v26  }
0x253: {  	v58 =	vld [tilespmem:s0+$0xFFFFFFE0];
	v20 =	vunpack.i.u.bf16.f32 v20;
	v19 =	vmul.f32 v19, v18;
	v24 =	vmul.f32 v24, v35;
	[tilespmem:s4+$0xD0] =	vst v41  }
0x254: {  	v13 =	vunpack.i.l.bf16.f32 v13;
	v29 =	vmul.f32 v39, v35;
	v37 =	vmul.f32 v37, v14;
	[tilespmem:s4+$0xFFFFFF40] =	vst v28  }
0x255: {  	v59 =	vld [tilespmem:s0+$0xFFFFFFC0];
	v28 =	vmul.f32 v16, v35;
	v16 =	vunpack.i.l.bf16.f32 v23;
	v23 =	vmul.f32 v40, v42;
	[tilespmem:s4+$0xFFFFFF50] =	vst v24  }
0x256: {  	v60 =	vmul.f32 v20, v14;
	v20 =	vunpack.i.u.bf16.f32 v22;
	v22 =	vmul.f32 v34, v17;
	[tilespmem:s4+$0xFFFFFF60] =	vst v29  }
0x257: {  	v26 =	vld.idx.msk [tilespmem:v30+s30+$0x0], $0xffff;
	v24 =	vmul.f32 v38, v14;
	v16 =	vmul.f32 v16, v42;
	[tilespmem:s4+$0xFFFFFFB0] =	vst v23;
	v23 =	vunpack.i.u.bf16.f32 v25  }
0x258: {  	v61 =	vld [tilespmem:s0+$0xFFFFFF90];
	v29 =	vmul.f32 v31, v18;
	[tilespmem:s4+$0x80] =	vst v37;
	v31 =	vunpack.i.u.bf16.f32 v58;
	v23 =	vmul.f32 v23, v18  }
0x259: {  	v62 =	vld.idx.msk [tilespmem:v57+s30+$0x0], $0xffff;
	[tilespmem:s4+$0xFFFFFFA0] =	vst v16;
	v16 =	vmul.f32 v20, v18;
	v18 =	vunpack.i.u.bf16.f32 v21;
	v21 =	vmul.f32 v36, v17  }
0x25a: {  	[tilespmem:s4+$0xB0] =	vst v60;
	v20 =	vmul.f32 v18, v17;
	v18 =	vunpack.i.u.bf16.f32 v27;
	v27 =	vunpack.i.l.bf16.f32 v59  }
0x25b: {  	[tilespmem:s4+$0xFFFFFF70] =	vst v28;
	v28 =	vunpack.i.l.bf16.f32 v58;
	v25 =	vmul.f32 v18, v17;
	v30 =	vmul.f32 v27, v42  }
0x25c: {  	[tilespmem:s4+$0x20] =	vst v29;
	v63 =	vmul.f32 v28, v26;
	v18 =	vunpack.i.u.bf16.f32 v59;
	v29 =	vmul.f32 v33, v26  }
0x25d: {  	v17 =	vunpack.i.l.bf16.f32 v61;
	[tilespmem:s4+$0x10] =	vst v23;
	v23 =	vmul.f32 v32, v26;
	v28 =	vmul.f32 v18, v42  }
0x25e: {  	[tilespmem:s4+$0x60] =	vst v21;
	v21 =	vmul.f32 v13, v62;
	v13 =	vunpack.i.u.bf16.f32 v61;
	v18 =	vmul.f32 v17, v62  }
0x25f: {  	s11 =	simm.s32 $0x1CFA0;
	s1 =	simm.s32 $0x19220;
	s0 =	simm.s32 $0x8;
	v17 =	vmul.f32 v44, v62;
	[tilespmem:s4+$0xFFFFFFC0] =	vst v63;
	v27 =	vmul.f32 v13, v62;
	v13 =	vunpack.i.u.bf16.f32 v15  }
.LBB2_7:
0x260: {  	s13 =	sadd.s32 $0x1, s0  }
0x261: {  	s14 =	sadd.s32 $0x2, s0;
	s15 =	sadd.s32 $0x3, s0;
	v32 =	vld [tilespmem:s1+$0xFFFFFFF0];
	v26 =	vmul.f32 v31, v26;
	[tilespmem:s4+$0x0] =	vst v19;
	v14 =	vmul.f32 v13, v14;
	v19 =	vunpack.i.l.bf16.f32 v12;
	s12 =	smov.u32 s0  }
0x262: {  	v13 =	vld [tilespmem:s1+$0xFFFFFF80];
	v12 =	vmov s13;
	v31 =	vmov s14;
	v33 =	vmov s15;
	s13 =	sadd.s32 $0x4, s0;
	s14 =	sadd.s32 $0x5, s0;
	s15 =	sadd.s32 $0x6, s0  }
0x263: {  	p3 =	slt.u32 s0, $0x48;
	s0 =	sadd.s32 $0x8, s0;
	v12 =	vshrl.u32 v12, $0x3;
	v34 =	vld [tilespmem:s1+$0xFFFFFFB0];
	v15 =	vmov s13;
	v35 =	vmov s14;
	s13 =	sadd.s32 $0x7, s12;
	[tilespmem:s4+$0xFFFFFF80] =	vst v30  }
0x264: {  	v30 =	vshrl.u32 v15, $0x3;
	v35 =	vshrl.u32 v35, $0x3;
	v15 =	vld [tilespmem:s1+$0x40];
	v36 =	vmov s13;
	[tilespmem:s4+$0xA0] =	vst v24  }
0x265: {  	v24 =	vshll.u32 v30, v1;
	v30 =	vshll.u32 v35, v1;
	v35 =	vld [tilespmem:s1+$0x50];
	v36 =	vshrl.u32 v36, $0x3;
	[tilespmem:s4+$0xFFFFFFE0] =	vst v29  }
0x266: {  	v12 =	vshll.u32 v12, v1;
	v29 =	vadd.s32 v30, v7;
	v30 =	vld [tilespmem:s1+$0x20];
	v36 =	vshll.u32 v36, v1;
	[tilespmem:s4+$0x90] =	vst v14  }
0x267: {  	v12 =	vadd.s32 v12, v3;
	v37 =	vld [tilespmem:s1+$0x10];
	v29 =	vbroadcast v29, $0x0;
	v14 =	vadd.s32 v36, v9;
	[tilespmem:s4+$0xFFFFFF90] =	vst v28  }
0x268: {  	v28 =	vbroadcast v12, $0x0;
	v12 =	vmov s15;
	v36 =	vld [tilespmem:s1+$0xFFFFFFD0];
	v14 =	vbroadcast v14, $0x0;
	[tilespmem:s4+$0x40] =	vst v22  }
0x269: {  	v24 =	vadd.s32 v24, v6;
	v22 =	vshrl.u32 v31, $0x3;
	v12 =	vshrl.u32 v12, $0x3;
	v31 =	vld [tilespmem:s1+$0x0];
	[tilespmem:s4+$0x70] =	vst v25  }
0x26a: {  	v24 =	vbroadcast v24, $0x0;
	v22 =	vshll.u32 v22, v1;
	v25 =	vshll.u32 v12, v1;
	v12 =	vld [tilespmem:s1+$0x70];
	[tilespmem:s4+$0x50] =	vst v20  }
0x26b: {  	v20 =	vadd.s32 v22, v4;
	v22 =	vshrl.u32 v33, $0x3;
	v25 =	vadd.s32 v25, v8;
	v33 =	vld [tilespmem:s1+$0x30];
	[tilespmem:s4+$0x30] =	vst v16  }
0x26c: {  	v20 =	vbroadcast v20, $0x0;
	v22 =	vshll.u32 v22, v1;
	v25 =	vbroadcast v25, $0x0;
	v16 =	vld [tilespmem:s1+$0xFFFFFFA0];
	[tilespmem:s4+$0xFFFFFF30] =	vst v27  }
0x26d: {  	v19 =	vmul.f32 v19, v10;
	v22 =	vadd.s32 v22, v5;
	v27 =	vunpack.i.u.bf16.f32 v32;
	v38 =	vld [tilespmem:s1+$0x60];
	[tilespmem:s4+$0xFFFFFFD0] =	vst v26  }
0x26e: {  	v11 =	vmul.f32 v11, v10;
	v32 =	vunpack.i.l.bf16.f32 v32;
	v22 =	vbroadcast v22, $0x0;
	[tilespmem:s4+$0xFFFFFFF0] =	vst v23;
	v10 =	vld.idx.msk [tilespmem:v14+s30+$0x0], $0xffff  }
0x26f: {  	v39 =	vunpack.i.l.bf16.f32 v30;
	v23 =	vld.idx.msk [tilespmem:v28+s30+$0x0], $0xffff;
	v28 =	vunpack.i.l.bf16.f32 v37;
	[tilespmem:s4+$0xFFFFFF00] =	vst v21  }
0x270: {  	v41 =	vunpack.i.l.bf16.f32 v35;
	v21 =	vld.idx.msk [tilespmem:v24+s30+$0x0], $0xffff;
	v40 =	vunpack.i.l.bf16.f32 v33;
	v24 =	vunpack.i.l.bf16.f32 v15;
	[tilespmem:s4+$0xE0] =	vst v19  }
0x271: {  	v26 =	vunpack.i.l.bf16.f32 v34;
	v42 =	vunpack.i.u.bf16.f32 v36;
	v19 =	vunpack.i.l.bf16.f32 v31;
	[tilespmem:s4+$0xF0] =	vst v11  }
0x272: {  	v14 =	vmov s12;
	v11 =	vunpack.i.u.bf16.f32 v12;
	v43 =	vld.idx.msk [tilespmem:v20+s30+$0x0], $0xffff;
	v20 =	vunpack.i.u.bf16.f32 v38;
	[tilespmem:s4+$0xFFFFFF20] =	vst v18  }
0x273: {  	v44 =	vunpack.i.l.bf16.f32 v16;
	v18 =	vshrl.u32 v14, $0x3;
	v14 =	vld.idx.msk [tilespmem:v25+s30+$0x0], $0xffff;
	v25 =	vunpack.i.l.bf16.f32 v38;
	[tilespmem:s4+$0xFFFFFF10] =	vst v17;
	s4 =	smov.u32 s11  }
0x274: {  	v17 =	vshll.u32 v18, v1;
	v38 =	vunpack.i.u.bf16.f32 v13;
	v18 =	vmul.f32 v25, v10  }
0x275: {  	v20 =	vmul.f32 v20, v10;
	v17 =	vadd.s32 v2, v17;
	v25 =	vmul.f32 v44, v23  }
0x276: {  	v16 =	vunpack.i.u.bf16.f32 v16;
	v17 =	vbroadcast v17, $0x0;
	v19 =	vmul.f32 v19, v21;
	v29 =	vld.idx.msk [tilespmem:v29+s30+$0x0], $0xffff;
	[tilespmem:s11+$0xC0] =	vst v18  }
0x277: {  	v16 =	vmul.f32 v16, v23;
	v18 =	vunpack.i.u.bf16.f32 v34;
	v34 =	vmul.f32 v26, v23;
	v44 =	vld [tilespmem:s1+$0xFFFFFFE0];
	[tilespmem:s11+$0xD0] =	vst v20  }
0x278: {  	v18 =	vmul.f32 v18, v23;
	v20 =	vunpack.i.l.bf16.f32 v36;
	[tilespmem:s11+$0xFFFFFF40] =	vst v25;
	v23 =	vld [tilespmem:s1+$0xFFFFFFC0];
	v25 =	vmul.f32 v42, v43  }
0x279: {  	v36 =	vmul.f32 v24, v14;
	[tilespmem:s11+$0xFFFFFF50] =	vst v16;
	v16 =	vmul.f32 v20, v43;
	v26 =	vld.idx.msk [tilespmem:v22+s30+$0x0], $0xffff;
	v20 =	vunpack.i.u.bf16.f32 v35  }
0x27a: {  	v24 =	vmul.f32 v41, v14;
	v22 =	vunpack.i.u.bf16.f32 v31;
	[tilespmem:s11+$0xFFFFFFB0] =	vst v25;
	v35 =	vmul.f32 v20, v14  }
0x27b: {  	v28 =	vmul.f32 v28, v21;
	v20 =	vunpack.i.u.bf16.f32 v37;
	v41 =	vld [tilespmem:s1+$0xFFFFFF90];
	[tilespmem:s11+$0xFFFFFF60] =	vst v34;
	v34 =	vmul.f32 v22, v21  }
0x27c: {  	v22 =	vmul.f32 v39, v29;
	v37 =	vld.idx.msk [tilespmem:v17+s30+$0x0], $0xffff;
	[tilespmem:s11+$0xFFFFFFA0] =	vst v16;
	v16 =	vmul.f32 v20, v21;
	v17 =	vunpack.i.u.bf16.f32 v30  }
0x27d: {  	v21 =	vmul.f32 v40, v29;
	v20 =	vmul.f32 v17, v29;
	v17 =	vunpack.i.u.bf16.f32 v33;
	[tilespmem:s11+$0x80] =	vst v36  }
0x27e: {  	v33 =	vunpack.i.l.bf16.f32 v44;
	[tilespmem:s11+$0xFFFFFF70] =	vst v18;
	v18 =	vunpack.i.l.bf16.f32 v23;
	v25 =	vmul.f32 v17, v29  }
.Ltmp4:
0x27f: {  	v31 =	vunpack.i.u.bf16.f32 v44;
	v33 =	vmul.f32 v33, v26;
	v30 =	vmul.f32 v18, v43;
	[tilespmem:s11+$0x20] =	vst v28;
	(pc) =	sbr.rel @p3 .LBB2_7-.Ltmp4, $4  }
0x280: {  	v29 =	vmul.f32 v32, v26;
	v18 =	vunpack.i.u.bf16.f32 v23;
	v17 =	vunpack.i.l.bf16.f32 v41;
	[tilespmem:s11+$0x10] =	vst v34  }
0x281: {  	v13 =	vunpack.i.l.bf16.f32 v13;
	v23 =	vmul.f32 v27, v26;
	v28 =	vmul.f32 v18, v43;
	[tilespmem:s11+$0x60] =	vst v21  }
0x282: {  	v21 =	vmul.f32 v13, v37;
	v13 =	vunpack.i.u.bf16.f32 v41;
	v18 =	vmul.f32 v17, v37;
	[tilespmem:s11+$0xB0] =	vst v35  }
0x283: {  	s1 =	sadd.s32 $0x100, s1;
	v17 =	vmul.f32 v38, v37;
	v27 =	vmul.f32 v13, v37;
	v13 =	vunpack.i.u.bf16.f32 v15;
	s11 =	sadd.s32 $0x200, s11;
	[tilespmem:s4+$0xFFFFFFC0] =	vst v33  }
0x284: {  	[tilespmem:s4+$0x0] =	vst v19  }
0x285: {  	[tilespmem:s4+$0xFFFFFF80] =	vst v30  }
0x286: {  	[tilespmem:s4+$0xA0] =	vst v24  }
0x287: {  	[tilespmem:s4+$0xFFFFFFE0] =	vst v29  }
0x288: {  	[tilespmem:s4+$0xFFFFFF90] =	vst v28  }
0x289: {  	[tilespmem:s4+$0x40] =	vst v22  }
0x28a: {  	[tilespmem:s4+$0x70] =	vst v25  }
0x28b: {  	[tilespmem:s4+$0x50] =	vst v20  }
0x28c: {  	[tilespmem:s4+$0x30] =	vst v16  }
0x28d: {  	[tilespmem:s4+$0xFFFFFFF0] =	vst v23  }
0x28e: {  	v2 =	vmul.f32 v13, v14;
	[tilespmem:s4+$0xFFFFFF00] =	vst v21  }
0x28f: {  	[tilespmem:s4+$0xFFFFFF20] =	vst v18  }
0x290: {  	[tilespmem:s4+$0x90] =	vst v2;
	v2 =	vmul.f32 v31, v26  }
0x291: {  	v3 =	vunpack.i.l.bf16.f32 v12;
	[tilespmem:s4+$0xFFFFFF30] =	vst v27  }
0x292: {  	[tilespmem:s4+$0xFFFFFFD0] =	vst v2;
	v2 =	vmul.f32 v3, v10  }
0x293: {  	s0 =	smul.u32 $0x140, s3;
	[tilespmem:s4+$0xFFFFFF10] =	vst v17;
	v3 =	vmul.f32 v11, v10  }
0x294: {  	[tilespmem:s4+$0xE0] =	vst v2  }
0x295: {  	s1 =	simm.s32 $0x1CCA0;
	s0 =	sshra.s32 s0, $0x2;
	[tilespmem:s4+$0xF0] =	vst v3  }
0x296: {  	[spmem:s2] =	stream.indirect.scatter.add.f32 [tilespmem:s1], [sflag:$0x7], $0x40, s0, s19, $0xb8;
	[tilespmem:$0x1F4A0] =	vst v63  }
0x297: {  	s3 =	simm.s32 @!p1 $0x190A0;
	s0 =	sadd.s32 @!p1 $0x5000, s10;
	s1 =	simm.s32 @!p1 $0x50  }
0x298: {  	[tilespmem:s3], [sflag:$0x2] =	stream.indirect.gather @!p1 [hbm4b:s5+s1], $0x20, s0, s1, $0xb8;
	[tilespmem:$0x1F4A0] =	vst v63  }
0x299: {  	_ =	swait.ge [sflag:s21], $0xA00  }
0x29a: {  	[sflag:s21] =	ssyncset.done $0x0  }
0x29b: {  	s15 =	simm.s32 $0x2;
	s0 =	simm.s32 @!p2 $0x8;
	[sflag:s21] =	ssyncadd.s32 $0xFFFFF600  }
0x29c: {  	s11 =	simm.s32 $0x3;
	s12 =	simm.s32 $0x5;
	_ =	swait.ge @!p2 [sflag:s0], $0x1400  }
0x29d: {  	s13 =	simm.s32 $0x7;
	v12 =	vmov s15;
	v14 =	vmov s11;
	s11 =	simm.s32 $0x4;
	v17 =	vmov s12;
	[sflag:s0] =	ssyncset.done @!p2 $0x0  }
0x29e: {  	v19 =	vmov s13;
	v15 =	vmov s11;
	v17 =	vshrl.u32 v17, $0x3;
	[sflag:s0] =	ssyncadd.s32 @!p2 $0xFFFFEC00;
	s0 =	simm.s32 $0x19B20  }
0x29f: {  	v19 =	vshrl.u32 v19, $0x3;
	v12 =	vshrl.u32 v12, $0x3;
	v14 =	vshrl.u32 v14, $0x3;
	v10 =	vld [tilespmem:s0+$0xFFFFFFF0]  }
0x2a0: {  	s14 =	simm.s32 $0x1;
	v18 =	vshrl.u32 v15, $0x3;
	v17 =	vshll.u32 v17, v1;
	v19 =	vshll.u32 v19, v1;
	s3 =	sadd.s32 $0x2, s9;
	v13 =	vld [tilespmem:s0+$0xFFFFFF80]  }
0x2a1: {  	v26 =	vshll.u32 v12, v1;
	v11 =	vmov s14;
	s14 =	simm.s32 $0x6;
	v2 =	vmov s3;
	v16 =	vld [tilespmem:s0+$0xFFFFFFB0]  }
0x2a2: {  	v14 =	vshll.u32 v14, v1;
	v24 =	vmov s14;
	v2 =	vmul.u32 $0x50, v2;
	v15 =	vld [tilespmem:s0+$0x40]  }
0x2a3: {  	v18 =	vshll.u32 v18, v1;
	v11 =	vshrl.u32 v11, $0x3;
	v24 =	vshrl.u32 v24, $0x3;
	v20 =	vld [tilespmem:s0+$0x50]  }
0x2a4: {  	v11 =	vshll.u32 v11, v1;
	v24 =	vshll.u32 v24, v1;
	v9 =	vor.u32 $0x7, v2;
	v21 =	vld [tilespmem:s0+$0x20]  }
0x2a5: {  	v3 =	vor.u32 $0x1, v2;
	v4 =	vor.u32 $0x2, v2;
	v19 =	vadd.s32 v19, v9;
	v22 =	vld [tilespmem:s0+$0x10]  }
0x2a6: {  	v6 =	vor.u32 $0x4, v2;
	v11 =	vadd.s32 v11, v3;
	v19 =	vbroadcast v19, $0x0;
	v23 =	vld [tilespmem:s0+$0xFFFFFFD0]  }
0x2a7: {  	v5 =	vor.u32 $0x3, v2;
	v18 =	vadd.s32 v18, v6;
	v11 =	vbroadcast v11, $0x0;
	v25 =	vld [tilespmem:s0+$0x0]  }
0x2a8: {  	v8 =	vor.u32 $0x6, v2;
	v26 =	vadd.s32 v26, v4;
	v18 =	vbroadcast v18, $0x0;
	v27 =	vld [tilespmem:s0+$0x30]  }
0x2a9: {  	v7 =	vor.u32 $0x5, v2;
	v24 =	vadd.s32 v24, v8;
	v26 =	vbroadcast v26, $0x0;
	v12 =	vld [tilespmem:s0+$0x70]  }
0x2aa: {  	s15 =	simm.s32 $0x0;
	v17 =	vadd.s32 v17, v7;
	v14 =	vadd.s32 v14, v5;
	v24 =	vbroadcast v24, $0x0;
	v28 =	vld [tilespmem:s0+$0x60]  }
0x2ab: {  	v17 =	vbroadcast v17, $0x0;
	v30 =	vbroadcast v14, $0x0;
	v14 =	vmov s15;
	v29 =	vld [tilespmem:s0+$0xFFFFFFA0]  }
0x2ac: {  	v32 =	vunpack.i.u.bf16.f32 v10;
	v33 =	vunpack.i.l.bf16.f32 v10;
	v10 =	vld.idx.msk [tilespmem:v19+s30+$0x0], $0xffff;
	v31 =	vunpack.i.l.bf16.f32 v22  }
0x2ad: {  	v34 =	vunpack.i.l.bf16.f32 v21;
	v35 =	vld.idx.msk [tilespmem:v11+s30+$0x0], $0xffff;
	v36 =	vunpack.i.l.bf16.f32 v27;
	v37 =	vunpack.i.l.bf16.f32 v15  }
0x2ae: {  	v38 =	vunpack.i.l.bf16.f32 v20;
	v18 =	vld.idx.msk [tilespmem:v18+s30+$0x0], $0xffff;
	v39 =	vunpack.i.l.bf16.f32 v16;
	v40 =	vunpack.i.u.bf16.f32 v23  }
0x2af: {  	v19 =	vunpack.i.l.bf16.f32 v25;
	v41 =	vunpack.i.u.bf16.f32 v28;
	v11 =	vunpack.i.u.bf16.f32 v12;
	v42 =	vld.idx.msk [tilespmem:v26+s30+$0x0], $0xffff  }
0x2b0: {  	v26 =	vshrl.u32 v14, $0x3;
	v43 =	vunpack.i.l.bf16.f32 v29;
	v28 =	vunpack.i.l.bf16.f32 v28;
	v14 =	vld.idx.msk [tilespmem:v24+s30+$0x0], $0xffff  }
0x2b1: {  	v44 =	vunpack.i.u.bf16.f32 v13;
	v24 =	vshll.u32 v26, v1;
	v26 =	vmul.f32 v28, v10  }
0x2b2: {  	s4 =	simm.s32 $0x1E1A0;
	v17 =	vld.idx.msk [tilespmem:v17+s30+$0x0], $0xffff;
	v16 =	vunpack.i.u.bf16.f32 v16;
	v24 =	vadd.s32 v2, v24;
	v41 =	vmul.f32 v41, v10  }
0x2b3: {  	v57 =	vbroadcast v24, $0x0;
	v24 =	vunpack.i.u.bf16.f32 v29;
	v28 =	vmul.f32 v43, v35;
	[tilespmem:s4+$0xC0] =	vst v26  }
0x2b4: {  	v58 =	vld [tilespmem:s0+$0xFFFFFFE0];
	v20 =	vunpack.i.u.bf16.f32 v20;
	v19 =	vmul.f32 v19, v18;
	v24 =	vmul.f32 v24, v35;
	[tilespmem:s4+$0xD0] =	vst v41  }
0x2b5: {  	v13 =	vunpack.i.l.bf16.f32 v13;
	v29 =	vmul.f32 v39, v35;
	v37 =	vmul.f32 v37, v14;
	[tilespmem:s4+$0xFFFFFF40] =	vst v28  }
0x2b6: {  	v59 =	vld [tilespmem:s0+$0xFFFFFFC0];
	v28 =	vmul.f32 v16, v35;
	v16 =	vunpack.i.l.bf16.f32 v23;
	v23 =	vmul.f32 v40, v42;
	[tilespmem:s4+$0xFFFFFF50] =	vst v24  }
0x2b7: {  	v60 =	vmul.f32 v20, v14;
	v20 =	vunpack.i.u.bf16.f32 v22;
	v22 =	vmul.f32 v34, v17;
	[tilespmem:s4+$0xFFFFFF60] =	vst v29  }
0x2b8: {  	v26 =	vld.idx.msk [tilespmem:v30+s30+$0x0], $0xffff;
	v24 =	vmul.f32 v38, v14;
	v16 =	vmul.f32 v16, v42;
	[tilespmem:s4+$0xFFFFFFB0] =	vst v23;
	v23 =	vunpack.i.u.bf16.f32 v25  }
0x2b9: {  	v61 =	vld [tilespmem:s0+$0xFFFFFF90];
	v29 =	vmul.f32 v31, v18;
	[tilespmem:s4+$0x80] =	vst v37;
	v31 =	vunpack.i.u.bf16.f32 v58;
	v23 =	vmul.f32 v23, v18  }
0x2ba: {  	v62 =	vld.idx.msk [tilespmem:v57+s30+$0x0], $0xffff;
	[tilespmem:s4+$0xFFFFFFA0] =	vst v16;
	v16 =	vmul.f32 v20, v18;
	v18 =	vunpack.i.u.bf16.f32 v21;
	v21 =	vmul.f32 v36, v17  }
0x2bb: {  	[tilespmem:s4+$0xB0] =	vst v60;
	v20 =	vmul.f32 v18, v17;
	v18 =	vunpack.i.u.bf16.f32 v27;
	v27 =	vunpack.i.l.bf16.f32 v59  }
0x2bc: {  	[tilespmem:s4+$0xFFFFFF70] =	vst v28;
	v28 =	vunpack.i.l.bf16.f32 v58;
	v25 =	vmul.f32 v18, v17;
	v30 =	vmul.f32 v27, v42  }
0x2bd: {  	[tilespmem:s4+$0x20] =	vst v29;
	v63 =	vmul.f32 v28, v26;
	v18 =	vunpack.i.u.bf16.f32 v59;
	v29 =	vmul.f32 v33, v26  }
0x2be: {  	v17 =	vunpack.i.l.bf16.f32 v61;
	[tilespmem:s4+$0x10] =	vst v23;
	v23 =	vmul.f32 v32, v26;
	v28 =	vmul.f32 v18, v42  }
0x2bf: {  	[tilespmem:s4+$0x60] =	vst v21;
	v21 =	vmul.f32 v13, v62;
	v13 =	vunpack.i.u.bf16.f32 v61;
	v18 =	vmul.f32 v17, v62  }
0x2c0: {  	s11 =	simm.s32 $0x1E3A0;
	s1 =	simm.s32 $0x19C20;
	s0 =	simm.s32 $0x8;
	v17 =	vmul.f32 v44, v62;
	[tilespmem:s4+$0xFFFFFFC0] =	vst v63;
	v27 =	vmul.f32 v13, v62;
	v13 =	vunpack.i.u.bf16.f32 v15  }
.LBB2_9:
0x2c1: {  	s13 =	sadd.s32 $0x1, s0  }
0x2c2: {  	s14 =	sadd.s32 $0x2, s0;
	s15 =	sadd.s32 $0x3, s0;
	v32 =	vld [tilespmem:s1+$0xFFFFFFF0];
	v26 =	vmul.f32 v31, v26;
	[tilespmem:s4+$0x0] =	vst v19;
	v14 =	vmul.f32 v13, v14;
	v19 =	vunpack.i.l.bf16.f32 v12;
	s12 =	smov.u32 s0  }
0x2c3: {  	v13 =	vld [tilespmem:s1+$0xFFFFFF80];
	v12 =	vmov s13;
	v31 =	vmov s14;
	v33 =	vmov s15;
	s13 =	sadd.s32 $0x4, s0;
	s14 =	sadd.s32 $0x5, s0;
	s15 =	sadd.s32 $0x6, s0  }
0x2c4: {  	p2 =	slt.u32 s0, $0x48;
	s0 =	sadd.s32 $0x8, s0;
	v12 =	vshrl.u32 v12, $0x3;
	v34 =	vld [tilespmem:s1+$0xFFFFFFB0];
	v15 =	vmov s13;
	v35 =	vmov s14;
	s13 =	sadd.s32 $0x7, s12;
	[tilespmem:s4+$0xFFFFFF80] =	vst v30  }
0x2c5: {  	v30 =	vshrl.u32 v15, $0x3;
	v35 =	vshrl.u32 v35, $0x3;
	v15 =	vld [tilespmem:s1+$0x40];
	v36 =	vmov s13;
	[tilespmem:s4+$0xA0] =	vst v24  }
0x2c6: {  	v24 =	vshll.u32 v30, v1;
	v30 =	vshll.u32 v35, v1;
	v35 =	vld [tilespmem:s1+$0x50];
	v36 =	vshrl.u32 v36, $0x3;
	[tilespmem:s4+$0xFFFFFFE0] =	vst v29  }
0x2c7: {  	v12 =	vshll.u32 v12, v1;
	v29 =	vadd.s32 v30, v7;
	v30 =	vld [tilespmem:s1+$0x20];
	v36 =	vshll.u32 v36, v1;
	[tilespmem:s4+$0x90] =	vst v14  }
0x2c8: {  	v12 =	vadd.s32 v12, v3;
	v37 =	vld [tilespmem:s1+$0x10];
	v29 =	vbroadcast v29, $0x0;
	v14 =	vadd.s32 v36, v9;
	[tilespmem:s4+$0xFFFFFF90] =	vst v28  }
0x2c9: {  	v28 =	vbroadcast v12, $0x0;
	v12 =	vmov s15;
	v36 =	vld [tilespmem:s1+$0xFFFFFFD0];
	v14 =	vbroadcast v14, $0x0;
	[tilespmem:s4+$0x40] =	vst v22  }
0x2ca: {  	v24 =	vadd.s32 v24, v6;
	v22 =	vshrl.u32 v31, $0x3;
	v12 =	vshrl.u32 v12, $0x3;
	v31 =	vld [tilespmem:s1+$0x0];
	[tilespmem:s4+$0x70] =	vst v25  }
0x2cb: {  	v24 =	vbroadcast v24, $0x0;
	v22 =	vshll.u32 v22, v1;
	v25 =	vshll.u32 v12, v1;
	v12 =	vld [tilespmem:s1+$0x70];
	[tilespmem:s4+$0x50] =	vst v20  }
0x2cc: {  	v20 =	vadd.s32 v22, v4;
	v22 =	vshrl.u32 v33, $0x3;
	v25 =	vadd.s32 v25, v8;
	v33 =	vld [tilespmem:s1+$0x30];
	[tilespmem:s4+$0x30] =	vst v16  }
0x2cd: {  	v20 =	vbroadcast v20, $0x0;
	v22 =	vshll.u32 v22, v1;
	v25 =	vbroadcast v25, $0x0;
	v16 =	vld [tilespmem:s1+$0xFFFFFFA0];
	[tilespmem:s4+$0xFFFFFF30] =	vst v27  }
0x2ce: {  	v19 =	vmul.f32 v19, v10;
	v22 =	vadd.s32 v22, v5;
	v27 =	vunpack.i.u.bf16.f32 v32;
	v38 =	vld [tilespmem:s1+$0x60];
	[tilespmem:s4+$0xFFFFFFD0] =	vst v26  }
0x2cf: {  	v11 =	vmul.f32 v11, v10;
	v32 =	vunpack.i.l.bf16.f32 v32;
	v22 =	vbroadcast v22, $0x0;
	[tilespmem:s4+$0xFFFFFFF0] =	vst v23;
	v10 =	vld.idx.msk [tilespmem:v14+s30+$0x0], $0xffff  }
0x2d0: {  	v39 =	vunpack.i.l.bf16.f32 v30;
	v23 =	vld.idx.msk [tilespmem:v28+s30+$0x0], $0xffff;
	v28 =	vunpack.i.l.bf16.f32 v37;
	[tilespmem:s4+$0xFFFFFF00] =	vst v21  }
0x2d1: {  	v41 =	vunpack.i.l.bf16.f32 v35;
	v21 =	vld.idx.msk [tilespmem:v24+s30+$0x0], $0xffff;
	v40 =	vunpack.i.l.bf16.f32 v33;
	v24 =	vunpack.i.l.bf16.f32 v15;
	[tilespmem:s4+$0xE0] =	vst v19  }
0x2d2: {  	v26 =	vunpack.i.l.bf16.f32 v34;
	v42 =	vunpack.i.u.bf16.f32 v36;
	v19 =	vunpack.i.l.bf16.f32 v31;
	[tilespmem:s4+$0xF0] =	vst v11  }
0x2d3: {  	v14 =	vmov s12;
	v11 =	vunpack.i.u.bf16.f32 v12;
	v43 =	vld.idx.msk [tilespmem:v20+s30+$0x0], $0xffff;
	v20 =	vunpack.i.u.bf16.f32 v38;
	[tilespmem:s4+$0xFFFFFF20] =	vst v18  }
0x2d4: {  	v44 =	vunpack.i.l.bf16.f32 v16;
	v18 =	vshrl.u32 v14, $0x3;
	v14 =	vld.idx.msk [tilespmem:v25+s30+$0x0], $0xffff;
	v25 =	vunpack.i.l.bf16.f32 v38;
	[tilespmem:s4+$0xFFFFFF10] =	vst v17;
	s4 =	smov.u32 s11  }
0x2d5: {  	v17 =	vshll.u32 v18, v1;
	v38 =	vunpack.i.u.bf16.f32 v13;
	v18 =	vmul.f32 v25, v10  }
0x2d6: {  	v20 =	vmul.f32 v20, v10;
	v17 =	vadd.s32 v2, v17;
	v25 =	vmul.f32 v44, v23  }
0x2d7: {  	v16 =	vunpack.i.u.bf16.f32 v16;
	v17 =	vbroadcast v17, $0x0;
	v19 =	vmul.f32 v19, v21;
	v29 =	vld.idx.msk [tilespmem:v29+s30+$0x0], $0xffff;
	[tilespmem:s11+$0xC0] =	vst v18  }
0x2d8: {  	v16 =	vmul.f32 v16, v23;
	v18 =	vunpack.i.u.bf16.f32 v34;
	v34 =	vmul.f32 v26, v23;
	v44 =	vld [tilespmem:s1+$0xFFFFFFE0];
	[tilespmem:s11+$0xD0] =	vst v20  }
0x2d9: {  	v18 =	vmul.f32 v18, v23;
	v20 =	vunpack.i.l.bf16.f32 v36;
	[tilespmem:s11+$0xFFFFFF40] =	vst v25;
	v23 =	vld [tilespmem:s1+$0xFFFFFFC0];
	v25 =	vmul.f32 v42, v43  }
0x2da: {  	v36 =	vmul.f32 v24, v14;
	[tilespmem:s11+$0xFFFFFF50] =	vst v16;
	v16 =	vmul.f32 v20, v43;
	v26 =	vld.idx.msk [tilespmem:v22+s30+$0x0], $0xffff;
	v20 =	vunpack.i.u.bf16.f32 v35  }
0x2db: {  	v24 =	vmul.f32 v41, v14;
	v22 =	vunpack.i.u.bf16.f32 v31;
	[tilespmem:s11+$0xFFFFFFB0] =	vst v25;
	v35 =	vmul.f32 v20, v14  }
0x2dc: {  	v28 =	vmul.f32 v28, v21;
	v20 =	vunpack.i.u.bf16.f32 v37;
	v41 =	vld [tilespmem:s1+$0xFFFFFF90];
	[tilespmem:s11+$0xFFFFFF60] =	vst v34;
	v34 =	vmul.f32 v22, v21  }
0x2dd: {  	v22 =	vmul.f32 v39, v29;
	v37 =	vld.idx.msk [tilespmem:v17+s30+$0x0], $0xffff;
	[tilespmem:s11+$0xFFFFFFA0] =	vst v16;
	v16 =	vmul.f32 v20, v21;
	v17 =	vunpack.i.u.bf16.f32 v30  }
0x2de: {  	v21 =	vmul.f32 v40, v29;
	v20 =	vmul.f32 v17, v29;
	v17 =	vunpack.i.u.bf16.f32 v33;
	[tilespmem:s11+$0x80] =	vst v36  }
0x2df: {  	v33 =	vunpack.i.l.bf16.f32 v44;
	[tilespmem:s11+$0xFFFFFF70] =	vst v18;
	v18 =	vunpack.i.l.bf16.f32 v23;
	v25 =	vmul.f32 v17, v29  }
.Ltmp5:
0x2e0: {  	v31 =	vunpack.i.u.bf16.f32 v44;
	v33 =	vmul.f32 v33, v26;
	v30 =	vmul.f32 v18, v43;
	[tilespmem:s11+$0x20] =	vst v28;
	(pc) =	sbr.rel @p2 .LBB2_9-.Ltmp5, $4  }
0x2e1: {  	v29 =	vmul.f32 v32, v26;
	v18 =	vunpack.i.u.bf16.f32 v23;
	v17 =	vunpack.i.l.bf16.f32 v41;
	[tilespmem:s11+$0x10] =	vst v34  }
0x2e2: {  	v13 =	vunpack.i.l.bf16.f32 v13;
	v23 =	vmul.f32 v27, v26;
	v28 =	vmul.f32 v18, v43;
	[tilespmem:s11+$0x60] =	vst v21  }
0x2e3: {  	v21 =	vmul.f32 v13, v37;
	v13 =	vunpack.i.u.bf16.f32 v41;
	v18 =	vmul.f32 v17, v37;
	[tilespmem:s11+$0xB0] =	vst v35  }
0x2e4: {  	s1 =	sadd.s32 $0x100, s1;
	v17 =	vmul.f32 v38, v37;
	v27 =	vmul.f32 v13, v37;
	v13 =	vunpack.i.u.bf16.f32 v15;
	s11 =	sadd.s32 $0x200, s11;
	[tilespmem:s4+$0xFFFFFFC0] =	vst v33  }
0x2e5: {  	[tilespmem:s4+$0x0] =	vst v19  }
0x2e6: {  	[tilespmem:s4+$0xFFFFFF80] =	vst v30  }
0x2e7: {  	[tilespmem:s4+$0xA0] =	vst v24  }
0x2e8: {  	[tilespmem:s4+$0xFFFFFFE0] =	vst v29  }
0x2e9: {  	[tilespmem:s4+$0xFFFFFF90] =	vst v28  }
0x2ea: {  	[tilespmem:s4+$0x40] =	vst v22  }
0x2eb: {  	[tilespmem:s4+$0x70] =	vst v25  }
0x2ec: {  	[tilespmem:s4+$0x50] =	vst v20  }
0x2ed: {  	[tilespmem:s4+$0x30] =	vst v16  }
0x2ee: {  	[tilespmem:s4+$0xFFFFFFF0] =	vst v23  }
0x2ef: {  	v2 =	vmul.f32 v13, v14;
	[tilespmem:s4+$0xFFFFFF00] =	vst v21  }
0x2f0: {  	[tilespmem:s4+$0xFFFFFF20] =	vst v18  }
0x2f1: {  	[tilespmem:s4+$0x90] =	vst v2;
	v2 =	vmul.f32 v31, v26  }
0x2f2: {  	v3 =	vunpack.i.l.bf16.f32 v12;
	[tilespmem:s4+$0xFFFFFF30] =	vst v27  }
0x2f3: {  	[tilespmem:s4+$0xFFFFFFD0] =	vst v2;
	v2 =	vmul.f32 v3, v10  }
0x2f4: {  	s0 =	smul.u32 $0x140, s3;
	[tilespmem:s4+$0xFFFFFF10] =	vst v17;
	v3 =	vmul.f32 v11, v10  }
0x2f5: {  	[tilespmem:s4+$0xE0] =	vst v2  }
0x2f6: {  	s1 =	simm.s32 $0x1E0A0;
	s0 =	sshra.s32 s0, $0x2;
	[tilespmem:s4+$0xF0] =	vst v3  }
0x2f7: {  	[spmem:s2] =	stream.indirect.scatter.add.f32 [tilespmem:s1], [sflag:$0x8], $0x40, s0, s19, $0xb8;
	[tilespmem:$0x1F4A0] =	vst v63  }
0x2f8: {  	s3 =	simm.s32 @!p1 $0x19AA0;
	s0 =	sadd.s32 @!p1 $0x5050, s10;
	s1 =	simm.s32 @!p1 $0x50  }
0x2f9: {  	[tilespmem:s3], [sflag:$0x3] =	stream.indirect.gather @!p1 [hbm4b:s5+s1], $0x20, s0, s1, $0xb8;
	[tilespmem:$0x1F4A0] =	vst v63  }
0x2fa: {  	_ =	swait.ge [sflag:s23], $0xA00  }
0x2fb: {  	[sflag:s23] =	ssyncset.done $0x0  }
0x2fc: {  	s15 =	simm.s32 $0x2;
	[sflag:s23] =	ssyncadd.s32 $0xFFFFF600  }
0x2fd: {  	s11 =	simm.s32 $0x3;
	s12 =	simm.s32 $0x5;
	_ =	swait.ge [sflag:s24], $0x1400  }
0x2fe: {  	s13 =	simm.s32 $0x7;
	v12 =	vmov s15;
	v14 =	vmov s11;
	s11 =	simm.s32 $0x4;
	v17 =	vmov s12;
	[sflag:s24] =	ssyncset.done $0x0  }
0x2ff: {  	v19 =	vmov s13;
	v15 =	vmov s11;
	v17 =	vshrl.u32 v17, $0x3;
	s0 =	simm.s32 $0x1A520;
	[sflag:s24] =	ssyncadd.s32 $0xFFFFEC00  }
0x300: {  	v19 =	vshrl.u32 v19, $0x3;
	v12 =	vshrl.u32 v12, $0x3;
	v14 =	vshrl.u32 v14, $0x3;
	v10 =	vld [tilespmem:s0+$0xFFFFFFF0]  }
0x301: {  	s14 =	simm.s32 $0x1;
	v18 =	vshrl.u32 v15, $0x3;
	v17 =	vshll.u32 v17, v1;
	v19 =	vshll.u32 v19, v1;
	s3 =	sadd.s32 $0x3, s9;
	v13 =	vld [tilespmem:s0+$0xFFFFFF80]  }
0x302: {  	v26 =	vshll.u32 v12, v1;
	v11 =	vmov s14;
	s14 =	simm.s32 $0x6;
	v2 =	vmov s3;
	v16 =	vld [tilespmem:s0+$0xFFFFFFB0]  }
0x303: {  	v14 =	vshll.u32 v14, v1;
	v24 =	vmov s14;
	v2 =	vmul.u32 $0x50, v2;
	v15 =	vld [tilespmem:s0+$0x40]  }
0x304: {  	v18 =	vshll.u32 v18, v1;
	v11 =	vshrl.u32 v11, $0x3;
	v24 =	vshrl.u32 v24, $0x3;
	v20 =	vld [tilespmem:s0+$0x50]  }
0x305: {  	v11 =	vshll.u32 v11, v1;
	v24 =	vshll.u32 v24, v1;
	v9 =	vor.u32 $0x7, v2;
	v21 =	vld [tilespmem:s0+$0x20]  }
0x306: {  	v3 =	vor.u32 $0x1, v2;
	v4 =	vor.u32 $0x2, v2;
	v19 =	vadd.s32 v19, v9;
	v22 =	vld [tilespmem:s0+$0x10]  }
0x307: {  	v6 =	vor.u32 $0x4, v2;
	v11 =	vadd.s32 v11, v3;
	v19 =	vbroadcast v19, $0x0;
	v23 =	vld [tilespmem:s0+$0xFFFFFFD0]  }
0x308: {  	v5 =	vor.u32 $0x3, v2;
	v18 =	vadd.s32 v18, v6;
	v11 =	vbroadcast v11, $0x0;
	v25 =	vld [tilespmem:s0+$0x0]  }
0x309: {  	v8 =	vor.u32 $0x6, v2;
	v26 =	vadd.s32 v26, v4;
	v18 =	vbroadcast v18, $0x0;
	v27 =	vld [tilespmem:s0+$0x30]  }
0x30a: {  	v7 =	vor.u32 $0x5, v2;
	v24 =	vadd.s32 v24, v8;
	v26 =	vbroadcast v26, $0x0;
	v12 =	vld [tilespmem:s0+$0x70]  }
0x30b: {  	s15 =	simm.s32 $0x0;
	v17 =	vadd.s32 v17, v7;
	v14 =	vadd.s32 v14, v5;
	v24 =	vbroadcast v24, $0x0;
	v28 =	vld [tilespmem:s0+$0x60]  }
0x30c: {  	v17 =	vbroadcast v17, $0x0;
	v30 =	vbroadcast v14, $0x0;
	v14 =	vmov s15;
	v29 =	vld [tilespmem:s0+$0xFFFFFFA0]  }
0x30d: {  	v32 =	vunpack.i.u.bf16.f32 v10;
	v33 =	vunpack.i.l.bf16.f32 v10;
	v10 =	vld.idx.msk [tilespmem:v19+s30+$0x0], $0xffff;
	v31 =	vunpack.i.l.bf16.f32 v22  }
0x30e: {  	v34 =	vunpack.i.l.bf16.f32 v21;
	v35 =	vld.idx.msk [tilespmem:v11+s30+$0x0], $0xffff;
	v36 =	vunpack.i.l.bf16.f32 v27;
	v37 =	vunpack.i.l.bf16.f32 v15  }
0x30f: {  	v38 =	vunpack.i.l.bf16.f32 v20;
	v18 =	vld.idx.msk [tilespmem:v18+s30+$0x0], $0xffff;
	v39 =	vunpack.i.l.bf16.f32 v16;
	v40 =	vunpack.i.u.bf16.f32 v23  }
0x310: {  	v19 =	vunpack.i.l.bf16.f32 v25;
	v41 =	vunpack.i.u.bf16.f32 v28;
	v11 =	vunpack.i.u.bf16.f32 v12;
	v42 =	vld.idx.msk [tilespmem:v26+s30+$0x0], $0xffff  }
0x311: {  	v26 =	vshrl.u32 v14, $0x3;
	v43 =	vunpack.i.l.bf16.f32 v29;
	v28 =	vunpack.i.l.bf16.f32 v28;
	v14 =	vld.idx.msk [tilespmem:v24+s30+$0x0], $0xffff  }
0x312: {  	v44 =	vunpack.i.u.bf16.f32 v13;
	v24 =	vshll.u32 v26, v1;
	v26 =	vmul.f32 v28, v10  }
0x313: {  	s4 =	simm.s32 $0x1B9A0;
	v17 =	vld.idx.msk [tilespmem:v17+s30+$0x0], $0xffff;
	v16 =	vunpack.i.u.bf16.f32 v16;
	v24 =	vadd.s32 v2, v24;
	v41 =	vmul.f32 v41, v10  }
0x314: {  	v57 =	vbroadcast v24, $0x0;
	v24 =	vunpack.i.u.bf16.f32 v29;
	v28 =	vmul.f32 v43, v35;
	[tilespmem:s4+$0xC0] =	vst v26  }
0x315: {  	v58 =	vld [tilespmem:s0+$0xFFFFFFE0];
	v20 =	vunpack.i.u.bf16.f32 v20;
	v19 =	vmul.f32 v19, v18;
	v24 =	vmul.f32 v24, v35;
	[tilespmem:s4+$0xD0] =	vst v41  }
0x316: {  	v13 =	vunpack.i.l.bf16.f32 v13;
	v29 =	vmul.f32 v39, v35;
	v37 =	vmul.f32 v37, v14;
	[tilespmem:s4+$0xFFFFFF40] =	vst v28  }
0x317: {  	v59 =	vld [tilespmem:s0+$0xFFFFFFC0];
	v28 =	vmul.f32 v16, v35;
	v16 =	vunpack.i.l.bf16.f32 v23;
	v23 =	vmul.f32 v40, v42;
	[tilespmem:s4+$0xFFFFFF50] =	vst v24  }
0x318: {  	v60 =	vmul.f32 v20, v14;
	v20 =	vunpack.i.u.bf16.f32 v22;
	v22 =	vmul.f32 v34, v17;
	[tilespmem:s4+$0xFFFFFF60] =	vst v29  }
0x319: {  	v26 =	vld.idx.msk [tilespmem:v30+s30+$0x0], $0xffff;
	v24 =	vmul.f32 v38, v14;
	v16 =	vmul.f32 v16, v42;
	[tilespmem:s4+$0xFFFFFFB0] =	vst v23;
	v23 =	vunpack.i.u.bf16.f32 v25  }
0x31a: {  	v61 =	vld [tilespmem:s0+$0xFFFFFF90];
	v29 =	vmul.f32 v31, v18;
	[tilespmem:s4+$0x80] =	vst v37;
	v31 =	vunpack.i.u.bf16.f32 v58;
	v23 =	vmul.f32 v23, v18  }
0x31b: {  	v62 =	vld.idx.msk [tilespmem:v57+s30+$0x0], $0xffff;
	[tilespmem:s4+$0xFFFFFFA0] =	vst v16;
	v16 =	vmul.f32 v20, v18;
	v18 =	vunpack.i.u.bf16.f32 v21;
	v21 =	vmul.f32 v36, v17  }
0x31c: {  	[tilespmem:s4+$0xB0] =	vst v60;
	v20 =	vmul.f32 v18, v17;
	v18 =	vunpack.i.u.bf16.f32 v27;
	v27 =	vunpack.i.l.bf16.f32 v59  }
0x31d: {  	[tilespmem:s4+$0xFFFFFF70] =	vst v28;
	v28 =	vunpack.i.l.bf16.f32 v58;
	v25 =	vmul.f32 v18, v17;
	v30 =	vmul.f32 v27, v42  }
0x31e: {  	[tilespmem:s4+$0x20] =	vst v29;
	v63 =	vmul.f32 v28, v26;
	v18 =	vunpack.i.u.bf16.f32 v59;
	v29 =	vmul.f32 v33, v26  }
0x31f: {  	v17 =	vunpack.i.l.bf16.f32 v61;
	[tilespmem:s4+$0x10] =	vst v23;
	v23 =	vmul.f32 v32, v26;
	v28 =	vmul.f32 v18, v42  }
0x320: {  	[tilespmem:s4+$0x60] =	vst v21;
	v21 =	vmul.f32 v13, v62;
	v13 =	vunpack.i.u.bf16.f32 v61;
	v18 =	vmul.f32 v17, v62  }
0x321: {  	s11 =	simm.s32 $0x1BBA0;
	s1 =	simm.s32 $0x1A620;
	s0 =	simm.s32 $0x8;
	v17 =	vmul.f32 v44, v62;
	[tilespmem:s4+$0xFFFFFFC0] =	vst v63;
	v27 =	vmul.f32 v13, v62;
	v13 =	vunpack.i.u.bf16.f32 v15  }
.LBB2_11:
0x322: {  	s13 =	sadd.s32 $0x1, s0  }
0x323: {  	s14 =	sadd.s32 $0x2, s0;
	s15 =	sadd.s32 $0x3, s0;
	v32 =	vld [tilespmem:s1+$0xFFFFFFF0];
	v26 =	vmul.f32 v31, v26;
	[tilespmem:s4+$0x0] =	vst v19;
	v14 =	vmul.f32 v13, v14;
	v19 =	vunpack.i.l.bf16.f32 v12;
	s12 =	smov.u32 s0  }
0x324: {  	v13 =	vld [tilespmem:s1+$0xFFFFFF80];
	v12 =	vmov s13;
	v31 =	vmov s14;
	v33 =	vmov s15;
	s13 =	sadd.s32 $0x4, s0;
	s14 =	sadd.s32 $0x5, s0;
	s15 =	sadd.s32 $0x6, s0  }
0x325: {  	p2 =	slt.u32 s0, $0x48;
	s0 =	sadd.s32 $0x8, s0;
	v12 =	vshrl.u32 v12, $0x3;
	v34 =	vld [tilespmem:s1+$0xFFFFFFB0];
	v15 =	vmov s13;
	v35 =	vmov s14;
	s13 =	sadd.s32 $0x7, s12;
	[tilespmem:s4+$0xFFFFFF80] =	vst v30  }
0x326: {  	v30 =	vshrl.u32 v15, $0x3;
	v35 =	vshrl.u32 v35, $0x3;
	v15 =	vld [tilespmem:s1+$0x40];
	v36 =	vmov s13;
	[tilespmem:s4+$0xA0] =	vst v24  }
0x327: {  	v24 =	vshll.u32 v30, v1;
	v30 =	vshll.u32 v35, v1;
	v35 =	vld [tilespmem:s1+$0x50];
	v36 =	vshrl.u32 v36, $0x3;
	[tilespmem:s4+$0xFFFFFFE0] =	vst v29  }
0x328: {  	v12 =	vshll.u32 v12, v1;
	v29 =	vadd.s32 v30, v7;
	v30 =	vld [tilespmem:s1+$0x20];
	v36 =	vshll.u32 v36, v1;
	[tilespmem:s4+$0x90] =	vst v14  }
0x329: {  	v12 =	vadd.s32 v12, v3;
	v37 =	vld [tilespmem:s1+$0x10];
	v29 =	vbroadcast v29, $0x0;
	v14 =	vadd.s32 v36, v9;
	[tilespmem:s4+$0xFFFFFF90] =	vst v28  }
0x32a: {  	v28 =	vbroadcast v12, $0x0;
	v12 =	vmov s15;
	v36 =	vld [tilespmem:s1+$0xFFFFFFD0];
	v14 =	vbroadcast v14, $0x0;
	[tilespmem:s4+$0x40] =	vst v22  }
0x32b: {  	v24 =	vadd.s32 v24, v6;
	v22 =	vshrl.u32 v31, $0x3;
	v12 =	vshrl.u32 v12, $0x3;
	v31 =	vld [tilespmem:s1+$0x0];
	[tilespmem:s4+$0x70] =	vst v25  }
0x32c: {  	v24 =	vbroadcast v24, $0x0;
	v22 =	vshll.u32 v22, v1;
	v25 =	vshll.u32 v12, v1;
	v12 =	vld [tilespmem:s1+$0x70];
	[tilespmem:s4+$0x50] =	vst v20  }
0x32d: {  	v20 =	vadd.s32 v22, v4;
	v22 =	vshrl.u32 v33, $0x3;
	v25 =	vadd.s32 v25, v8;
	v33 =	vld [tilespmem:s1+$0x30];
	[tilespmem:s4+$0x30] =	vst v16  }
0x32e: {  	v20 =	vbroadcast v20, $0x0;
	v22 =	vshll.u32 v22, v1;
	v25 =	vbroadcast v25, $0x0;
	v16 =	vld [tilespmem:s1+$0xFFFFFFA0];
	[tilespmem:s4+$0xFFFFFF30] =	vst v27  }
0x32f: {  	v19 =	vmul.f32 v19, v10;
	v22 =	vadd.s32 v22, v5;
	v27 =	vunpack.i.u.bf16.f32 v32;
	v38 =	vld [tilespmem:s1+$0x60];
	[tilespmem:s4+$0xFFFFFFD0] =	vst v26  }
0x330: {  	v11 =	vmul.f32 v11, v10;
	v32 =	vunpack.i.l.bf16.f32 v32;
	v22 =	vbroadcast v22, $0x0;
	[tilespmem:s4+$0xFFFFFFF0] =	vst v23;
	v10 =	vld.idx.msk [tilespmem:v14+s30+$0x0], $0xffff  }
0x331: {  	v39 =	vunpack.i.l.bf16.f32 v30;
	v23 =	vld.idx.msk [tilespmem:v28+s30+$0x0], $0xffff;
	v28 =	vunpack.i.l.bf16.f32 v37;
	[tilespmem:s4+$0xFFFFFF00] =	vst v21  }
0x332: {  	v41 =	vunpack.i.l.bf16.f32 v35;
	v21 =	vld.idx.msk [tilespmem:v24+s30+$0x0], $0xffff;
	v40 =	vunpack.i.l.bf16.f32 v33;
	v24 =	vunpack.i.l.bf16.f32 v15;
	[tilespmem:s4+$0xE0] =	vst v19  }
0x333: {  	v26 =	vunpack.i.l.bf16.f32 v34;
	v42 =	vunpack.i.u.bf16.f32 v36;
	v19 =	vunpack.i.l.bf16.f32 v31;
	[tilespmem:s4+$0xF0] =	vst v11  }
0x334: {  	v14 =	vmov s12;
	v11 =	vunpack.i.u.bf16.f32 v12;
	v43 =	vld.idx.msk [tilespmem:v20+s30+$0x0], $0xffff;
	v20 =	vunpack.i.u.bf16.f32 v38;
	[tilespmem:s4+$0xFFFFFF20] =	vst v18  }
0x335: {  	v44 =	vunpack.i.l.bf16.f32 v16;
	v18 =	vshrl.u32 v14, $0x3;
	v14 =	vld.idx.msk [tilespmem:v25+s30+$0x0], $0xffff;
	v25 =	vunpack.i.l.bf16.f32 v38;
	[tilespmem:s4+$0xFFFFFF10] =	vst v17;
	s4 =	smov.u32 s11  }
0x336: {  	v17 =	vshll.u32 v18, v1;
	v38 =	vunpack.i.u.bf16.f32 v13;
	v18 =	vmul.f32 v25, v10  }
0x337: {  	v20 =	vmul.f32 v20, v10;
	v17 =	vadd.s32 v2, v17;
	v25 =	vmul.f32 v44, v23  }
0x338: {  	v16 =	vunpack.i.u.bf16.f32 v16;
	v17 =	vbroadcast v17, $0x0;
	v19 =	vmul.f32 v19, v21;
	v29 =	vld.idx.msk [tilespmem:v29+s30+$0x0], $0xffff;
	[tilespmem:s11+$0xC0] =	vst v18  }
0x339: {  	v16 =	vmul.f32 v16, v23;
	v18 =	vunpack.i.u.bf16.f32 v34;
	v34 =	vmul.f32 v26, v23;
	v44 =	vld [tilespmem:s1+$0xFFFFFFE0];
	[tilespmem:s11+$0xD0] =	vst v20  }
0x33a: {  	v18 =	vmul.f32 v18, v23;
	v20 =	vunpack.i.l.bf16.f32 v36;
	[tilespmem:s11+$0xFFFFFF40] =	vst v25;
	v23 =	vld [tilespmem:s1+$0xFFFFFFC0];
	v25 =	vmul.f32 v42, v43  }
0x33b: {  	v36 =	vmul.f32 v24, v14;
	[tilespmem:s11+$0xFFFFFF50] =	vst v16;
	v16 =	vmul.f32 v20, v43;
	v26 =	vld.idx.msk [tilespmem:v22+s30+$0x0], $0xffff;
	v20 =	vunpack.i.u.bf16.f32 v35  }
0x33c: {  	v24 =	vmul.f32 v41, v14;
	v22 =	vunpack.i.u.bf16.f32 v31;
	[tilespmem:s11+$0xFFFFFFB0] =	vst v25;
	v35 =	vmul.f32 v20, v14  }
0x33d: {  	v28 =	vmul.f32 v28, v21;
	v20 =	vunpack.i.u.bf16.f32 v37;
	v41 =	vld [tilespmem:s1+$0xFFFFFF90];
	[tilespmem:s11+$0xFFFFFF60] =	vst v34;
	v34 =	vmul.f32 v22, v21  }
0x33e: {  	v22 =	vmul.f32 v39, v29;
	v37 =	vld.idx.msk [tilespmem:v17+s30+$0x0], $0xffff;
	[tilespmem:s11+$0xFFFFFFA0] =	vst v16;
	v16 =	vmul.f32 v20, v21;
	v17 =	vunpack.i.u.bf16.f32 v30  }
0x33f: {  	v21 =	vmul.f32 v40, v29;
	v20 =	vmul.f32 v17, v29;
	v17 =	vunpack.i.u.bf16.f32 v33;
	[tilespmem:s11+$0x80] =	vst v36  }
0x340: {  	v33 =	vunpack.i.l.bf16.f32 v44;
	[tilespmem:s11+$0xFFFFFF70] =	vst v18;
	v18 =	vunpack.i.l.bf16.f32 v23;
	v25 =	vmul.f32 v17, v29  }
.Ltmp6:
0x341: {  	v31 =	vunpack.i.u.bf16.f32 v44;
	v33 =	vmul.f32 v33, v26;
	v30 =	vmul.f32 v18, v43;
	[tilespmem:s11+$0x20] =	vst v28;
	(pc) =	sbr.rel @p2 .LBB2_11-.Ltmp6, $4  }
0x342: {  	v29 =	vmul.f32 v32, v26;
	v18 =	vunpack.i.u.bf16.f32 v23;
	v17 =	vunpack.i.l.bf16.f32 v41;
	[tilespmem:s11+$0x10] =	vst v34  }
0x343: {  	v13 =	vunpack.i.l.bf16.f32 v13;
	v23 =	vmul.f32 v27, v26;
	v28 =	vmul.f32 v18, v43;
	[tilespmem:s11+$0x60] =	vst v21  }
0x344: {  	v21 =	vmul.f32 v13, v37;
	v13 =	vunpack.i.u.bf16.f32 v41;
	v18 =	vmul.f32 v17, v37;
	[tilespmem:s11+$0xB0] =	vst v35  }
0x345: {  	s1 =	sadd.s32 $0x100, s1;
	v17 =	vmul.f32 v38, v37;
	v27 =	vmul.f32 v13, v37;
	v13 =	vunpack.i.u.bf16.f32 v15;
	s11 =	sadd.s32 $0x200, s11;
	[tilespmem:s4+$0xFFFFFFC0] =	vst v33  }
0x346: {  	[tilespmem:s4+$0x0] =	vst v19  }
0x347: {  	[tilespmem:s4+$0xFFFFFF80] =	vst v30  }
0x348: {  	[tilespmem:s4+$0xA0] =	vst v24  }
0x349: {  	[tilespmem:s4+$0xFFFFFFE0] =	vst v29  }
0x34a: {  	[tilespmem:s4+$0xFFFFFF90] =	vst v28  }
0x34b: {  	[tilespmem:s4+$0x40] =	vst v22  }
0x34c: {  	[tilespmem:s4+$0x70] =	vst v25  }
0x34d: {  	[tilespmem:s4+$0x50] =	vst v20  }
0x34e: {  	[tilespmem:s4+$0x30] =	vst v16  }
0x34f: {  	[tilespmem:s4+$0xFFFFFFF0] =	vst v23  }
0x350: {  	v2 =	vmul.f32 v13, v14;
	[tilespmem:s4+$0xFFFFFF00] =	vst v21  }
0x351: {  	[tilespmem:s4+$0xFFFFFF20] =	vst v18  }
0x352: {  	[tilespmem:s4+$0x90] =	vst v2;
	v2 =	vmul.f32 v31, v26  }
0x353: {  	v3 =	vunpack.i.l.bf16.f32 v12;
	[tilespmem:s4+$0xFFFFFF30] =	vst v27  }
0x354: {  	[tilespmem:s4+$0xFFFFFFD0] =	vst v2;
	v2 =	vmul.f32 v3, v10  }
0x355: {  	s0 =	smul.u32 $0x140, s3;
	[tilespmem:s4+$0xFFFFFF10] =	vst v17;
	v3 =	vmul.f32 v11, v10  }
0x356: {  	[tilespmem:s4+$0xE0] =	vst v2  }
0x357: {  	s0 =	sshra.s32 s0, $0x2;
	[tilespmem:s4+$0xF0] =	vst v3  }
0x358: {  	[spmem:s2] =	stream.indirect.scatter.add.f32 [tilespmem:s28], [sflag:$0x6], $0x40, s0, s19, $0xb8;
	[tilespmem:$0x1F4A0] =	vst v63  }
0x359: {  	s1 =	simm.s32 @!p1 $0x50;
	s3 =	simm.s32 @!p1 $0x1A4A0;
	s0 =	sadd.s32 @!p1 $0x50A0, s10  }
0x35a: {  	[tilespmem:s3], [sflag:$0x4] =	stream.indirect.gather @!p1 [hbm4b:s5+s1], $0x20, s0, s1, $0xb8;
	[tilespmem:$0x1F4A0] =	vst v63  }
0x35b: {  	_ =	swait.ge [sflag:s25], $0xA00  }
0x35c: {  	[sflag:s25] =	ssyncset.done $0x0  }
0x35d: {  	s11 =	simm.s32 $0x4;
	[sflag:s25] =	ssyncadd.s32 $0xFFFFF600  }
0x35e: {  	s12 =	simm.s32 $0x5;
	s13 =	simm.s32 $0x7;
	_ =	swait.ge [sflag:s26], $0x1400  }
0x35f: {  	s14 =	simm.s32 $0x6;
	v15 =	vmov s11;
	v17 =	vmov s12;
	v19 =	vmov s13;
	[sflag:s26] =	ssyncset.done $0x0  }
0x360: {  	v24 =	vmov s14;
	v18 =	vshrl.u32 v15, $0x3;
	v17 =	vshrl.u32 v17, $0x3;
	s0 =	simm.s32 $0x1AF20;
	[sflag:s26] =	ssyncadd.s32 $0xFFFFEC00  }
0x361: {  	v19 =	vshrl.u32 v19, $0x3;
	v24 =	vshrl.u32 v24, $0x3;
	v18 =	vshll.u32 v18, v1;
	v10 =	vld [tilespmem:s0+$0xFFFFFFF0]  }
0x362: {  	v17 =	vshll.u32 v17, v1;
	v19 =	vshll.u32 v19, v1;
	v24 =	vshll.u32 v24, v1;
	s4 =	simm.s32 $0x1;
	s10 =	simm.s32 $0x3;
	s3 =	sadd.s32 $0x4, s9;
	v13 =	vld [tilespmem:s0+$0xFFFFFF80]  }
0x363: {  	v11 =	vmov s4;
	v14 =	vmov s10;
	s9 =	simm.s32 $0x2;
	v2 =	vmov s3;
	v16 =	vld [tilespmem:s0+$0xFFFFFFB0]  }
0x364: {  	v11 =	vshrl.u32 v11, $0x3;
	v12 =	vmov s9;
	v2 =	vmul.u32 $0x50, v2;
	v15 =	vld [tilespmem:s0+$0x40]  }
0x365: {  	v11 =	vshll.u32 v11, v1;
	v14 =	vshrl.u32 v14, $0x3;
	v12 =	vshrl.u32 v12, $0x3;
	v20 =	vld [tilespmem:s0+$0x50]  }
0x366: {  	v14 =	vshll.u32 v14, v1;
	v26 =	vshll.u32 v12, v1;
	v9 =	vor.u32 $0x7, v2;
	v21 =	vld [tilespmem:s0+$0x20]  }
0x367: {  	v3 =	vor.u32 $0x1, v2;
	v4 =	vor.u32 $0x2, v2;
	v19 =	vadd.s32 v19, v9;
	v22 =	vld [tilespmem:s0+$0x10]  }
0x368: {  	v6 =	vor.u32 $0x4, v2;
	v11 =	vadd.s32 v11, v3;
	v19 =	vbroadcast v19, $0x0;
	v23 =	vld [tilespmem:s0+$0xFFFFFFD0]  }
0x369: {  	v5 =	vor.u32 $0x3, v2;
	v18 =	vadd.s32 v18, v6;
	v11 =	vbroadcast v11, $0x0;
	v25 =	vld [tilespmem:s0+$0x0]  }
0x36a: {  	v8 =	vor.u32 $0x6, v2;
	v26 =	vadd.s32 v26, v4;
	v18 =	vbroadcast v18, $0x0;
	v27 =	vld [tilespmem:s0+$0x30]  }
0x36b: {  	v7 =	vor.u32 $0x5, v2;
	v24 =	vadd.s32 v24, v8;
	v26 =	vbroadcast v26, $0x0;
	v12 =	vld [tilespmem:s0+$0x70]  }
0x36c: {  	s15 =	simm.s32 $0x0;
	v17 =	vadd.s32 v17, v7;
	v14 =	vadd.s32 v14, v5;
	v24 =	vbroadcast v24, $0x0;
	v28 =	vld [tilespmem:s0+$0x60]  }
0x36d: {  	v17 =	vbroadcast v17, $0x0;
	v30 =	vbroadcast v14, $0x0;
	v14 =	vmov s15;
	v29 =	vld [tilespmem:s0+$0xFFFFFFA0]  }
0x36e: {  	v32 =	vunpack.i.u.bf16.f32 v10;
	v33 =	vunpack.i.l.bf16.f32 v10;
	v10 =	vld.idx.msk [tilespmem:v19+s30+$0x0], $0xffff;
	v31 =	vunpack.i.l.bf16.f32 v22  }
0x36f: {  	v34 =	vunpack.i.l.bf16.f32 v21;
	v35 =	vld.idx.msk [tilespmem:v11+s30+$0x0], $0xffff;
	v36 =	vunpack.i.l.bf16.f32 v27;
	v37 =	vunpack.i.l.bf16.f32 v15  }
0x370: {  	v38 =	vunpack.i.l.bf16.f32 v20;
	v18 =	vld.idx.msk [tilespmem:v18+s30+$0x0], $0xffff;
	v39 =	vunpack.i.l.bf16.f32 v16;
	v40 =	vunpack.i.u.bf16.f32 v23  }
0x371: {  	v19 =	vunpack.i.l.bf16.f32 v25;
	v41 =	vunpack.i.u.bf16.f32 v28;
	v11 =	vunpack.i.u.bf16.f32 v12;
	v42 =	vld.idx.msk [tilespmem:v26+s30+$0x0], $0xffff  }
0x372: {  	v26 =	vshrl.u32 v14, $0x3;
	v43 =	vunpack.i.l.bf16.f32 v29;
	v28 =	vunpack.i.l.bf16.f32 v28;
	v14 =	vld.idx.msk [tilespmem:v24+s30+$0x0], $0xffff  }
0x373: {  	v44 =	vunpack.i.u.bf16.f32 v13;
	v24 =	vshll.u32 v26, v1;
	v26 =	vmul.f32 v28, v10  }
0x374: {  	s4 =	simm.s32 $0x1CDA0;
	v17 =	vld.idx.msk [tilespmem:v17+s30+$0x0], $0xffff;
	v16 =	vunpack.i.u.bf16.f32 v16;
	v24 =	vadd.s32 v2, v24;
	v41 =	vmul.f32 v41, v10  }
0x375: {  	v57 =	vbroadcast v24, $0x0;
	v24 =	vunpack.i.u.bf16.f32 v29;
	v28 =	vmul.f32 v43, v35;
	[tilespmem:s4+$0xC0] =	vst v26  }
0x376: {  	v58 =	vld [tilespmem:s0+$0xFFFFFFE0];
	v20 =	vunpack.i.u.bf16.f32 v20;
	v19 =	vmul.f32 v19, v18;
	v24 =	vmul.f32 v24, v35;
	[tilespmem:s4+$0xD0] =	vst v41  }
0x377: {  	v13 =	vunpack.i.l.bf16.f32 v13;
	v29 =	vmul.f32 v39, v35;
	v37 =	vmul.f32 v37, v14;
	[tilespmem:s4+$0xFFFFFF40] =	vst v28  }
0x378: {  	v59 =	vld [tilespmem:s0+$0xFFFFFFC0];
	v28 =	vmul.f32 v16, v35;
	v16 =	vunpack.i.l.bf16.f32 v23;
	v23 =	vmul.f32 v40, v42;
	[tilespmem:s4+$0xFFFFFF50] =	vst v24  }
0x379: {  	v60 =	vmul.f32 v20, v14;
	v20 =	vunpack.i.u.bf16.f32 v22;
	v22 =	vmul.f32 v34, v17;
	[tilespmem:s4+$0xFFFFFF60] =	vst v29  }
0x37a: {  	v26 =	vld.idx.msk [tilespmem:v30+s30+$0x0], $0xffff;
	v24 =	vmul.f32 v38, v14;
	v16 =	vmul.f32 v16, v42;
	[tilespmem:s4+$0xFFFFFFB0] =	vst v23;
	v23 =	vunpack.i.u.bf16.f32 v25  }
0x37b: {  	v61 =	vld [tilespmem:s0+$0xFFFFFF90];
	v29 =	vmul.f32 v31, v18;
	[tilespmem:s4+$0x80] =	vst v37;
	v31 =	vunpack.i.u.bf16.f32 v58;
	v23 =	vmul.f32 v23, v18  }
0x37c: {  	v62 =	vld.idx.msk [tilespmem:v57+s30+$0x0], $0xffff;
	[tilespmem:s4+$0xFFFFFFA0] =	vst v16;
	v16 =	vmul.f32 v20, v18;
	v18 =	vunpack.i.u.bf16.f32 v21;
	v21 =	vmul.f32 v36, v17  }
0x37d: {  	[tilespmem:s4+$0xB0] =	vst v60;
	v20 =	vmul.f32 v18, v17;
	v18 =	vunpack.i.u.bf16.f32 v27;
	v27 =	vunpack.i.l.bf16.f32 v59  }
0x37e: {  	[tilespmem:s4+$0xFFFFFF70] =	vst v28;
	v28 =	vunpack.i.l.bf16.f32 v58;
	v25 =	vmul.f32 v18, v17;
	v30 =	vmul.f32 v27, v42  }
0x37f: {  	[tilespmem:s4+$0x20] =	vst v29;
	v63 =	vmul.f32 v28, v26;
	v18 =	vunpack.i.u.bf16.f32 v59;
	v29 =	vmul.f32 v33, v26  }
0x380: {  	v17 =	vunpack.i.l.bf16.f32 v61;
	[tilespmem:s4+$0x10] =	vst v23;
	v23 =	vmul.f32 v32, v26;
	v28 =	vmul.f32 v18, v42  }
0x381: {  	[tilespmem:s4+$0x60] =	vst v21;
	v21 =	vmul.f32 v13, v62;
	v13 =	vunpack.i.u.bf16.f32 v61;
	v18 =	vmul.f32 v17, v62  }
0x382: {  	s1 =	simm.s32 $0x1B020;
	s9 =	simm.s32 $0x1CFA0;
	s0 =	simm.s32 $0x8;
	v17 =	vmul.f32 v44, v62;
	[tilespmem:s4+$0xFFFFFFC0] =	vst v63;
	v27 =	vmul.f32 v13, v62;
	v13 =	vunpack.i.u.bf16.f32 v15  }
.LBB2_13:
0x383: {  	s11 =	sadd.s32 $0x1, s0  }
0x384: {  	s12 =	sadd.s32 $0x2, s0;
	s13 =	sadd.s32 $0x3, s0;
	v32 =	vld [tilespmem:s1+$0xFFFFFFF0];
	v26 =	vmul.f32 v31, v26;
	[tilespmem:s4+$0x0] =	vst v19;
	v14 =	vmul.f32 v13, v14;
	v19 =	vunpack.i.l.bf16.f32 v12;
	s10 =	smov.u32 s0  }
0x385: {  	v13 =	vld [tilespmem:s1+$0xFFFFFF80];
	v12 =	vmov s11;
	v31 =	vmov s12;
	v33 =	vmov s13;
	s11 =	sadd.s32 $0x4, s0;
	s12 =	sadd.s32 $0x5, s0;
	s13 =	sadd.s32 $0x6, s0  }
0x386: {  	p2 =	slt.u32 s0, $0x48;
	s0 =	sadd.s32 $0x8, s0;
	v12 =	vshrl.u32 v12, $0x3;
	v34 =	vld [tilespmem:s1+$0xFFFFFFB0];
	v15 =	vmov s11;
	v35 =	vmov s12;
	s11 =	sadd.s32 $0x7, s10;
	[tilespmem:s4+$0xFFFFFF80] =	vst v30  }
0x387: {  	v30 =	vshrl.u32 v15, $0x3;
	v35 =	vshrl.u32 v35, $0x3;
	v15 =	vld [tilespmem:s1+$0x40];
	v36 =	vmov s11;
	[tilespmem:s4+$0xA0] =	vst v24  }
0x388: {  	v24 =	vshll.u32 v30, v1;
	v30 =	vshll.u32 v35, v1;
	v35 =	vld [tilespmem:s1+$0x50];
	v36 =	vshrl.u32 v36, $0x3;
	[tilespmem:s4+$0xFFFFFFE0] =	vst v29  }
0x389: {  	v12 =	vshll.u32 v12, v1;
	v29 =	vadd.s32 v30, v7;
	v30 =	vld [tilespmem:s1+$0x20];
	v36 =	vshll.u32 v36, v1;
	[tilespmem:s4+$0x90] =	vst v14  }
0x38a: {  	v12 =	vadd.s32 v12, v3;
	v37 =	vld [tilespmem:s1+$0x10];
	v29 =	vbroadcast v29, $0x0;
	v14 =	vadd.s32 v36, v9;
	[tilespmem:s4+$0xFFFFFF90] =	vst v28  }
0x38b: {  	v28 =	vbroadcast v12, $0x0;
	v12 =	vmov s13;
	v36 =	vld [tilespmem:s1+$0xFFFFFFD0];
	v14 =	vbroadcast v14, $0x0;
	[tilespmem:s4+$0x40] =	vst v22  }
0x38c: {  	v24 =	vadd.s32 v24, v6;
	v22 =	vshrl.u32 v31, $0x3;
	v12 =	vshrl.u32 v12, $0x3;
	v31 =	vld [tilespmem:s1+$0x0];
	[tilespmem:s4+$0x70] =	vst v25  }
0x38d: {  	v24 =	vbroadcast v24, $0x0;
	v22 =	vshll.u32 v22, v1;
	v25 =	vshll.u32 v12, v1;
	v12 =	vld [tilespmem:s1+$0x70];
	[tilespmem:s4+$0x50] =	vst v20  }
0x38e: {  	v20 =	vadd.s32 v22, v4;
	v22 =	vshrl.u32 v33, $0x3;
	v25 =	vadd.s32 v25, v8;
	v33 =	vld [tilespmem:s1+$0x30];
	[tilespmem:s4+$0x30] =	vst v16  }
0x38f: {  	v20 =	vbroadcast v20, $0x0;
	v22 =	vshll.u32 v22, v1;
	v25 =	vbroadcast v25, $0x0;
	v16 =	vld [tilespmem:s1+$0xFFFFFFA0];
	[tilespmem:s4+$0xFFFFFF30] =	vst v27  }
0x390: {  	v19 =	vmul.f32 v19, v10;
	v22 =	vadd.s32 v22, v5;
	v27 =	vunpack.i.u.bf16.f32 v32;
	v38 =	vld [tilespmem:s1+$0x60];
	[tilespmem:s4+$0xFFFFFFD0] =	vst v26  }
0x391: {  	v11 =	vmul.f32 v11, v10;
	v32 =	vunpack.i.l.bf16.f32 v32;
	v22 =	vbroadcast v22, $0x0;
	[tilespmem:s4+$0xFFFFFFF0] =	vst v23;
	v10 =	vld.idx.msk [tilespmem:v14+s30+$0x0], $0xffff  }
0x392: {  	v39 =	vunpack.i.l.bf16.f32 v30;
	v23 =	vld.idx.msk [tilespmem:v28+s30+$0x0], $0xffff;
	v28 =	vunpack.i.l.bf16.f32 v37;
	[tilespmem:s4+$0xFFFFFF00] =	vst v21  }
0x393: {  	v41 =	vunpack.i.l.bf16.f32 v35;
	v21 =	vld.idx.msk [tilespmem:v24+s30+$0x0], $0xffff;
	v40 =	vunpack.i.l.bf16.f32 v33;
	v24 =	vunpack.i.l.bf16.f32 v15;
	[tilespmem:s4+$0xE0] =	vst v19  }
0x394: {  	v26 =	vunpack.i.l.bf16.f32 v34;
	v42 =	vunpack.i.u.bf16.f32 v36;
	v19 =	vunpack.i.l.bf16.f32 v31;
	[tilespmem:s4+$0xF0] =	vst v11  }
0x395: {  	v14 =	vmov s10;
	v11 =	vunpack.i.u.bf16.f32 v12;
	v43 =	vld.idx.msk [tilespmem:v20+s30+$0x0], $0xffff;
	v20 =	vunpack.i.u.bf16.f32 v38;
	[tilespmem:s4+$0xFFFFFF20] =	vst v18  }
0x396: {  	v44 =	vunpack.i.l.bf16.f32 v16;
	v18 =	vshrl.u32 v14, $0x3;
	v14 =	vld.idx.msk [tilespmem:v25+s30+$0x0], $0xffff;
	v25 =	vunpack.i.l.bf16.f32 v38;
	[tilespmem:s4+$0xFFFFFF10] =	vst v17;
	s4 =	smov.u32 s9  }
0x397: {  	v17 =	vshll.u32 v18, v1;
	v38 =	vunpack.i.u.bf16.f32 v13;
	v18 =	vmul.f32 v25, v10  }
0x398: {  	v20 =	vmul.f32 v20, v10;
	v17 =	vadd.s32 v2, v17;
	v25 =	vmul.f32 v44, v23  }
0x399: {  	v16 =	vunpack.i.u.bf16.f32 v16;
	v17 =	vbroadcast v17, $0x0;
	v19 =	vmul.f32 v19, v21;
	v29 =	vld.idx.msk [tilespmem:v29+s30+$0x0], $0xffff;
	[tilespmem:s9+$0xC0] =	vst v18  }
0x39a: {  	v16 =	vmul.f32 v16, v23;
	v18 =	vunpack.i.u.bf16.f32 v34;
	v34 =	vmul.f32 v26, v23;
	v44 =	vld [tilespmem:s1+$0xFFFFFFE0];
	[tilespmem:s9+$0xD0] =	vst v20  }
0x39b: {  	v18 =	vmul.f32 v18, v23;
	v20 =	vunpack.i.l.bf16.f32 v36;
	[tilespmem:s9+$0xFFFFFF40] =	vst v25;
	v23 =	vld [tilespmem:s1+$0xFFFFFFC0];
	v25 =	vmul.f32 v42, v43  }
0x39c: {  	v36 =	vmul.f32 v24, v14;
	[tilespmem:s9+$0xFFFFFF50] =	vst v16;
	v16 =	vmul.f32 v20, v43;
	v26 =	vld.idx.msk [tilespmem:v22+s30+$0x0], $0xffff;
	v20 =	vunpack.i.u.bf16.f32 v35  }
0x39d: {  	v24 =	vmul.f32 v41, v14;
	v22 =	vunpack.i.u.bf16.f32 v31;
	[tilespmem:s9+$0xFFFFFFB0] =	vst v25;
	v35 =	vmul.f32 v20, v14  }
0x39e: {  	v28 =	vmul.f32 v28, v21;
	v20 =	vunpack.i.u.bf16.f32 v37;
	v41 =	vld [tilespmem:s1+$0xFFFFFF90];
	[tilespmem:s9+$0xFFFFFF60] =	vst v34;
	v34 =	vmul.f32 v22, v21  }
0x39f: {  	v22 =	vmul.f32 v39, v29;
	v37 =	vld.idx.msk [tilespmem:v17+s30+$0x0], $0xffff;
	[tilespmem:s9+$0xFFFFFFA0] =	vst v16;
	v16 =	vmul.f32 v20, v21;
	v17 =	vunpack.i.u.bf16.f32 v30  }
0x3a0: {  	v21 =	vmul.f32 v40, v29;
	v20 =	vmul.f32 v17, v29;
	v17 =	vunpack.i.u.bf16.f32 v33;
	[tilespmem:s9+$0x80] =	vst v36  }
0x3a1: {  	v33 =	vunpack.i.l.bf16.f32 v44;
	[tilespmem:s9+$0xFFFFFF70] =	vst v18;
	v18 =	vunpack.i.l.bf16.f32 v23;
	v25 =	vmul.f32 v17, v29  }
.Ltmp7:
0x3a2: {  	v31 =	vunpack.i.u.bf16.f32 v44;
	v33 =	vmul.f32 v33, v26;
	v30 =	vmul.f32 v18, v43;
	[tilespmem:s9+$0x20] =	vst v28;
	(pc) =	sbr.rel @p2 .LBB2_13-.Ltmp7, $4  }
0x3a3: {  	v29 =	vmul.f32 v32, v26;
	v18 =	vunpack.i.u.bf16.f32 v23;
	v17 =	vunpack.i.l.bf16.f32 v41;
	[tilespmem:s9+$0x10] =	vst v34  }
0x3a4: {  	v13 =	vunpack.i.l.bf16.f32 v13;
	v23 =	vmul.f32 v27, v26;
	v28 =	vmul.f32 v18, v43;
	[tilespmem:s9+$0x60] =	vst v21  }
0x3a5: {  	v21 =	vmul.f32 v13, v37;
	v13 =	vunpack.i.u.bf16.f32 v41;
	v18 =	vmul.f32 v17, v37;
	[tilespmem:s9+$0xB0] =	vst v35  }
0x3a6: {  	s1 =	sadd.s32 $0x100, s1;
	v17 =	vmul.f32 v38, v37;
	v27 =	vmul.f32 v13, v37;
	v13 =	vunpack.i.u.bf16.f32 v15;
	s9 =	sadd.s32 $0x200, s9;
	[tilespmem:s4+$0xFFFFFFC0] =	vst v33  }
0x3a7: {  	[tilespmem:s4+$0x0] =	vst v19  }
0x3a8: {  	[tilespmem:s4+$0xFFFFFF80] =	vst v30  }
0x3a9: {  	[tilespmem:s4+$0xA0] =	vst v24  }
0x3aa: {  	[tilespmem:s4+$0xFFFFFFE0] =	vst v29  }
0x3ab: {  	[tilespmem:s4+$0xFFFFFF90] =	vst v28  }
0x3ac: {  	[tilespmem:s4+$0x40] =	vst v22  }
0x3ad: {  	[tilespmem:s4+$0x70] =	vst v25  }
0x3ae: {  	[tilespmem:s4+$0x50] =	vst v20  }
0x3af: {  	[tilespmem:s4+$0x30] =	vst v16  }
0x3b0: {  	[tilespmem:s4+$0xFFFFFFF0] =	vst v23  }
0x3b1: {  	v2 =	vmul.f32 v13, v14;
	[tilespmem:s4+$0xFFFFFF00] =	vst v21  }
0x3b2: {  	[tilespmem:s4+$0xFFFFFF20] =	vst v18  }
0x3b3: {  	[tilespmem:s4+$0x90] =	vst v2;
	v2 =	vmul.f32 v31, v26  }
0x3b4: {  	v3 =	vunpack.i.l.bf16.f32 v12;
	[tilespmem:s4+$0xFFFFFF30] =	vst v27  }
.Ltmp8:
0x3b5: {  	[tilespmem:s4+$0xFFFFFFD0] =	vst v2;
	v2 =	vmul.f32 v3, v10;
	(pc) =	sbr.rel @p1 .LBB2_16-.Ltmp8, $4  }
0x3b6: {  	s0 =	smul.u32 $0x140, s3;
	[tilespmem:s4+$0xFFFFFF10] =	vst v17;
	v3 =	vmul.f32 v11, v10  }
0x3b7: {  	[tilespmem:s4+$0xE0] =	vst v2  }
0x3b8: {  	s1 =	simm.s32 $0x1CCA0;
	s0 =	sshra.s32 s0, $0x2;
	[tilespmem:s4+$0xF0] =	vst v3  }
0x3b9: {  	[spmem:s2] =	stream.indirect.scatter.add.f32 [tilespmem:s1], [sflag:$0x7], $0x40, s0, s19, $0xb8;
	[tilespmem:$0x1F4A0] =	vst v63  }
.Ltmp9:
0x3ba: {  	(pc) =	sbr.rel .LBB2_4-.Ltmp9, $3  }
0x3bb: {  	_ =	sdelay $0x1  }
0x3bc: {  	s0 =	sadd.s32 $0x50F0, s8;
	s7 =	sadd.s32 $0x1, s7  }
0x3bd: {  	[tilespmem:s20], [sflag:$0x5] =	stream.indirect.gather [hbm4b:s5+s19], $0x20, s0, s19, $0xb8;
	[tilespmem:$0x1F4A0] =	vst v63  }
.LBB2_17:
0x3be: {  	_ =	sfence.sel $0x180000  }
0x3bf: {  	[bflag:$0x0] =	sbarrier.arrive $0xFFFF  }
0x3c0: {  	_ =	strace $0x90000047  }
0x3c1: {  	s0 =	stileid.u32;
	[bflag:$0x2] =	sbarrier.arrive $0xFFFF  }
0x3c2: {  	p0 =	sne.s32 s0, $0x0;
	s0 =	rddreg [dreg:$0x4]  }
0x3c3: {  	s0 =	sadd.s32 @!p0 $0x100000, s0  }
0x3c4: {  	[sflag:s0] =	ssyncadd.tile.s32 @!p0 $0x1;
	_ =	shalt  }
.Lfunc_end2:
_tile_overlayer_lowered:
.L_overlay_start_2:
0x3c5: {  	(tag) =	ssettag $0x2  }
0x3c6: {  	s0 =	rddreg [dreg:$0x0];
	s2 =	stileid.u32  }
0x3c7: {  	s1 =	rddreg [dreg:$0x1];
	p0 =	sne.s32 s2, $0x0  }
0x3c8: {  	s3 =	rddreg [dreg:$0x2];
	[bflag:$0x3] =	sbarrier.arrive $0xFFFF;
	s2 =	simm.s32 @!p0 $0x1C09  }
0x3c9: {  	[timem:s3], [sflag:s2] =	dma.local @!p0 [hbm:s0], s1  }
0x3ca: {  	s0 =	simm.s32 @!p0 $0x9  }
0x3cb: {  	_ =	swait.ge @!p0 [sflag:s0], s1  }
0x3cc: {  	s1 =	ssub.s32 @!p0 $0x0, s1;
	[sflag:s0] =	ssyncset.done @!p0 $0x0  }
0x3cd: {  	[sflag:s0] =	ssyncadd.s32 @!p0 s1  }
0x3ce: {  	[bflag:$0x3] =	sbarrier.arrive $0xFFFF  }
0x3cf: {  	_ =	shalt  }

</sc_bundles>
